<compile_context>
chip_gen: v7x
topology: tpu7x:2x2x1
jax: 0.10.2.dev20260603
libtpu: 0.0.44.dev20260713+nightly
codegen_flags: <defaults>
</compile_context>

<pallas_src>
import functools

import numpy as np
import jax
import jax.numpy as jnp
from jax import lax
from jax.experimental import pallas as pl
from jax.experimental.pallas import tpu as pltpu
from jax.experimental.pallas import tpu_sc as plsc

_B, _C, _T, _H, _W = 4, 3, 32, 224, 224
_K = 8
_NBC = _B * _C
_G = _K
_P = _NBC * _G


def _sorted_inds() -> np.ndarray:
    idx_top = np.linspace(0, _T, _K + 1).astype(np.int32)[:-1]
    idx_back = np.array(sorted(set(range(_T)) - set(idx_top.tolist())),
                        dtype=np.int32)
    return np.tile(np.concatenate([idx_top, idx_back])[None, :], (_B, 1))


_SORTED_INDS = _sorted_inds()


_NW = 32
_TPW = _P // _NW


def _sc_top(x6):
    mesh = plsc.VectorSubcoreMesh(core_axis_name="c", subcore_axis_name="s")

    @functools.partial(
        pl.kernel,
        mesh=mesh,
        out_type=[jax.ShapeDtypeStruct((_NBC, _G, 1, _H, _W), jnp.float32)],
        scratch_types=[
            pltpu.VMEM((2, 1, 1, _H, _W), jnp.float32),
            pltpu.SemaphoreType.DMA,
            pltpu.SemaphoreType.DMA,
            pltpu.SemaphoreType.DMA,
            pltpu.SemaphoreType.DMA,
        ],
    )
    def body(x_hbm, top_hbm, buf, sin0, sin1, sout0, sout1):
        wid = lax.axis_index("s") * 2 + lax.axis_index("c")
        sin = (sin0, sin1)
        sout = (sout0, sout1)

        def copy_in(n):
            i = wid * _TPW + n
            bc = i // _G
            g = i % _G
            return pltpu.make_async_copy(
                x_hbm.at[pl.ds(bc, 1), pl.ds(g, 1), pl.ds(0, 1)],
                buf.at[pl.ds(n % 2, 1)], sin[n % 2])

        def copy_out(n):
            i = wid * _TPW + n
            bc = i // _G
            g = i % _G
            return pltpu.make_async_copy(
                buf.at[pl.ds(n % 2, 1)],
                top_hbm.at[pl.ds(bc, 1), pl.ds(g, 1), pl.ds(0, 1)],
                sout[n % 2])

        copy_in(0).start()
        copy_in(1).start()
        for n in range(_TPW):
            copy_in(n).wait()
            copy_out(n).start()
            if n + 2 < _TPW:
                copy_out(n).wait()
                copy_in(n + 2).start()
        copy_out(_TPW - 2).wait()
        copy_out(_TPW - 1).wait()

    (top,) = body(x6)
    return top



_NRING = 12
_HG = _G // 2
_NCH = _NBC * 2


def _tc_back_body(x_ref, back_ref, buf, sin, sout):
    def copy_in(n):
        bc, h = n // 2, n % 2
        return pltpu.make_async_copy(
            x_ref.at[pl.ds(bc, 1), pl.ds(h * _HG, _HG), pl.ds(1, 3)],
            buf.at[n % _NRING], sin.at[n % _NRING])

    def copy_out(n):
        bc, h = n // 2, n % 2
        return pltpu.make_async_copy(
            buf.at[n % _NRING],
            back_ref.at[pl.ds(bc, 1), pl.ds(h * _HG, _HG)],
            sout.at[n % _NRING])

    for n in range(_NRING):
        copy_in(n).start()
    for n in range(_NCH):
        copy_in(n).wait()
        copy_out(n).start()
        if n + _NRING < _NCH:
            copy_out(n).wait()
            copy_in(n + _NRING).start()
    for n in range(_NCH - _NRING, _NCH):
        copy_out(n).wait()


def _tc_back(x6):
    return pl.pallas_call(
        _tc_back_body,
        in_specs=[pl.BlockSpec(memory_space=pl.ANY)],
        out_specs=pl.BlockSpec(memory_space=pl.ANY),
        out_shape=jax.ShapeDtypeStruct((_NBC, _G, 3, _H, _W), jnp.float32),
        scratch_shapes=[
            pltpu.VMEM((_NRING, 1, _HG, 3, _H, _W), jnp.float32),
            pltpu.SemaphoreType.DMA((_NRING,)),
            pltpu.SemaphoreType.DMA((_NRING,)),
        ],
    )(x6)


@jax.jit
def _permute(x6):
    return _sc_top(x6), _tc_back(x6)


def kernel(frames):
    x6 = frames.reshape(_NBC, _G, 4, _H, _W)
    top, back = _permute(x6)
    frames_topk = top.reshape(_B, _C, _K, _H, _W)
    frames_back = back.reshape(_B, _C, _T - _K, _H, _W)
    return frames_topk, frames_back, jnp.asarray(_SORTED_INDS)

# --- scband reference (transcript-rebuilt; emitter-appended) ---
"""Pipeline reference for scband-uniform-sample-73297911873657 (READ-ONLY COPY).

The authoritative reference and input builder live on the scoring server;
editing this copy changes nothing except your own understanding.
"""

import jax, jax.numpy as jnp
import numpy as np

K = 8
T = 32

def _uniform_indices():
    idx_top = np.linspace(0, T, K + 1).astype(np.int32)[:-1]
    idx_back = np.array(sorted(set(range(T)) - set(idx_top.tolist())), dtype=np.int32)
    return idx_top, idx_back

def setup_inputs(seed: int = 0) -> dict:
    key = jax.random.key(seed)
    frames = jax.random.normal(key, (4, 3, 32, 224, 224), dtype=jnp.float32)
    return {"frames": frames}

def reference(frames):
    B, C, Tt, H, W = frames.shape
    idx_top_np, idx_back_np = _uniform_indices()
    idx_top = jnp.asarray(idx_top_np, dtype=jnp.int32)
    idx_back = jnp.asarray(idx_back_np, dtype=jnp.int32)
    # rearrange 'b c t h w -> b t (h w c)'
    x = jnp.transpose(frames, (0, 2, 3, 4, 1)).reshape(B, Tt, H * W * C)
    # batched_index_select along dim=1 (indices identical across batch)
    top = jnp.take(x, idx_top, axis=1)
    back = jnp.take(x, idx_back, axis=1)
    # rearrange 'b k (h w c) -> b c k h w'
    frames_topk = jnp.transpose(top.reshape(B, K, H, W, C), (0, 4, 1, 2, 3))
    frames_back = jnp.transpose(back.reshape(B, Tt - K, H, W, C), (0, 4, 1, 2, 3))
    sorted_inds = jnp.concatenate([
        jnp.tile(idx_top[None, :], (B, 1)),
        jnp.tile(idx_back[None, :], (B, 1)),
    ], axis=-1)
    return frames_topk, frames_back, sorted_inds

if __name__ == "__main__":
    import jax
    _d = setup_inputs()
    print(jax.jit(kernel)(*tuple(_d.values())))

</pallas_src>

<mosaic_0001>
#map = affine_map<(d0, d1) -> (0, 0, 0, 0, 0)>
module attributes {stable_mosaic.version = 14 : i64} {
  func.func @body(%arg0: i32, %arg1: i32, %arg2: memref<12x8x4x224x224xf32, #tpu.memory_space<hbm>>, %arg3: memref<12x8x1x224x224xf32, #tpu.memory_space<hbm>>, %arg4: memref<2x1x1x224x224xf32, #tpu.memory_space<vmem>>, %arg5: memref<!tpu.dma_semaphore, #tpu.memory_space<semaphore_mem>>, %arg6: memref<!tpu.dma_semaphore, #tpu.memory_space<semaphore_mem>>, %arg7: memref<!tpu.dma_semaphore, #tpu.memory_space<semaphore_mem>>, %arg8: memref<!tpu.dma_semaphore, #tpu.memory_space<semaphore_mem>>) attributes {dimension_semantics = [#tpu.dimension_semantics<core_parallel>, #tpu.dimension_semantics<subcore_parallel>], iteration_bounds = array<i64: 2, 16>, scalar_prefetch = 0 : i64, scratch_operands = 5 : i64, tpu.core_type = #tpu.core_type<sc_vector_subcore>, window_params = [{transform_indices = #map}, {transform_indices = #map}]} {
    %mul3A = arith.constant 2 : i32
    %mul3A_0 = arith.muli %arg1, %mul3A : i32
    %add3A = arith.addi %mul3A_0, %arg0 : i32
    %mul3A_1 = arith.constant 3 : i32
    %mul3A_2 = arith.muli %add3A, %mul3A_1 : i32
    %add3A_3 = arith.constant 0 : i32
    %add3A_4 = arith.addi %mul3A_2, %add3A_3 : i32
    %jit3A = arith.constant 8 : i32
    %div3A = arith.divsi %add3A_4, %jit3A : i32
    %sign3A = arith.constant 0 : i32
    %sign3A_5 = arith.cmpi sgt, %add3A_4, %sign3A : i32
    %sign3A_6 = arith.extui %sign3A_5 : i1 to i32
    %sign3A_7 = arith.constant 0 : i32
    %sign3A_8 = arith.cmpi slt, %add3A_4, %sign3A_7 : i32
    %sign3A_9 = arith.extui %sign3A_8 : i1 to i32
    %sign3A_10 = arith.subi %sign3A_6, %sign3A_9 : i32
    %sign3A_11 = arith.constant 0 : i32
    %sign3A_12 = arith.cmpi sgt, %jit3A, %sign3A_11 : i32
    %sign3A_13 = arith.extui %sign3A_12 : i1 to i32
    %sign3A_14 = arith.constant 0 : i32
    %sign3A_15 = arith.cmpi slt, %jit3A, %sign3A_14 : i32
    %sign3A_16 = arith.extui %sign3A_15 : i1 to i32
    %sign3A_17 = arith.subi %sign3A_13, %sign3A_16 : i32
    %ne3A = arith.cmpi ne, %sign3A_10, %sign3A_17 : i32
    %rem3A = arith.remsi %add3A_4, %jit3A : i32
    %ne3A_18 = arith.constant 0 : i32
    %ne3A_19 = arith.cmpi ne, %rem3A, %ne3A_18 : i32
    %and3A = arith.andi %ne3A, %ne3A_19 : i1
    %sub3A = arith.constant 1 : i32
    %sub3A_20 = arith.subi %div3A, %sub3A : i32
    %select_n3A = arith.select %and3A, %sub3A_20, %div3A : i32
    %jit3A_21 = arith.constant 8 : i32
    %eq3A = arith.constant 0 : i32
    %eq3A_22 = arith.cmpi eq, %jit3A_21, %eq3A : i32
    %jit3A_23 = arith.constant 1 : i32
    %select_n3A_24 = arith.select %eq3A_22, %jit3A_23, %jit3A_21 : i32
    %rem3A_25 = arith.remsi %add3A_4, %select_n3A_24 : i32
    %ne3A_26 = arith.constant 0 : i32
    %ne3A_27 = arith.cmpi ne, %rem3A_25, %ne3A_26 : i32
    %lt3A = arith.constant 0 : i32
    %lt3A_28 = arith.cmpi slt, %rem3A_25, %lt3A : i32
    %lt3A_29 = arith.constant 0 : i32
    %lt3A_30 = arith.cmpi slt, %select_n3A_24, %lt3A_29 : i32
    %ne3A_31 = arith.xori %lt3A_28, %lt3A_30 : i1
    %and3A_32 = arith.andi %ne3A_31, %ne3A_27 : i1
    %add3A_33 = arith.addi %rem3A_25, %select_n3A_24 : i32
    %select_n3A_34 = arith.select %and3A_32, %add3A_33, %rem3A_25 : i32
    %dma_start3A = arith.constant 0 : i32
    %dma_start3A_35 = arith.constant 0 : i32
    %dma_start3A_36 = arith.constant 0 : i32
    %dma_start3A_37 = arith.constant 0 : i32
    %dma_start3A_38 = arith.constant 0 : i32
    %dma_start3A_39 = tpu.memref_slice %arg4[%dma_start3A, %dma_start3A_35, %dma_start3A_36, %dma_start3A_37, %dma_start3A_38] : memref<2x1x1x224x224xf32, #tpu.memory_space<vmem>> -> memref<1x1x1x224x224xf32, #tpu.memory_space<vmem>>
    %dma_start3A_40 = arith.constant 0 : i32
    %dma_start3A_41 = arith.constant 0 : i32
    %dma_start3A_42 = arith.constant 0 : i32
    %dma_start3A_43 = tpu.memref_slice %arg2[%select_n3A, %select_n3A_34, %dma_start3A_40, %dma_start3A_41, %dma_start3A_42] : memref<12x8x4x224x224xf32, #tpu.memory_space<hbm>> -> memref<1x1x1x224x224xf32, #tpu.memory_space<hbm>>
    %dma_start3A_44 = arith.constant 0 : i32
    %dma_start3A_45 = arith.constant 0 : i32
    %dma_start3A_46 = arith.constant 0 : i32
    %dma_start3A_47 = arith.constant 0 : i32
    %dma_start3A_48 = arith.constant 0 : i32
    %dma_start3A_49 = tpu.memref_slice %arg4[%dma_start3A_44, %dma_start3A_45, %dma_start3A_46, %dma_start3A_47, %dma_start3A_48] : memref<2x1x1x224x224xf32, #tpu.memory_space<vmem>> -> memref<1x1x1x224x224xf32, #tpu.memory_space<vmem>>
    %dma_start3A_50 = arith.constant 0 : i32
    %dma_start3A_51 = arith.constant 0 : i32
    %dma_start3A_52 = arith.constant 0 : i32
    %dma_start3A_53 = tpu.memref_slice %arg2[%select_n3A, %select_n3A_34, %dma_start3A_50, %dma_start3A_51, %dma_start3A_52] : memref<12x8x4x224x224xf32, #tpu.memory_space<hbm>> -> memref<1x1x1x224x224xf32, #tpu.memory_space<hbm>>
    tpu.enqueue_dma source(%dma_start3A_53 : memref<1x1x1x224x224xf32, #tpu.memory_space<hbm>>) target(%dma_start3A_49 : memref<1x1x1x224x224xf32, #tpu.memory_space<vmem>>) target_semaphore(%arg5 : memref<!tpu.dma_semaphore, #tpu.memory_space<semaphore_mem>>)
    %mul3A_54 = arith.constant 3 : i32
    %mul3A_55 = arith.muli %add3A, %mul3A_54 : i32
    %add3A_56 = arith.constant 1 : i32
    %add3A_57 = arith.addi %mul3A_55, %add3A_56 : i32
    %jit3A_58 = arith.constant 8 : i32
    %div3A_59 = arith.divsi %add3A_57, %jit3A_58 : i32
    %sign3A_60 = arith.constant 0 : i32
    %sign3A_61 = arith.cmpi sgt, %add3A_57, %sign3A_60 : i32
    %sign3A_62 = arith.extui %sign3A_61 : i1 to i32
    %sign3A_63 = arith.constant 0 : i32
    %sign3A_64 = arith.cmpi slt, %add3A_57, %sign3A_63 : i32
    %sign3A_65 = arith.extui %sign3A_64 : i1 to i32
    %sign3A_66 = arith.subi %sign3A_62, %sign3A_65 : i32
    %sign3A_67 = arith.constant 0 : i32
    %sign3A_68 = arith.cmpi sgt, %jit3A_58, %sign3A_67 : i32
    %sign3A_69 = arith.extui %sign3A_68 : i1 to i32
    %sign3A_70 = arith.constant 0 : i32
    %sign3A_71 = arith.cmpi slt, %jit3A_58, %sign3A_70 : i32
    %sign3A_72 = arith.extui %sign3A_71 : i1 to i32
    %sign3A_73 = arith.subi %sign3A_69, %sign3A_72 : i32
    %ne3A_74 = arith.cmpi ne, %sign3A_66, %sign3A_73 : i32
    %rem3A_75 = arith.remsi %add3A_57, %jit3A_58 : i32
    %ne3A_76 = arith.constant 0 : i32
    %ne3A_77 = arith.cmpi ne, %rem3A_75, %ne3A_76 : i32
    %and3A_78 = arith.andi %ne3A_74, %ne3A_77 : i1
    %sub3A_79 = arith.constant 1 : i32
    %sub3A_80 = arith.subi %div3A_59, %sub3A_79 : i32
    %select_n3A_81 = arith.select %and3A_78, %sub3A_80, %div3A_59 : i32
    %jit3A_82 = arith.constant 8 : i32
    %eq3A_83 = arith.constant 0 : i32
    %eq3A_84 = arith.cmpi eq, %jit3A_82, %eq3A_83 : i32
    %jit3A_85 = arith.constant 1 : i32
    %select_n3A_86 = arith.select %eq3A_84, %jit3A_85, %jit3A_82 : i32
    %rem3A_87 = arith.remsi %add3A_57, %select_n3A_86 : i32
    %ne3A_88 = arith.constant 0 : i32
    %ne3A_89 = arith.cmpi ne, %rem3A_87, %ne3A_88 : i32
    %lt3A_90 = arith.constant 0 : i32
    %lt3A_91 = arith.cmpi slt, %rem3A_87, %lt3A_90 : i32
    %lt3A_92 = arith.constant 0 : i32
    %lt3A_93 = arith.cmpi slt, %select_n3A_86, %lt3A_92 : i32
    %ne3A_94 = arith.xori %lt3A_91, %lt3A_93 : i1
    %and3A_95 = arith.andi %ne3A_94, %ne3A_89 : i1
    %add3A_96 = arith.addi %rem3A_87, %select_n3A_86 : i32
    %select_n3A_97 = arith.select %and3A_95, %add3A_96, %rem3A_87 : i32
    %dma_start3A_98 = arith.constant 1 : i32
    %dma_start3A_99 = arith.constant 0 : i32
    %dma_start3A_100 = arith.constant 0 : i32
    %dma_start3A_101 = arith.constant 0 : i32
    %dma_start3A_102 = arith.constant 0 : i32
    %dma_start3A_103 = tpu.memref_slice %arg4[%dma_start3A_98, %dma_start3A_99, %dma_start3A_100, %dma_start3A_101, %dma_start3A_102] : memref<2x1x1x224x224xf32, #tpu.memory_space<vmem>> -> memref<1x1x1x224x224xf32, #tpu.memory_space<vmem>>
    %dma_start3A_104 = arith.constant 0 : i32
    %dma_start3A_105 = arith.constant 0 : i32
    %dma_start3A_106 = arith.constant 0 : i32
    %dma_start3A_107 = tpu.memref_slice %arg2[%select_n3A_81, %select_n3A_97, %dma_start3A_104, %dma_start3A_105, %dma_start3A_106] : memref<12x8x4x224x224xf32, #tpu.memory_space<hbm>> -> memref<1x1x1x224x224xf32, #tpu.memory_space<hbm>>
    %dma_start3A_108 = arith.constant 1 : i32
    %dma_start3A_109 = arith.constant 0 : i32
    %dma_start3A_110 = arith.constant 0 : i32
    %dma_start3A_111 = arith.constant 0 : i32
    %dma_start3A_112 = arith.constant 0 : i32
    %dma_start3A_113 = tpu.memref_slice %arg4[%dma_start3A_108, %dma_start3A_109, %dma_start3A_110, %dma_start3A_111, %dma_start3A_112] : memref<2x1x1x224x224xf32, #tpu.memory_space<vmem>> -> memref<1x1x1x224x224xf32, #tpu.memory_space<vmem>>
    %dma_start3A_114 = arith.constant 0 : i32
    %dma_start3A_115 = arith.constant 0 : i32
    %dma_start3A_116 = arith.constant 0 : i32
    %dma_start3A_117 = tpu.memref_slice %arg2[%select_n3A_81, %select_n3A_97, %dma_start3A_114, %dma_start3A_115, %dma_start3A_116] : memref<12x8x4x224x224xf32, #tpu.memory_space<hbm>> -> memref<1x1x1x224x224xf32, #tpu.memory_space<hbm>>
    tpu.enqueue_dma source(%dma_start3A_117 : memref<1x1x1x224x224xf32, #tpu.memory_space<hbm>>) target(%dma_start3A_113 : memref<1x1x1x224x224xf32, #tpu.memory_space<vmem>>) target_semaphore(%arg6 : memref<!tpu.dma_semaphore, #tpu.memory_space<semaphore_mem>>)
    %mul3A_118 = arith.constant 3 : i32
    %mul3A_119 = arith.muli %add3A, %mul3A_118 : i32
    %add3A_120 = arith.constant 0 : i32
    %add3A_121 = arith.addi %mul3A_119, %add3A_120 : i32
    %jit3A_122 = arith.constant 8 : i32
    %div3A_123 = arith.divsi %add3A_121, %jit3A_122 : i32
    %sign3A_124 = arith.constant 0 : i32
    %sign3A_125 = arith.cmpi sgt, %add3A_121, %sign3A_124 : i32
    %sign3A_126 = arith.extui %sign3A_125 : i1 to i32
    %sign3A_127 = arith.constant 0 : i32
    %sign3A_128 = arith.cmpi slt, %add3A_121, %sign3A_127 : i32
    %sign3A_129 = arith.extui %sign3A_128 : i1 to i32
    %sign3A_130 = arith.subi %sign3A_126, %sign3A_129 : i32
    %sign3A_131 = arith.constant 0 : i32
    %sign3A_132 = arith.cmpi sgt, %jit3A_122, %sign3A_131 : i32
    %sign3A_133 = arith.extui %sign3A_132 : i1 to i32
    %sign3A_134 = arith.constant 0 : i32
    %sign3A_135 = arith.cmpi slt, %jit3A_122, %sign3A_134 : i32
    %sign3A_136 = arith.extui %sign3A_135 : i1 to i32
    %sign3A_137 = arith.subi %sign3A_133, %sign3A_136 : i32
    %ne3A_138 = arith.cmpi ne, %sign3A_130, %sign3A_137 : i32
    %rem3A_139 = arith.remsi %add3A_121, %jit3A_122 : i32
    %ne3A_140 = arith.constant 0 : i32
    %ne3A_141 = arith.cmpi ne, %rem3A_139, %ne3A_140 : i32
    %and3A_142 = arith.andi %ne3A_138, %ne3A_141 : i1
    %sub3A_143 = arith.constant 1 : i32
    %sub3A_144 = arith.subi %div3A_123, %sub3A_143 : i32
    %select_n3A_145 = arith.select %and3A_142, %sub3A_144, %div3A_123 : i32
    %jit3A_146 = arith.constant 8 : i32
    %eq3A_147 = arith.constant 0 : i32
    %eq3A_148 = arith.cmpi eq, %jit3A_146, %eq3A_147 : i32
    %jit3A_149 = arith.constant 1 : i32
    %select_n3A_150 = arith.select %eq3A_148, %jit3A_149, %jit3A_146 : i32
    %rem3A_151 = arith.remsi %add3A_121, %select_n3A_150 : i32
    %ne3A_152 = arith.constant 0 : i32
    %ne3A_153 = arith.cmpi ne, %rem3A_151, %ne3A_152 : i32
    %lt3A_154 = arith.constant 0 : i32
    %lt3A_155 = arith.cmpi slt, %rem3A_151, %lt3A_154 : i32
    %lt3A_156 = arith.constant 0 : i32
    %lt3A_157 = arith.cmpi slt, %select_n3A_150, %lt3A_156 : i32
    %ne3A_158 = arith.xori %lt3A_155, %lt3A_157 : i1
    %and3A_159 = arith.andi %ne3A_158, %ne3A_153 : i1
    %add3A_160 = arith.addi %rem3A_151, %select_n3A_150 : i32
    %select_n3A_161 = arith.select %and3A_159, %add3A_160, %rem3A_151 : i32
    %dma_wait3A = arith.constant 0 : i32
    %dma_wait3A_162 = arith.constant 0 : i32
    %dma_wait3A_163 = arith.constant 0 : i32
    %dma_wait3A_164 = arith.constant 0 : i32
    %dma_wait3A_165 = arith.constant 0 : i32
    %dma_wait3A_166 = tpu.memref_slice %arg4[%dma_wait3A, %dma_wait3A_162, %dma_wait3A_163, %dma_wait3A_164, %dma_wait3A_165] : memref<2x1x1x224x224xf32, #tpu.memory_space<vmem>> -> memref<1x1x1x224x224xf32, #tpu.memory_space<vmem>>
    %dma_wait3A_167 = arith.constant 0 : i32
    %dma_wait3A_168 = arith.constant 0 : i32
    %dma_wait3A_169 = arith.constant 0 : i32
    %dma_wait3A_170 = tpu.memref_slice %arg2[%select_n3A_145, %select_n3A_161, %dma_wait3A_167, %dma_wait3A_168, %dma_wait3A_169] : memref<12x8x4x224x224xf32, #tpu.memory_space<hbm>> -> memref<1x1x1x224x224xf32, #tpu.memory_space<hbm>>
    %dma_wait3A_171 = arith.constant 0 : i32
    %dma_wait3A_172 = arith.constant 0 : i32
    %dma_wait3A_173 = arith.constant 0 : i32
    %dma_wait3A_174 = arith.constant 0 : i32
    %dma_wait3A_175 = arith.constant 0 : i32
    %dma_wait3A_176 = tpu.memref_slice %arg4[%dma_wait3A_171, %dma_wait3A_172, %dma_wait3A_173, %dma_wait3A_174, %dma_wait3A_175] : memref<2x1x1x224x224xf32, #tpu.memory_space<vmem>> -> memref<1x1x1x224x224xf32, #tpu.memory_space<vmem>>
    %dma_wait3A_177 = arith.constant 0 : i32
    %dma_wait3A_178 = arith.constant 0 : i32
    %dma_wait3A_179 = arith.constant 0 : i32
    %dma_wait3A_180 = tpu.memref_slice %arg2[%select_n3A_145, %select_n3A_161, %dma_wait3A_177, %dma_wait3A_178, %dma_wait3A_179] : memref<12x8x4x224x224xf32, #tpu.memory_space<hbm>> -> memref<1x1x1x224x224xf32, #tpu.memory_space<hbm>>
    tpu.wait_dma2 semaphore(%arg5 : memref<!tpu.dma_semaphore, #tpu.memory_space<semaphore_mem>>) src(%dma_wait3A_180 : memref<1x1x1x224x224xf32, #tpu.memory_space<hbm>>) dst(%dma_wait3A_176 : memref<1x1x1x224x224xf32, #tpu.memory_space<vmem>>)
    %mul3A_181 = arith.constant 3 : i32
    %mul3A_182 = arith.muli %add3A, %mul3A_181 : i32
    %add3A_183 = arith.constant 0 : i32
    %add3A_184 = arith.addi %mul3A_182, %add3A_183 : i32
    %jit3A_185 = arith.constant 8 : i32
    %div3A_186 = arith.divsi %add3A_184, %jit3A_185 : i32
    %sign3A_187 = arith.constant 0 : i32
    %sign3A_188 = arith.cmpi sgt, %add3A_184, %sign3A_187 : i32
    %sign3A_189 = arith.extui %sign3A_188 : i1 to i32
    %sign3A_190 = arith.constant 0 : i32
    %sign3A_191 = arith.cmpi slt, %add3A_184, %sign3A_190 : i32
    %sign3A_192 = arith.extui %sign3A_191 : i1 to i32
    %sign3A_193 = arith.subi %sign3A_189, %sign3A_192 : i32
    %sign3A_194 = arith.constant 0 : i32
    %sign3A_195 = arith.cmpi sgt, %jit3A_185, %sign3A_194 : i32
    %sign3A_196 = arith.extui %sign3A_195 : i1 to i32
    %sign3A_197 = arith.constant 0 : i32
    %sign3A_198 = arith.cmpi slt, %jit3A_185, %sign3A_197 : i32
    %sign3A_199 = arith.extui %sign3A_198 : i1 to i32
    %sign3A_200 = arith.subi %sign3A_196, %sign3A_199 : i32
    %ne3A_201 = arith.cmpi ne, %sign3A_193, %sign3A_200 : i32
    %rem3A_202 = arith.remsi %add3A_184, %jit3A_185 : i32
    %ne3A_203 = arith.constant 0 : i32
    %ne3A_204 = arith.cmpi ne, %rem3A_202, %ne3A_203 : i32
    %and3A_205 = arith.andi %ne3A_201, %ne3A_204 : i1
    %sub3A_206 = arith.constant 1 : i32
    %sub3A_207 = arith.subi %div3A_186, %sub3A_206 : i32
    %select_n3A_208 = arith.select %and3A_205, %sub3A_207, %div3A_186 : i32
    %jit3A_209 = arith.constant 8 : i32
    %eq3A_210 = arith.constant 0 : i32
    %eq3A_211 = arith.cmpi eq, %jit3A_209, %eq3A_210 : i32
    %jit3A_212 = arith.constant 1 : i32
    %select_n3A_213 = arith.select %eq3A_211, %jit3A_212, %jit3A_209 : i32
    %rem3A_214 = arith.remsi %add3A_184, %select_n3A_213 : i32
    %ne3A_215 = arith.constant 0 : i32
    %ne3A_216 = arith.cmpi ne, %rem3A_214, %ne3A_215 : i32
    %lt3A_217 = arith.constant 0 : i32
    %lt3A_218 = arith.cmpi slt, %rem3A_214, %lt3A_217 : i32
    %lt3A_219 = arith.constant 0 : i32
    %lt3A_220 = arith.cmpi slt, %select_n3A_213, %lt3A_219 : i32
    %ne3A_221 = arith.xori %lt3A_218, %lt3A_220 : i1
    %and3A_222 = arith.andi %ne3A_221, %ne3A_216 : i1
    %add3A_223 = arith.addi %rem3A_214, %select_n3A_213 : i32
    %select_n3A_224 = arith.select %and3A_222, %add3A_223, %rem3A_214 : i32
    %dma_start3A_225 = arith.constant 0 : i32
    %dma_start3A_226 = arith.constant 0 : i32
    %dma_start3A_227 = arith.constant 0 : i32
    %dma_start3A_228 = arith.constant 0 : i32
    %dma_start3A_229 = arith.constant 0 : i32
    %dma_start3A_230 = tpu.memref_slice %arg4[%dma_start3A_225, %dma_start3A_226, %dma_start3A_227, %dma_start3A_228, %dma_start3A_229] : memref<2x1x1x224x224xf32, #tpu.memory_space<vmem>> -> memref<1x1x1x224x224xf32, #tpu.memory_space<vmem>>
    %dma_start3A_231 = arith.constant 0 : i32
    %dma_start3A_232 = arith.constant 0 : i32
    %dma_start3A_233 = arith.constant 0 : i32
    %dma_start3A_234 = tpu.memref_slice %arg3[%select_n3A_208, %select_n3A_224, %dma_start3A_231, %dma_start3A_232, %dma_start3A_233] : memref<12x8x1x224x224xf32, #tpu.memory_space<hbm>> -> memref<1x1x1x224x224xf32, #tpu.memory_space<hbm>>
    %dma_start3A_235 = arith.constant 0 : i32
    %dma_start3A_236 = arith.constant 0 : i32
    %dma_start3A_237 = arith.constant 0 : i32
    %dma_start3A_238 = tpu.memref_slice %arg3[%select_n3A_208, %select_n3A_224, %dma_start3A_235, %dma_start3A_236, %dma_start3A_237] : memref<12x8x1x224x224xf32, #tpu.memory_space<hbm>> -> memref<1x1x1x224x224xf32, #tpu.memory_space<hbm>>
    %dma_start3A_239 = arith.constant 0 : i32
    %dma_start3A_240 = arith.constant 0 : i32
    %dma_start3A_241 = arith.constant 0 : i32
    %dma_start3A_242 = arith.constant 0 : i32
    %dma_start3A_243 = arith.constant 0 : i32
    %dma_start3A_244 = tpu.memref_slice %arg4[%dma_start3A_239, %dma_start3A_240, %dma_start3A_241, %dma_start3A_242, %dma_start3A_243] : memref<2x1x1x224x224xf32, #tpu.memory_space<vmem>> -> memref<1x1x1x224x224xf32, #tpu.memory_space<vmem>>
    tpu.enqueue_dma source(%dma_start3A_244 : memref<1x1x1x224x224xf32, #tpu.memory_space<vmem>>) target(%dma_start3A_238 : memref<1x1x1x224x224xf32, #tpu.memory_space<hbm>>) target_semaphore(%arg7 : memref<!tpu.dma_semaphore, #tpu.memory_space<semaphore_mem>>)
    %mul3A_245 = arith.constant 3 : i32
    %mul3A_246 = arith.muli %add3A, %mul3A_245 : i32
    %add3A_247 = arith.constant 0 : i32
    %add3A_248 = arith.addi %mul3A_246, %add3A_247 : i32
    %jit3A_249 = arith.constant 8 : i32
    %div3A_250 = arith.divsi %add3A_248, %jit3A_249 : i32
    %sign3A_251 = arith.constant 0 : i32
    %sign3A_252 = arith.cmpi sgt, %add3A_248, %sign3A_251 : i32
    %sign3A_253 = arith.extui %sign3A_252 : i1 to i32
    %sign3A_254 = arith.constant 0 : i32
    %sign3A_255 = arith.cmpi slt, %add3A_248, %sign3A_254 : i32
    %sign3A_256 = arith.extui %sign3A_255 : i1 to i32
    %sign3A_257 = arith.subi %sign3A_253, %sign3A_256 : i32
    %sign3A_258 = arith.constant 0 : i32
    %sign3A_259 = arith.cmpi sgt, %jit3A_249, %sign3A_258 : i32
    %sign3A_260 = arith.extui %sign3A_259 : i1 to i32
    %sign3A_261 = arith.constant 0 : i32
    %sign3A_262 = arith.cmpi slt, %jit3A_249, %sign3A_261 : i32
    %sign3A_263 = arith.extui %sign3A_262 : i1 to i32
    %sign3A_264 = arith.subi %sign3A_260, %sign3A_263 : i32
    %ne3A_265 = arith.cmpi ne, %sign3A_257, %sign3A_264 : i32
    %rem3A_266 = arith.remsi %add3A_248, %jit3A_249 : i32
    %ne3A_267 = arith.constant 0 : i32
    %ne3A_268 = arith.cmpi ne, %rem3A_266, %ne3A_267 : i32
    %and3A_269 = arith.andi %ne3A_265, %ne3A_268 : i1
    %sub3A_270 = arith.constant 1 : i32
    %sub3A_271 = arith.subi %div3A_250, %sub3A_270 : i32
    %select_n3A_272 = arith.select %and3A_269, %sub3A_271, %div3A_250 : i32
    %jit3A_273 = arith.constant 8 : i32
    %eq3A_274 = arith.constant 0 : i32
    %eq3A_275 = arith.cmpi eq, %jit3A_273, %eq3A_274 : i32
    %jit3A_276 = arith.constant 1 : i32
    %select_n3A_277 = arith.select %eq3A_275, %jit3A_276, %jit3A_273 : i32
    %rem3A_278 = arith.remsi %add3A_248, %select_n3A_277 : i32
    %ne3A_279 = arith.constant 0 : i32
    %ne3A_280 = arith.cmpi ne, %rem3A_278, %ne3A_279 : i32
    %lt3A_281 = arith.constant 0 : i32
    %lt3A_282 = arith.cmpi slt, %rem3A_278, %lt3A_281 : i32
    %lt3A_283 = arith.constant 0 : i32
    %lt3A_284 = arith.cmpi slt, %select_n3A_277, %lt3A_283 : i32
    %ne3A_285 = arith.xori %lt3A_282, %lt3A_284 : i1
    %and3A_286 = arith.andi %ne3A_285, %ne3A_280 : i1
    %add3A_287 = arith.addi %rem3A_278, %select_n3A_277 : i32
    %select_n3A_288 = arith.select %and3A_286, %add3A_287, %rem3A_278 : i32
    %dma_wait3A_289 = arith.constant 0 : i32
    %dma_wait3A_290 = arith.constant 0 : i32
    %dma_wait3A_291 = arith.constant 0 : i32
    %dma_wait3A_292 = arith.constant 0 : i32
    %dma_wait3A_293 = arith.constant 0 : i32
    %dma_wait3A_294 = tpu.memref_slice %arg4[%dma_wait3A_289, %dma_wait3A_290, %dma_wait3A_291, %dma_wait3A_292, %dma_wait3A_293] : memref<2x1x1x224x224xf32, #tpu.memory_space<vmem>> -> memref<1x1x1x224x224xf32, #tpu.memory_space<vmem>>
    %dma_wait3A_295 = arith.constant 0 : i32
    %dma_wait3A_296 = arith.constant 0 : i32
    %dma_wait3A_297 = arith.constant 0 : i32
    %dma_wait3A_298 = tpu.memref_slice %arg3[%select_n3A_272, %select_n3A_288, %dma_wait3A_295, %dma_wait3A_296, %dma_wait3A_297] : memref<12x8x1x224x224xf32, #tpu.memory_space<hbm>> -> memref<1x1x1x224x224xf32, #tpu.memory_space<hbm>>
    %dma_wait3A_299 = arith.constant 0 : i32
    %dma_wait3A_300 = arith.constant 0 : i32
    %dma_wait3A_301 = arith.constant 0 : i32
    %dma_wait3A_302 = tpu.memref_slice %arg3[%select_n3A_272, %select_n3A_288, %dma_wait3A_299, %dma_wait3A_300, %dma_wait3A_301] : memref<12x8x1x224x224xf32, #tpu.memory_space<hbm>> -> memref<1x1x1x224x224xf32, #tpu.memory_space<hbm>>
    %dma_wait3A_303 = arith.constant 0 : i32
    %dma_wait3A_304 = arith.constant 0 : i32
    %dma_wait3A_305 = arith.constant 0 : i32
    %dma_wait3A_306 = arith.constant 0 : i32
    %dma_wait3A_307 = arith.constant 0 : i32
    %dma_wait3A_308 = tpu.memref_slice %arg4[%dma_wait3A_303, %dma_wait3A_304, %dma_wait3A_305, %dma_wait3A_306, %dma_wait3A_307] : memref<2x1x1x224x224xf32, #tpu.memory_space<vmem>> -> memref<1x1x1x224x224xf32, #tpu.memory_space<vmem>>
    tpu.wait_dma2 semaphore(%arg7 : memref<!tpu.dma_semaphore, #tpu.memory_space<semaphore_mem>>) src(%dma_wait3A_308 : memref<1x1x1x224x224xf32, #tpu.memory_space<vmem>>) dst(%dma_wait3A_302 : memref<1x1x1x224x224xf32, #tpu.memory_space<hbm>>)
    %mul3A_309 = arith.constant 3 : i32
    %mul3A_310 = arith.muli %add3A, %mul3A_309 : i32
    %add3A_311 = arith.constant 2 : i32
    %add3A_312 = arith.addi %mul3A_310, %add3A_311 : i32
    %jit3A_313 = arith.constant 8 : i32
    %div3A_314 = arith.divsi %add3A_312, %jit3A_313 : i32
    %sign3A_315 = arith.constant 0 : i32
    %sign3A_316 = arith.cmpi sgt, %add3A_312, %sign3A_315 : i32
    %sign3A_317 = arith.extui %sign3A_316 : i1 to i32
    %sign3A_318 = arith.constant 0 : i32
    %sign3A_319 = arith.cmpi slt, %add3A_312, %sign3A_318 : i32
    %sign3A_320 = arith.extui %sign3A_319 : i1 to i32
    %sign3A_321 = arith.subi %sign3A_317, %sign3A_320 : i32
    %sign3A_322 = arith.constant 0 : i32
    %sign3A_323 = arith.cmpi sgt, %jit3A_313, %sign3A_322 : i32
    %sign3A_324 = arith.extui %sign3A_323 : i1 to i32
    %sign3A_325 = arith.constant 0 : i32
    %sign3A_326 = arith.cmpi slt, %jit3A_313, %sign3A_325 : i32
    %sign3A_327 = arith.extui %sign3A_326 : i1 to i32
    %sign3A_328 = arith.subi %sign3A_324, %sign3A_327 : i32
    %ne3A_329 = arith.cmpi ne, %sign3A_321, %sign3A_328 : i32
    %rem3A_330 = arith.remsi %add3A_312, %jit3A_313 : i32
    %ne3A_331 = arith.constant 0 : i32
    %ne3A_332 = arith.cmpi ne, %rem3A_330, %ne3A_331 : i32
    %and3A_333 = arith.andi %ne3A_329, %ne3A_332 : i1
    %sub3A_334 = arith.constant 1 : i32
    %sub3A_335 = arith.subi %div3A_314, %sub3A_334 : i32
    %select_n3A_336 = arith.select %and3A_333, %sub3A_335, %div3A_314 : i32
    %jit3A_337 = arith.constant 8 : i32
    %eq3A_338 = arith.constant 0 : i32
    %eq3A_339 = arith.cmpi eq, %jit3A_337, %eq3A_338 : i32
    %jit3A_340 = arith.constant 1 : i32
    %select_n3A_341 = arith.select %eq3A_339, %jit3A_340, %jit3A_337 : i32
    %rem3A_342 = arith.remsi %add3A_312, %select_n3A_341 : i32
    %ne3A_343 = arith.constant 0 : i32
    %ne3A_344 = arith.cmpi ne, %rem3A_342, %ne3A_343 : i32
    %lt3A_345 = arith.constant 0 : i32
    %lt3A_346 = arith.cmpi slt, %rem3A_342, %lt3A_345 : i32
    %lt3A_347 = arith.constant 0 : i32
    %lt3A_348 = arith.cmpi slt, %select_n3A_341, %lt3A_347 : i32
    %ne3A_349 = arith.xori %lt3A_346, %lt3A_348 : i1
    %and3A_350 = arith.andi %ne3A_349, %ne3A_344 : i1
    %add3A_351 = arith.addi %rem3A_342, %select_n3A_341 : i32
    %select_n3A_352 = arith.select %and3A_350, %add3A_351, %rem3A_342 : i32
    %dma_start3A_353 = arith.constant 0 : i32
    %dma_start3A_354 = arith.constant 0 : i32
    %dma_start3A_355 = arith.constant 0 : i32
    %dma_start3A_356 = arith.constant 0 : i32
    %dma_start3A_357 = arith.constant 0 : i32
    %dma_start3A_358 = tpu.memref_slice %arg4[%dma_start3A_353, %dma_start3A_354, %dma_start3A_355, %dma_start3A_356, %dma_start3A_357] : memref<2x1x1x224x224xf32, #tpu.memory_space<vmem>> -> memref<1x1x1x224x224xf32, #tpu.memory_space<vmem>>
    %dma_start3A_359 = arith.constant 0 : i32
    %dma_start3A_360 = arith.constant 0 : i32
    %dma_start3A_361 = arith.constant 0 : i32
    %dma_start3A_362 = tpu.memref_slice %arg2[%select_n3A_336, %select_n3A_352, %dma_start3A_359, %dma_start3A_360, %dma_start3A_361] : memref<12x8x4x224x224xf32, #tpu.memory_space<hbm>> -> memref<1x1x1x224x224xf32, #tpu.memory_space<hbm>>
    %dma_start3A_363 = arith.constant 0 : i32
    %dma_start3A_364 = arith.constant 0 : i32
    %dma_start3A_365 = arith.constant 0 : i32
    %dma_start3A_366 = arith.constant 0 : i32
    %dma_start3A_367 = arith.constant 0 : i32
    %dma_start3A_368 = tpu.memref_slice %arg4[%dma_start3A_363, %dma_start3A_364, %dma_start3A_365, %dma_start3A_366, %dma_start3A_367] : memref<2x1x1x224x224xf32, #tpu.memory_space<vmem>> -> memref<1x1x1x224x224xf32, #tpu.memory_space<vmem>>
    %dma_start3A_369 = arith.constant 0 : i32
    %dma_start3A_370 = arith.constant 0 : i32
    %dma_start3A_371 = arith.constant 0 : i32
    %dma_start3A_372 = tpu.memref_slice %arg2[%select_n3A_336, %select_n3A_352, %dma_start3A_369, %dma_start3A_370, %dma_start3A_371] : memref<12x8x4x224x224xf32, #tpu.memory_space<hbm>> -> memref<1x1x1x224x224xf32, #tpu.memory_space<hbm>>
    tpu.enqueue_dma source(%dma_start3A_372 : memref<1x1x1x224x224xf32, #tpu.memory_space<hbm>>) target(%dma_start3A_368 : memref<1x1x1x224x224xf32, #tpu.memory_space<vmem>>) target_semaphore(%arg5 : memref<!tpu.dma_semaphore, #tpu.memory_space<semaphore_mem>>)
    %mul3A_373 = arith.constant 3 : i32
    %mul3A_374 = arith.muli %add3A, %mul3A_373 : i32
    %add3A_375 = arith.constant 1 : i32
    %add3A_376 = arith.addi %mul3A_374, %add3A_375 : i32
    %jit3A_377 = arith.constant 8 : i32
    %div3A_378 = arith.divsi %add3A_376, %jit3A_377 : i32
    %sign3A_379 = arith.constant 0 : i32
    %sign3A_380 = arith.cmpi sgt, %add3A_376, %sign3A_379 : i32
    %sign3A_381 = arith.extui %sign3A_380 : i1 to i32
    %sign3A_382 = arith.constant 0 : i32
    %sign3A_383 = arith.cmpi slt, %add3A_376, %sign3A_382 : i32
    %sign3A_384 = arith.extui %sign3A_383 : i1 to i32
    %sign3A_385 = arith.subi %sign3A_381, %sign3A_384 : i32
    %sign3A_386 = arith.constant 0 : i32
    %sign3A_387 = arith.cmpi sgt, %jit3A_377, %sign3A_386 : i32
    %sign3A_388 = arith.extui %sign3A_387 : i1 to i32
    %sign3A_389 = arith.constant 0 : i32
    %sign3A_390 = arith.cmpi slt, %jit3A_377, %sign3A_389 : i32
    %sign3A_391 = arith.extui %sign3A_390 : i1 to i32
    %sign3A_392 = arith.subi %sign3A_388, %sign3A_391 : i32
    %ne3A_393 = arith.cmpi ne, %sign3A_385, %sign3A_392 : i32
    %rem3A_394 = arith.remsi %add3A_376, %jit3A_377 : i32
    %ne3A_395 = arith.constant 0 : i32
    %ne3A_396 = arith.cmpi ne, %rem3A_394, %ne3A_395 : i32
    %and3A_397 = arith.andi %ne3A_393, %ne3A_396 : i1
    %sub3A_398 = arith.constant 1 : i32
    %sub3A_399 = arith.subi %div3A_378, %sub3A_398 : i32
    %select_n3A_400 = arith.select %and3A_397, %sub3A_399, %div3A_378 : i32
    %jit3A_401 = arith.constant 8 : i32
    %eq3A_402 = arith.constant 0 : i32
    %eq3A_403 = arith.cmpi eq, %jit3A_401, %eq3A_402 : i32
    %jit3A_404 = arith.constant 1 : i32
    %select_n3A_405 = arith.select %eq3A_403, %jit3A_404, %jit3A_401 : i32
    %rem3A_406 = arith.remsi %add3A_376, %select_n3A_405 : i32
    %ne3A_407 = arith.constant 0 : i32
    %ne3A_408 = arith.cmpi ne, %rem3A_406, %ne3A_407 : i32
    %lt3A_409 = arith.constant 0 : i32
    %lt3A_410 = arith.cmpi slt, %rem3A_406, %lt3A_409 : i32
    %lt3A_411 = arith.constant 0 : i32
    %lt3A_412 = arith.cmpi slt, %select_n3A_405, %lt3A_411 : i32
    %ne3A_413 = arith.xori %lt3A_410, %lt3A_412 : i1
    %and3A_414 = arith.andi %ne3A_413, %ne3A_408 : i1
    %add3A_415 = arith.addi %rem3A_406, %select_n3A_405 : i32
    %select_n3A_416 = arith.select %and3A_414, %add3A_415, %rem3A_406 : i32
    %dma_wait3A_417 = arith.constant 1 : i32
    %dma_wait3A_418 = arith.constant 0 : i32
    %dma_wait3A_419 = arith.constant 0 : i32
    %dma_wait3A_420 = arith.constant 0 : i32
    %dma_wait3A_421 = arith.constant 0 : i32
    %dma_wait3A_422 = tpu.memref_slice %arg4[%dma_wait3A_417, %dma_wait3A_418, %dma_wait3A_419, %dma_wait3A_420, %dma_wait3A_421] : memref<2x1x1x224x224xf32, #tpu.memory_space<vmem>> -> memref<1x1x1x224x224xf32, #tpu.memory_space<vmem>>
    %dma_wait3A_423 = arith.constant 0 : i32
    %dma_wait3A_424 = arith.constant 0 : i32
    %dma_wait3A_425 = arith.constant 0 : i32
    %dma_wait3A_426 = tpu.memref_slice %arg2[%select_n3A_400, %select_n3A_416, %dma_wait3A_423, %dma_wait3A_424, %dma_wait3A_425] : memref<12x8x4x224x224xf32, #tpu.memory_space<hbm>> -> memref<1x1x1x224x224xf32, #tpu.memory_space<hbm>>
    %dma_wait3A_427 = arith.constant 1 : i32
    %dma_wait3A_428 = arith.constant 0 : i32
    %dma_wait3A_429 = arith.constant 0 : i32
    %dma_wait3A_430 = arith.constant 0 : i32
    %dma_wait3A_431 = arith.constant 0 : i32
    %dma_wait3A_432 = tpu.memref_slice %arg4[%dma_wait3A_427, %dma_wait3A_428, %dma_wait3A_429, %dma_wait3A_430, %dma_wait3A_431] : memref<2x1x1x224x224xf32, #tpu.memory_space<vmem>> -> memref<1x1x1x224x224xf32, #tpu.memory_space<vmem>>
    %dma_wait3A_433 = arith.constant 0 : i32
    %dma_wait3A_434 = arith.constant 0 : i32
    %dma_wait3A_435 = arith.constant 0 : i32
    %dma_wait3A_436 = tpu.memref_slice %arg2[%select_n3A_400, %select_n3A_416, %dma_wait3A_433, %dma_wait3A_434, %dma_wait3A_435] : memref<12x8x4x224x224xf32, #tpu.memory_space<hbm>> -> memref<1x1x1x224x224xf32, #tpu.memory_space<hbm>>
    tpu.wait_dma2 semaphore(%arg6 : memref<!tpu.dma_semaphore, #tpu.memory_space<semaphore_mem>>) src(%dma_wait3A_436 : memref<1x1x1x224x224xf32, #tpu.memory_space<hbm>>) dst(%dma_wait3A_432 : memref<1x1x1x224x224xf32, #tpu.memory_space<vmem>>)
    %mul3A_437 = arith.constant 3 : i32
    %mul3A_438 = arith.muli %add3A, %mul3A_437 : i32
    %add3A_439 = arith.constant 1 : i32
    %add3A_440 = arith.addi %mul3A_438, %add3A_439 : i32
    %jit3A_441 = arith.constant 8 : i32
    %div3A_442 = arith.divsi %add3A_440, %jit3A_441 : i32
    %sign3A_443 = arith.constant 0 : i32
    %sign3A_444 = arith.cmpi sgt, %add3A_440, %sign3A_443 : i32
    %sign3A_445 = arith.extui %sign3A_444 : i1 to i32
    %sign3A_446 = arith.constant 0 : i32
    %sign3A_447 = arith.cmpi slt, %add3A_440, %sign3A_446 : i32
    %sign3A_448 = arith.extui %sign3A_447 : i1 to i32
    %sign3A_449 = arith.subi %sign3A_445, %sign3A_448 : i32
    %sign3A_450 = arith.constant 0 : i32
    %sign3A_451 = arith.cmpi sgt, %jit3A_441, %sign3A_450 : i32
    %sign3A_452 = arith.extui %sign3A_451 : i1 to i32
    %sign3A_453 = arith.constant 0 : i32
    %sign3A_454 = arith.cmpi slt, %jit3A_441, %sign3A_453 : i32
    %sign3A_455 = arith.extui %sign3A_454 : i1 to i32
    %sign3A_456 = arith.subi %sign3A_452, %sign3A_455 : i32
    %ne3A_457 = arith.cmpi ne, %sign3A_449, %sign3A_456 : i32
    %rem3A_458 = arith.remsi %add3A_440, %jit3A_441 : i32
    %ne3A_459 = arith.constant 0 : i32
    %ne3A_460 = arith.cmpi ne, %rem3A_458, %ne3A_459 : i32
    %and3A_461 = arith.andi %ne3A_457, %ne3A_460 : i1
    %sub3A_462 = arith.constant 1 : i32
    %sub3A_463 = arith.subi %div3A_442, %sub3A_462 : i32
    %select_n3A_464 = arith.select %and3A_461, %sub3A_463, %div3A_442 : i32
    %jit3A_465 = arith.constant 8 : i32
    %eq3A_466 = arith.constant 0 : i32
    %eq3A_467 = arith.cmpi eq, %jit3A_465, %eq3A_466 : i32
    %jit3A_468 = arith.constant 1 : i32
    %select_n3A_469 = arith.select %eq3A_467, %jit3A_468, %jit3A_465 : i32
    %rem3A_470 = arith.remsi %add3A_440, %select_n3A_469 : i32
    %ne3A_471 = arith.constant 0 : i32
    %ne3A_472 = arith.cmpi ne, %rem3A_470, %ne3A_471 : i32
    %lt3A_473 = arith.constant 0 : i32
    %lt3A_474 = arith.cmpi slt, %rem3A_470, %lt3A_473 : i32
    %lt3A_475 = arith.constant 0 : i32
    %lt3A_476 = arith.cmpi slt, %select_n3A_469, %lt3A_475 : i32
    %ne3A_477 = arith.xori %lt3A_474, %lt3A_476 : i1
    %and3A_478 = arith.andi %ne3A_477, %ne3A_472 : i1
    %add3A_479 = arith.addi %rem3A_470, %select_n3A_469 : i32
    %select_n3A_480 = arith.select %and3A_478, %add3A_479, %rem3A_470 : i32
    %dma_start3A_481 = arith.constant 1 : i32
    %dma_start3A_482 = arith.constant 0 : i32
    %dma_start3A_483 = arith.constant 0 : i32
    %dma_start3A_484 = arith.constant 0 : i32
    %dma_start3A_485 = arith.constant 0 : i32
    %dma_start3A_486 = tpu.memref_slice %arg4[%dma_start3A_481, %dma_start3A_482, %dma_start3A_483, %dma_start3A_484, %dma_start3A_485] : memref<2x1x1x224x224xf32, #tpu.memory_space<vmem>> -> memref<1x1x1x224x224xf32, #tpu.memory_space<vmem>>
    %dma_start3A_487 = arith.constant 0 : i32
    %dma_start3A_488 = arith.constant 0 : i32
    %dma_start3A_489 = arith.constant 0 : i32
    %dma_start3A_490 = tpu.memref_slice %arg3[%select_n3A_464, %select_n3A_480, %dma_start3A_487, %dma_start3A_488, %dma_start3A_489] : memref<12x8x1x224x224xf32, #tpu.memory_space<hbm>> -> memref<1x1x1x224x224xf32, #tpu.memory_space<hbm>>
    %dma_start3A_491 = arith.constant 0 : i32
    %dma_start3A_492 = arith.constant 0 : i32
    %dma_start3A_493 = arith.constant 0 : i32
    %dma_start3A_494 = tpu.memref_slice %arg3[%select_n3A_464, %select_n3A_480, %dma_start3A_491, %dma_start3A_492, %dma_start3A_493] : memref<12x8x1x224x224xf32, #tpu.memory_space<hbm>> -> memref<1x1x1x224x224xf32, #tpu.memory_space<hbm>>
    %dma_start3A_495 = arith.constant 1 : i32
    %dma_start3A_496 = arith.constant 0 : i32
    %dma_start3A_497 = arith.constant 0 : i32
    %dma_start3A_498 = arith.constant 0 : i32
    %dma_start3A_499 = arith.constant 0 : i32
    %dma_start3A_500 = tpu.memref_slice %arg4[%dma_start3A_495, %dma_start3A_496, %dma_start3A_497, %dma_start3A_498, %dma_start3A_499] : memref<2x1x1x224x224xf32, #tpu.memory_space<vmem>> -> memref<1x1x1x224x224xf32, #tpu.memory_space<vmem>>
    tpu.enqueue_dma source(%dma_start3A_500 : memref<1x1x1x224x224xf32, #tpu.memory_space<vmem>>) target(%dma_start3A_494 : memref<1x1x1x224x224xf32, #tpu.memory_space<hbm>>) target_semaphore(%arg8 : memref<!tpu.dma_semaphore, #tpu.memory_space<semaphore_mem>>)
    %mul3A_501 = arith.constant 3 : i32
    %mul3A_502 = arith.muli %add3A, %mul3A_501 : i32
    %add3A_503 = arith.constant 2 : i32
    %add3A_504 = arith.addi %mul3A_502, %add3A_503 : i32
    %jit3A_505 = arith.constant 8 : i32
    %div3A_506 = arith.divsi %add3A_504, %jit3A_505 : i32
    %sign3A_507 = arith.constant 0 : i32
    %sign3A_508 = arith.cmpi sgt, %add3A_504, %sign3A_507 : i32
    %sign3A_509 = arith.extui %sign3A_508 : i1 to i32
    %sign3A_510 = arith.constant 0 : i32
    %sign3A_511 = arith.cmpi slt, %add3A_504, %sign3A_510 : i32
    %sign3A_512 = arith.extui %sign3A_511 : i1 to i32
    %sign3A_513 = arith.subi %sign3A_509, %sign3A_512 : i32
    %sign3A_514 = arith.constant 0 : i32
    %sign3A_515 = arith.cmpi sgt, %jit3A_505, %sign3A_514 : i32
    %sign3A_516 = arith.extui %sign3A_515 : i1 to i32
    %sign3A_517 = arith.constant 0 : i32
    %sign3A_518 = arith.cmpi slt, %jit3A_505, %sign3A_517 : i32
    %sign3A_519 = arith.extui %sign3A_518 : i1 to i32
    %sign3A_520 = arith.subi %sign3A_516, %sign3A_519 : i32
    %ne3A_521 = arith.cmpi ne, %sign3A_513, %sign3A_520 : i32
    %rem3A_522 = arith.remsi %add3A_504, %jit3A_505 : i32
    %ne3A_523 = arith.constant 0 : i32
    %ne3A_524 = arith.cmpi ne, %rem3A_522, %ne3A_523 : i32
    %and3A_525 = arith.andi %ne3A_521, %ne3A_524 : i1
    %sub3A_526 = arith.constant 1 : i32
    %sub3A_527 = arith.subi %div3A_506, %sub3A_526 : i32
    %select_n3A_528 = arith.select %and3A_525, %sub3A_527, %div3A_506 : i32
    %jit3A_529 = arith.constant 8 : i32
    %eq3A_530 = arith.constant 0 : i32
    %eq3A_531 = arith.cmpi eq, %jit3A_529, %eq3A_530 : i32
    %jit3A_532 = arith.constant 1 : i32
    %select_n3A_533 = arith.select %eq3A_531, %jit3A_532, %jit3A_529 : i32
    %rem3A_534 = arith.remsi %add3A_504, %select_n3A_533 : i32
    %ne3A_535 = arith.constant 0 : i32
    %ne3A_536 = arith.cmpi ne, %rem3A_534, %ne3A_535 : i32
    %lt3A_537 = arith.constant 0 : i32
    %lt3A_538 = arith.cmpi slt, %rem3A_534, %lt3A_537 : i32
    %lt3A_539 = arith.constant 0 : i32
    %lt3A_540 = arith.cmpi slt, %select_n3A_533, %lt3A_539 : i32
    %ne3A_541 = arith.xori %lt3A_538, %lt3A_540 : i1
    %and3A_542 = arith.andi %ne3A_541, %ne3A_536 : i1
    %add3A_543 = arith.addi %rem3A_534, %select_n3A_533 : i32
    %select_n3A_544 = arith.select %and3A_542, %add3A_543, %rem3A_534 : i32
    %dma_wait3A_545 = arith.constant 0 : i32
    %dma_wait3A_546 = arith.constant 0 : i32
    %dma_wait3A_547 = arith.constant 0 : i32
    %dma_wait3A_548 = arith.constant 0 : i32
    %dma_wait3A_549 = arith.constant 0 : i32
    %dma_wait3A_550 = tpu.memref_slice %arg4[%dma_wait3A_545, %dma_wait3A_546, %dma_wait3A_547, %dma_wait3A_548, %dma_wait3A_549] : memref<2x1x1x224x224xf32, #tpu.memory_space<vmem>> -> memref<1x1x1x224x224xf32, #tpu.memory_space<vmem>>
    %dma_wait3A_551 = arith.constant 0 : i32
    %dma_wait3A_552 = arith.constant 0 : i32
    %dma_wait3A_553 = arith.constant 0 : i32
    %dma_wait3A_554 = tpu.memref_slice %arg2[%select_n3A_528, %select_n3A_544, %dma_wait3A_551, %dma_wait3A_552, %dma_wait3A_553] : memref<12x8x4x224x224xf32, #tpu.memory_space<hbm>> -> memref<1x1x1x224x224xf32, #tpu.memory_space<hbm>>
    %dma_wait3A_555 = arith.constant 0 : i32
    %dma_wait3A_556 = arith.constant 0 : i32
    %dma_wait3A_557 = arith.constant 0 : i32
    %dma_wait3A_558 = arith.constant 0 : i32
    %dma_wait3A_559 = arith.constant 0 : i32
    %dma_wait3A_560 = tpu.memref_slice %arg4[%dma_wait3A_555, %dma_wait3A_556, %dma_wait3A_557, %dma_wait3A_558, %dma_wait3A_559] : memref<2x1x1x224x224xf32, #tpu.memory_space<vmem>> -> memref<1x1x1x224x224xf32, #tpu.memory_space<vmem>>
    %dma_wait3A_561 = arith.constant 0 : i32
    %dma_wait3A_562 = arith.constant 0 : i32
    %dma_wait3A_563 = arith.constant 0 : i32
    %dma_wait3A_564 = tpu.memref_slice %arg2[%select_n3A_528, %select_n3A_544, %dma_wait3A_561, %dma_wait3A_562, %dma_wait3A_563] : memref<12x8x4x224x224xf32, #tpu.memory_space<hbm>> -> memref<1x1x1x224x224xf32, #tpu.memory_space<hbm>>
    tpu.wait_dma2 semaphore(%arg5 : memref<!tpu.dma_semaphore, #tpu.memory_space<semaphore_mem>>) src(%dma_wait3A_564 : memref<1x1x1x224x224xf32, #tpu.memory_space<hbm>>) dst(%dma_wait3A_560 : memref<1x1x1x224x224xf32, #tpu.memory_space<vmem>>)
    %mul3A_565 = arith.constant 3 : i32
    %mul3A_566 = arith.muli %add3A, %mul3A_565 : i32
    %add3A_567 = arith.constant 2 : i32
    %add3A_568 = arith.addi %mul3A_566, %add3A_567 : i32
    %jit3A_569 = arith.constant 8 : i32
    %div3A_570 = arith.divsi %add3A_568, %jit3A_569 : i32
    %sign3A_571 = arith.constant 0 : i32
    %sign3A_572 = arith.cmpi sgt, %add3A_568, %sign3A_571 : i32
    %sign3A_573 = arith.extui %sign3A_572 : i1 to i32
    %sign3A_574 = arith.constant 0 : i32
    %sign3A_575 = arith.cmpi slt, %add3A_568, %sign3A_574 : i32
    %sign3A_576 = arith.extui %sign3A_575 : i1 to i32
    %sign3A_577 = arith.subi %sign3A_573, %sign3A_576 : i32
    %sign3A_578 = arith.constant 0 : i32
    %sign3A_579 = arith.cmpi sgt, %jit3A_569, %sign3A_578 : i32
    %sign3A_580 = arith.extui %sign3A_579 : i1 to i32
    %sign3A_581 = arith.constant 0 : i32
    %sign3A_582 = arith.cmpi slt, %jit3A_569, %sign3A_581 : i32
    %sign3A_583 = arith.extui %sign3A_582 : i1 to i32
    %sign3A_584 = arith.subi %sign3A_580, %sign3A_583 : i32
    %ne3A_585 = arith.cmpi ne, %sign3A_577, %sign3A_584 : i32
    %rem3A_586 = arith.remsi %add3A_568, %jit3A_569 : i32
    %ne3A_587 = arith.constant 0 : i32
    %ne3A_588 = arith.cmpi ne, %rem3A_586, %ne3A_587 : i32
    %and3A_589 = arith.andi %ne3A_585, %ne3A_588 : i1
    %sub3A_590 = arith.constant 1 : i32
    %sub3A_591 = arith.subi %div3A_570, %sub3A_590 : i32
    %select_n3A_592 = arith.select %and3A_589, %sub3A_591, %div3A_570 : i32
    %jit3A_593 = arith.constant 8 : i32
    %eq3A_594 = arith.constant 0 : i32
    %eq3A_595 = arith.cmpi eq, %jit3A_593, %eq3A_594 : i32
    %jit3A_596 = arith.constant 1 : i32
    %select_n3A_597 = arith.select %eq3A_595, %jit3A_596, %jit3A_593 : i32
    %rem3A_598 = arith.remsi %add3A_568, %select_n3A_597 : i32
    %ne3A_599 = arith.constant 0 : i32
    %ne3A_600 = arith.cmpi ne, %rem3A_598, %ne3A_599 : i32
    %lt3A_601 = arith.constant 0 : i32
    %lt3A_602 = arith.cmpi slt, %rem3A_598, %lt3A_601 : i32
    %lt3A_603 = arith.constant 0 : i32
    %lt3A_604 = arith.cmpi slt, %select_n3A_597, %lt3A_603 : i32
    %ne3A_605 = arith.xori %lt3A_602, %lt3A_604 : i1
    %and3A_606 = arith.andi %ne3A_605, %ne3A_600 : i1
    %add3A_607 = arith.addi %rem3A_598, %select_n3A_597 : i32
    %select_n3A_608 = arith.select %and3A_606, %add3A_607, %rem3A_598 : i32
    %dma_start3A_609 = arith.constant 0 : i32
    %dma_start3A_610 = arith.constant 0 : i32
    %dma_start3A_611 = arith.constant 0 : i32
    %dma_start3A_612 = arith.constant 0 : i32
    %dma_start3A_613 = arith.constant 0 : i32
    %dma_start3A_614 = tpu.memref_slice %arg4[%dma_start3A_609, %dma_start3A_610, %dma_start3A_611, %dma_start3A_612, %dma_start3A_613] : memref<2x1x1x224x224xf32, #tpu.memory_space<vmem>> -> memref<1x1x1x224x224xf32, #tpu.memory_space<vmem>>
    %dma_start3A_615 = arith.constant 0 : i32
    %dma_start3A_616 = arith.constant 0 : i32
    %dma_start3A_617 = arith.constant 0 : i32
    %dma_start3A_618 = tpu.memref_slice %arg3[%select_n3A_592, %select_n3A_608, %dma_start3A_615, %dma_start3A_616, %dma_start3A_617] : memref<12x8x1x224x224xf32, #tpu.memory_space<hbm>> -> memref<1x1x1x224x224xf32, #tpu.memory_space<hbm>>
    %dma_start3A_619 = arith.constant 0 : i32
    %dma_start3A_620 = arith.constant 0 : i32
    %dma_start3A_621 = arith.constant 0 : i32
    %dma_start3A_622 = tpu.memref_slice %arg3[%select_n3A_592, %select_n3A_608, %dma_start3A_619, %dma_start3A_620, %dma_start3A_621] : memref<12x8x1x224x224xf32, #tpu.memory_space<hbm>> -> memref<1x1x1x224x224xf32, #tpu.memory_space<hbm>>
    %dma_start3A_623 = arith.constant 0 : i32
    %dma_start3A_624 = arith.constant 0 : i32
    %dma_start3A_625 = arith.constant 0 : i32
    %dma_start3A_626 = arith.constant 0 : i32
    %dma_start3A_627 = arith.constant 0 : i32
    %dma_start3A_628 = tpu.memref_slice %arg4[%dma_start3A_623, %dma_start3A_624, %dma_start3A_625, %dma_start3A_626, %dma_start3A_627] : memref<2x1x1x224x224xf32, #tpu.memory_space<vmem>> -> memref<1x1x1x224x224xf32, #tpu.memory_space<vmem>>
    tpu.enqueue_dma source(%dma_start3A_628 : memref<1x1x1x224x224xf32, #tpu.memory_space<vmem>>) target(%dma_start3A_622 : memref<1x1x1x224x224xf32, #tpu.memory_space<hbm>>) target_semaphore(%arg7 : memref<!tpu.dma_semaphore, #tpu.memory_space<semaphore_mem>>)
    %mul3A_629 = arith.constant 3 : i32
    %mul3A_630 = arith.muli %add3A, %mul3A_629 : i32
    %add3A_631 = arith.constant 1 : i32
    %add3A_632 = arith.addi %mul3A_630, %add3A_631 : i32
    %jit3A_633 = arith.constant 8 : i32
    %div3A_634 = arith.divsi %add3A_632, %jit3A_633 : i32
    %sign3A_635 = arith.constant 0 : i32
    %sign3A_636 = arith.cmpi sgt, %add3A_632, %sign3A_635 : i32
    %sign3A_637 = arith.extui %sign3A_636 : i1 to i32
    %sign3A_638 = arith.constant 0 : i32
    %sign3A_639 = arith.cmpi slt, %add3A_632, %sign3A_638 : i32
    %sign3A_640 = arith.extui %sign3A_639 : i1 to i32
    %sign3A_641 = arith.subi %sign3A_637, %sign3A_640 : i32
    %sign3A_642 = arith.constant 0 : i32
    %sign3A_643 = arith.cmpi sgt, %jit3A_633, %sign3A_642 : i32
    %sign3A_644 = arith.extui %sign3A_643 : i1 to i32
    %sign3A_645 = arith.constant 0 : i32
    %sign3A_646 = arith.cmpi slt, %jit3A_633, %sign3A_645 : i32
    %sign3A_647 = arith.extui %sign3A_646 : i1 to i32
    %sign3A_648 = arith.subi %sign3A_644, %sign3A_647 : i32
    %ne3A_649 = arith.cmpi ne, %sign3A_641, %sign3A_648 : i32
    %rem3A_650 = arith.remsi %add3A_632, %jit3A_633 : i32
    %ne3A_651 = arith.constant 0 : i32
    %ne3A_652 = arith.cmpi ne, %rem3A_650, %ne3A_651 : i32
    %and3A_653 = arith.andi %ne3A_649, %ne3A_652 : i1
    %sub3A_654 = arith.constant 1 : i32
    %sub3A_655 = arith.subi %div3A_634, %sub3A_654 : i32
    %select_n3A_656 = arith.select %and3A_653, %sub3A_655, %div3A_634 : i32
    %jit3A_657 = arith.constant 8 : i32
    %eq3A_658 = arith.constant 0 : i32
    %eq3A_659 = arith.cmpi eq, %jit3A_657, %eq3A_658 : i32
    %jit3A_660 = arith.constant 1 : i32
    %select_n3A_661 = arith.select %eq3A_659, %jit3A_660, %jit3A_657 : i32
    %rem3A_662 = arith.remsi %add3A_632, %select_n3A_661 : i32
    %ne3A_663 = arith.constant 0 : i32
    %ne3A_664 = arith.cmpi ne, %rem3A_662, %ne3A_663 : i32
    %lt3A_665 = arith.constant 0 : i32
    %lt3A_666 = arith.cmpi slt, %rem3A_662, %lt3A_665 : i32
    %lt3A_667 = arith.constant 0 : i32
    %lt3A_668 = arith.cmpi slt, %select_n3A_661, %lt3A_667 : i32
    %ne3A_669 = arith.xori %lt3A_666, %lt3A_668 : i1
    %and3A_670 = arith.andi %ne3A_669, %ne3A_664 : i1
    %add3A_671 = arith.addi %rem3A_662, %select_n3A_661 : i32
    %select_n3A_672 = arith.select %and3A_670, %add3A_671, %rem3A_662 : i32
    %dma_wait3A_673 = arith.constant 1 : i32
    %dma_wait3A_674 = arith.constant 0 : i32
    %dma_wait3A_675 = arith.constant 0 : i32
    %dma_wait3A_676 = arith.constant 0 : i32
    %dma_wait3A_677 = arith.constant 0 : i32
    %dma_wait3A_678 = tpu.memref_slice %arg4[%dma_wait3A_673, %dma_wait3A_674, %dma_wait3A_675, %dma_wait3A_676, %dma_wait3A_677] : memref<2x1x1x224x224xf32, #tpu.memory_space<vmem>> -> memref<1x1x1x224x224xf32, #tpu.memory_space<vmem>>
    %dma_wait3A_679 = arith.constant 0 : i32
    %dma_wait3A_680 = arith.constant 0 : i32
    %dma_wait3A_681 = arith.constant 0 : i32
    %dma_wait3A_682 = tpu.memref_slice %arg3[%select_n3A_656, %select_n3A_672, %dma_wait3A_679, %dma_wait3A_680, %dma_wait3A_681] : memref<12x8x1x224x224xf32, #tpu.memory_space<hbm>> -> memref<1x1x1x224x224xf32, #tpu.memory_space<hbm>>
    %dma_wait3A_683 = arith.constant 0 : i32
    %dma_wait3A_684 = arith.constant 0 : i32
    %dma_wait3A_685 = arith.constant 0 : i32
    %dma_wait3A_686 = tpu.memref_slice %arg3[%select_n3A_656, %select_n3A_672, %dma_wait3A_683, %dma_wait3A_684, %dma_wait3A_685] : memref<12x8x1x224x224xf32, #tpu.memory_space<hbm>> -> memref<1x1x1x224x224xf32, #tpu.memory_space<hbm>>
    %dma_wait3A_687 = arith.constant 1 : i32
    %dma_wait3A_688 = arith.constant 0 : i32
    %dma_wait3A_689 = arith.constant 0 : i32
    %dma_wait3A_690 = arith.constant 0 : i32
    %dma_wait3A_691 = arith.constant 0 : i32
    %dma_wait3A_692 = tpu.memref_slice %arg4[%dma_wait3A_687, %dma_wait3A_688, %dma_wait3A_689, %dma_wait3A_690, %dma_wait3A_691] : memref<2x1x1x224x224xf32, #tpu.memory_space<vmem>> -> memref<1x1x1x224x224xf32, #tpu.memory_space<vmem>>
    tpu.wait_dma2 semaphore(%arg8 : memref<!tpu.dma_semaphore, #tpu.memory_space<semaphore_mem>>) src(%dma_wait3A_692 : memref<1x1x1x224x224xf32, #tpu.memory_space<vmem>>) dst(%dma_wait3A_686 : memref<1x1x1x224x224xf32, #tpu.memory_space<hbm>>)
    %mul3A_693 = arith.constant 3 : i32
    %mul3A_694 = arith.muli %add3A, %mul3A_693 : i32
    %add3A_695 = arith.constant 2 : i32
    %add3A_696 = arith.addi %mul3A_694, %add3A_695 : i32
    %jit3A_697 = arith.constant 8 : i32
    %div3A_698 = arith.divsi %add3A_696, %jit3A_697 : i32
    %sign3A_699 = arith.constant 0 : i32
    %sign3A_700 = arith.cmpi sgt, %add3A_696, %sign3A_699 : i32
    %sign3A_701 = arith.extui %sign3A_700 : i1 to i32
    %sign3A_702 = arith.constant 0 : i32
    %sign3A_703 = arith.cmpi slt, %add3A_696, %sign3A_702 : i32
    %sign3A_704 = arith.extui %sign3A_703 : i1 to i32
    %sign3A_705 = arith.subi %sign3A_701, %sign3A_704 : i32
    %sign3A_706 = arith.constant 0 : i32
    %sign3A_707 = arith.cmpi sgt, %jit3A_697, %sign3A_706 : i32
    %sign3A_708 = arith.extui %sign3A_707 : i1 to i32
    %sign3A_709 = arith.constant 0 : i32
    %sign3A_710 = arith.cmpi slt, %jit3A_697, %sign3A_709 : i32
    %sign3A_711 = arith.extui %sign3A_710 : i1 to i32
    %sign3A_712 = arith.subi %sign3A_708, %sign3A_711 : i32
    %ne3A_713 = arith.cmpi ne, %sign3A_705, %sign3A_712 : i32
    %rem3A_714 = arith.remsi %add3A_696, %jit3A_697 : i32
    %ne3A_715 = arith.constant 0 : i32
    %ne3A_716 = arith.cmpi ne, %rem3A_714, %ne3A_715 : i32
    %and3A_717 = arith.andi %ne3A_713, %ne3A_716 : i1
    %sub3A_718 = arith.constant 1 : i32
    %sub3A_719 = arith.subi %div3A_698, %sub3A_718 : i32
    %select_n3A_720 = arith.select %and3A_717, %sub3A_719, %div3A_698 : i32
    %jit3A_721 = arith.constant 8 : i32
    %eq3A_722 = arith.constant 0 : i32
    %eq3A_723 = arith.cmpi eq, %jit3A_721, %eq3A_722 : i32
    %jit3A_724 = arith.constant 1 : i32
    %select_n3A_725 = arith.select %eq3A_723, %jit3A_724, %jit3A_721 : i32
    %rem3A_726 = arith.remsi %add3A_696, %select_n3A_725 : i32
    %ne3A_727 = arith.constant 0 : i32
    %ne3A_728 = arith.cmpi ne, %rem3A_726, %ne3A_727 : i32
    %lt3A_729 = arith.constant 0 : i32
    %lt3A_730 = arith.cmpi slt, %rem3A_726, %lt3A_729 : i32
    %lt3A_731 = arith.constant 0 : i32
    %lt3A_732 = arith.cmpi slt, %select_n3A_725, %lt3A_731 : i32
    %ne3A_733 = arith.xori %lt3A_730, %lt3A_732 : i1
    %and3A_734 = arith.andi %ne3A_733, %ne3A_728 : i1
    %add3A_735 = arith.addi %rem3A_726, %select_n3A_725 : i32
    %select_n3A_736 = arith.select %and3A_734, %add3A_735, %rem3A_726 : i32
    %dma_wait3A_737 = arith.constant 0 : i32
    %dma_wait3A_738 = arith.constant 0 : i32
    %dma_wait3A_739 = arith.constant 0 : i32
    %dma_wait3A_740 = arith.constant 0 : i32
    %dma_wait3A_741 = arith.constant 0 : i32
    %dma_wait3A_742 = tpu.memref_slice %arg4[%dma_wait3A_737, %dma_wait3A_738, %dma_wait3A_739, %dma_wait3A_740, %dma_wait3A_741] : memref<2x1x1x224x224xf32, #tpu.memory_space<vmem>> -> memref<1x1x1x224x224xf32, #tpu.memory_space<vmem>>
    %dma_wait3A_743 = arith.constant 0 : i32
    %dma_wait3A_744 = arith.constant 0 : i32
    %dma_wait3A_745 = arith.constant 0 : i32
    %dma_wait3A_746 = tpu.memref_slice %arg3[%select_n3A_720, %select_n3A_736, %dma_wait3A_743, %dma_wait3A_744, %dma_wait3A_745] : memref<12x8x1x224x224xf32, #tpu.memory_space<hbm>> -> memref<1x1x1x224x224xf32, #tpu.memory_space<hbm>>
    %dma_wait3A_747 = arith.constant 0 : i32
    %dma_wait3A_748 = arith.constant 0 : i32
    %dma_wait3A_749 = arith.constant 0 : i32
    %dma_wait3A_750 = tpu.memref_slice %arg3[%select_n3A_720, %select_n3A_736, %dma_wait3A_747, %dma_wait3A_748, %dma_wait3A_749] : memref<12x8x1x224x224xf32, #tpu.memory_space<hbm>> -> memref<1x1x1x224x224xf32, #tpu.memory_space<hbm>>
    %dma_wait3A_751 = arith.constant 0 : i32
    %dma_wait3A_752 = arith.constant 0 : i32
    %dma_wait3A_753 = arith.constant 0 : i32
    %dma_wait3A_754 = arith.constant 0 : i32
    %dma_wait3A_755 = arith.constant 0 : i32
    %dma_wait3A_756 = tpu.memref_slice %arg4[%dma_wait3A_751, %dma_wait3A_752, %dma_wait3A_753, %dma_wait3A_754, %dma_wait3A_755] : memref<2x1x1x224x224xf32, #tpu.memory_space<vmem>> -> memref<1x1x1x224x224xf32, #tpu.memory_space<vmem>>
    tpu.wait_dma2 semaphore(%arg7 : memref<!tpu.dma_semaphore, #tpu.memory_space<semaphore_mem>>) src(%dma_wait3A_756 : memref<1x1x1x224x224xf32, #tpu.memory_space<vmem>>) dst(%dma_wait3A_750 : memref<1x1x1x224x224xf32, #tpu.memory_space<hbm>>)
    return
  }
}

module attributes {stable_mosaic.version = 14 : i64} {
  func.func @_tc_back_body(%arg0: memref<12x8x4x224x224xf32, #tpu.memory_space<any>>, %arg1: memref<12x8x3x224x224xf32, #tpu.memory_space<any>>, %arg2: memref<12x1x4x3x224x224xf32, #tpu.memory_space<vmem>>, %arg3: memref<12x!tpu.dma_semaphore, #tpu.memory_space<semaphore_mem>>, %arg4: memref<12x!tpu.dma_semaphore, #tpu.memory_space<semaphore_mem>>) attributes {dimension_semantics = [], scalar_prefetch = 0 : i64, scratch_operands = 3 : i64, tpu.core_type = #tpu.core_type<tc>} {
    %dma_start3A = arith.constant 0 : i32
    %dma_start3A_0 = arith.constant 0 : i32
    %dma_start3A_1 = tpu.memref_slice %arg3[%dma_start3A_0] : memref<12x!tpu.dma_semaphore, #tpu.memory_space<semaphore_mem>> -> memref<1x!tpu.dma_semaphore, #tpu.memory_space<semaphore_mem>>
    %dma_start3A_2 = tpu.memref_squeeze %dma_start3A_1 : memref<1x!tpu.dma_semaphore, #tpu.memory_space<semaphore_mem>> -> memref<!tpu.dma_semaphore, #tpu.memory_space<semaphore_mem>>
    %dma_start3A_3 = arith.constant 0 : i32
    %dma_start3A_4 = arith.constant 0 : i32
    %dma_start3A_5 = arith.constant 0 : i32
    %dma_start3A_6 = arith.constant 0 : i32
    %dma_start3A_7 = arith.constant 0 : i32
    %dma_start3A_8 = tpu.memref_slice %arg2[%dma_start3A, %dma_start3A_3, %dma_start3A_4, %dma_start3A_5, %dma_start3A_6, %dma_start3A_7] : memref<12x1x4x3x224x224xf32, #tpu.memory_space<vmem>> -> memref<1x1x4x3x224x224xf32, #tpu.memory_space<vmem>>
    %dma_start3A_9 = tpu.memref_squeeze %dma_start3A_8 : memref<1x1x4x3x224x224xf32, #tpu.memory_space<vmem>> -> memref<1x4x3x224x224xf32, #tpu.memory_space<vmem>>
    %dma_start3A_10 = arith.constant 0 : i32
    %dma_start3A_11 = arith.constant 0 : i32
    %dma_start3A_12 = arith.constant 1 : i32
    %dma_start3A_13 = arith.constant 0 : i32
    %dma_start3A_14 = arith.constant 0 : i32
    %dma_start3A_15 = tpu.memref_slice %arg0[%dma_start3A_10, %dma_start3A_11, %dma_start3A_12, %dma_start3A_13, %dma_start3A_14] : memref<12x8x4x224x224xf32, #tpu.memory_space<any>> -> memref<1x4x3x224x224xf32, #tpu.memory_space<any>>
    tpu.enqueue_dma source(%dma_start3A_15 : memref<1x4x3x224x224xf32, #tpu.memory_space<any>>) target(%dma_start3A_9 : memref<1x4x3x224x224xf32, #tpu.memory_space<vmem>>) target_semaphore(%dma_start3A_2 : memref<!tpu.dma_semaphore, #tpu.memory_space<semaphore_mem>>)
    %dma_start3A_16 = arith.constant 1 : i32
    %dma_start3A_17 = arith.constant 1 : i32
    %dma_start3A_18 = tpu.memref_slice %arg3[%dma_start3A_17] : memref<12x!tpu.dma_semaphore, #tpu.memory_space<semaphore_mem>> -> memref<1x!tpu.dma_semaphore, #tpu.memory_space<semaphore_mem>>
    %dma_start3A_19 = tpu.memref_squeeze %dma_start3A_18 : memref<1x!tpu.dma_semaphore, #tpu.memory_space<semaphore_mem>> -> memref<!tpu.dma_semaphore, #tpu.memory_space<semaphore_mem>>
    %dma_start3A_20 = arith.constant 0 : i32
    %dma_start3A_21 = arith.constant 0 : i32
    %dma_start3A_22 = arith.constant 0 : i32
    %dma_start3A_23 = arith.constant 0 : i32
    %dma_start3A_24 = arith.constant 0 : i32
    %dma_start3A_25 = tpu.memref_slice %arg2[%dma_start3A_16, %dma_start3A_20, %dma_start3A_21, %dma_start3A_22, %dma_start3A_23, %dma_start3A_24] : memref<12x1x4x3x224x224xf32, #tpu.memory_space<vmem>> -> memref<1x1x4x3x224x224xf32, #tpu.memory_space<vmem>>
    %dma_start3A_26 = tpu.memref_squeeze %dma_start3A_25 : memref<1x1x4x3x224x224xf32, #tpu.memory_space<vmem>> -> memref<1x4x3x224x224xf32, #tpu.memory_space<vmem>>
    %dma_start3A_27 = arith.constant 0 : i32
    %dma_start3A_28 = arith.constant 4 : i32
    %dma_start3A_29 = arith.constant 1 : i32
    %dma_start3A_30 = arith.constant 0 : i32
    %dma_start3A_31 = arith.constant 0 : i32
    %dma_start3A_32 = tpu.memref_slice %arg0[%dma_start3A_27, %dma_start3A_28, %dma_start3A_29, %dma_start3A_30, %dma_start3A_31] : memref<12x8x4x224x224xf32, #tpu.memory_space<any>> -> memref<1x4x3x224x224xf32, #tpu.memory_space<any>>
    tpu.enqueue_dma source(%dma_start3A_32 : memref<1x4x3x224x224xf32, #tpu.memory_space<any>>) target(%dma_start3A_26 : memref<1x4x3x224x224xf32, #tpu.memory_space<vmem>>) target_semaphore(%dma_start3A_19 : memref<!tpu.dma_semaphore, #tpu.memory_space<semaphore_mem>>)
    %dma_start3A_33 = arith.constant 2 : i32
    %dma_start3A_34 = arith.constant 2 : i32
    %dma_start3A_35 = tpu.memref_slice %arg3[%dma_start3A_34] : memref<12x!tpu.dma_semaphore, #tpu.memory_space<semaphore_mem>> -> memref<1x!tpu.dma_semaphore, #tpu.memory_space<semaphore_mem>>
    %dma_start3A_36 = tpu.memref_squeeze %dma_start3A_35 : memref<1x!tpu.dma_semaphore, #tpu.memory_space<semaphore_mem>> -> memref<!tpu.dma_semaphore, #tpu.memory_space<semaphore_mem>>
    %dma_start3A_37 = arith.constant 0 : i32
    %dma_start3A_38 = arith.constant 0 : i32
    %dma_start3A_39 = arith.constant 0 : i32
    %dma_start3A_40 = arith.constant 0 : i32
    %dma_start3A_41 = arith.constant 0 : i32
    %dma_start3A_42 = tpu.memref_slice %arg2[%dma_start3A_33, %dma_start3A_37, %dma_start3A_38, %dma_start3A_39, %dma_start3A_40, %dma_start3A_41] : memref<12x1x4x3x224x224xf32, #tpu.memory_space<vmem>> -> memref<1x1x4x3x224x224xf32, #tpu.memory_space<vmem>>
    %dma_start3A_43 = tpu.memref_squeeze %dma_start3A_42 : memref<1x1x4x3x224x224xf32, #tpu.memory_space<vmem>> -> memref<1x4x3x224x224xf32, #tpu.memory_space<vmem>>
    %dma_start3A_44 = arith.constant 1 : i32
    %dma_start3A_45 = arith.constant 0 : i32
    %dma_start3A_46 = arith.constant 1 : i32
    %dma_start3A_47 = arith.constant 0 : i32
    %dma_start3A_48 = arith.constant 0 : i32
    %dma_start3A_49 = tpu.memref_slice %arg0[%dma_start3A_44, %dma_start3A_45, %dma_start3A_46, %dma_start3A_47, %dma_start3A_48] : memref<12x8x4x224x224xf32, #tpu.memory_space<any>> -> memref<1x4x3x224x224xf32, #tpu.memory_space<any>>
    tpu.enqueue_dma source(%dma_start3A_49 : memref<1x4x3x224x224xf32, #tpu.memory_space<any>>) target(%dma_start3A_43 : memref<1x4x3x224x224xf32, #tpu.memory_space<vmem>>) target_semaphore(%dma_start3A_36 : memref<!tpu.dma_semaphore, #tpu.memory_space<semaphore_mem>>)
    %dma_start3A_50 = arith.constant 3 : i32
    %dma_start3A_51 = arith.constant 3 : i32
    %dma_start3A_52 = tpu.memref_slice %arg3[%dma_start3A_51] : memref<12x!tpu.dma_semaphore, #tpu.memory_space<semaphore_mem>> -> memref<1x!tpu.dma_semaphore, #tpu.memory_space<semaphore_mem>>
    %dma_start3A_53 = tpu.memref_squeeze %dma_start3A_52 : memref<1x!tpu.dma_semaphore, #tpu.memory_space<semaphore_mem>> -> memref<!tpu.dma_semaphore, #tpu.memory_space<semaphore_mem>>
    %dma_start3A_54 = arith.constant 0 : i32
    %dma_start3A_55 = arith.constant 0 : i32
    %dma_start3A_56 = arith.constant 0 : i32
    %dma_start3A_57 = arith.constant 0 : i32
    %dma_start3A_58 = arith.constant 0 : i32
    %dma_start3A_59 = tpu.memref_slice %arg2[%dma_start3A_50, %dma_start3A_54, %dma_start3A_55, %dma_start3A_56, %dma_start3A_57, %dma_start3A_58] : memref<12x1x4x3x224x224xf32, #tpu.memory_space<vmem>> -> memref<1x1x4x3x224x224xf32, #tpu.memory_space<vmem>>
    %dma_start3A_60 = tpu.memref_squeeze %dma_start3A_59 : memref<1x1x4x3x224x224xf32, #tpu.memory_space<vmem>> -> memref<1x4x3x224x224xf32, #tpu.memory_space<vmem>>
    %dma_start3A_61 = arith.constant 1 : i32
    %dma_start3A_62 = arith.constant 4 : i32
    %dma_start3A_63 = arith.constant 1 : i32
    %dma_start3A_64 = arith.constant 0 : i32
    %dma_start3A_65 = arith.constant 0 : i32
    %dma_start3A_66 = tpu.memref_slice %arg0[%dma_start3A_61, %dma_start3A_62, %dma_start3A_63, %dma_start3A_64, %dma_start3A_65] : memref<12x8x4x224x224xf32, #tpu.memory_space<any>> -> memref<1x4x3x224x224xf32, #tpu.memory_space<any>>
    tpu.enqueue_dma source(%dma_start3A_66 : memref<1x4x3x224x224xf32, #tpu.memory_space<any>>) target(%dma_start3A_60 : memref<1x4x3x224x224xf32, #tpu.memory_space<vmem>>) target_semaphore(%dma_start3A_53 : memref<!tpu.dma_semaphore, #tpu.memory_space<semaphore_mem>>)
    %dma_start3A_67 = arith.constant 4 : i32
    %dma_start3A_68 = arith.constant 4 : i32
    %dma_start3A_69 = tpu.memref_slice %arg3[%dma_start3A_68] : memref<12x!tpu.dma_semaphore, #tpu.memory_space<semaphore_mem>> -> memref<1x!tpu.dma_semaphore, #tpu.memory_space<semaphore_mem>>
    %dma_start3A_70 = tpu.memref_squeeze %dma_start3A_69 : memref<1x!tpu.dma_semaphore, #tpu.memory_space<semaphore_mem>> -> memref<!tpu.dma_semaphore, #tpu.memory_space<semaphore_mem>>
    %dma_start3A_71 = arith.constant 0 : i32
    %dma_start3A_72 = arith.constant 0 : i32
    %dma_start3A_73 = arith.constant 0 : i32
    %dma_start3A_74 = arith.constant 0 : i32
    %dma_start3A_75 = arith.constant 0 : i32
    %dma_start3A_76 = tpu.memref_slice %arg2[%dma_start3A_67, %dma_start3A_71, %dma_start3A_72, %dma_start3A_73, %dma_start3A_74, %dma_start3A_75] : memref<12x1x4x3x224x224xf32, #tpu.memory_space<vmem>> -> memref<1x1x4x3x224x224xf32, #tpu.memory_space<vmem>>
    %dma_start3A_77 = tpu.memref_squeeze %dma_start3A_76 : memref<1x1x4x3x224x224xf32, #tpu.memory_space<vmem>> -> memref<1x4x3x224x224xf32, #tpu.memory_space<vmem>>
    %dma_start3A_78 = arith.constant 2 : i32
    %dma_start3A_79 = arith.constant 0 : i32
    %dma_start3A_80 = arith.constant 1 : i32
    %dma_start3A_81 = arith.constant 0 : i32
    %dma_start3A_82 = arith.constant 0 : i32
    %dma_start3A_83 = tpu.memref_slice %arg0[%dma_start3A_78, %dma_start3A_79, %dma_start3A_80, %dma_start3A_81, %dma_start3A_82] : memref<12x8x4x224x224xf32, #tpu.memory_space<any>> -> memref<1x4x3x224x224xf32, #tpu.memory_space<any>>
    tpu.enqueue_dma source(%dma_start3A_83 : memref<1x4x3x224x224xf32, #tpu.memory_space<any>>) target(%dma_start3A_77 : memref<1x4x3x224x224xf32, #tpu.memory_space<vmem>>) target_semaphore(%dma_start3A_70 : memref<!tpu.dma_semaphore, #tpu.memory_space<semaphore_mem>>)
    %dma_start3A_84 = arith.constant 5 : i32
    %dma_start3A_85 = arith.constant 5 : i32
    %dma_start3A_86 = tpu.memref_slice %arg3[%dma_start3A_85] : memref<12x!tpu.dma_semaphore, #tpu.memory_space<semaphore_mem>> -> memref<1x!tpu.dma_semaphore, #tpu.memory_space<semaphore_mem>>
    %dma_start3A_87 = tpu.memref_squeeze %dma_start3A_86 : memref<1x!tpu.dma_semaphore, #tpu.memory_space<semaphore_mem>> -> memref<!tpu.dma_semaphore, #tpu.memory_space<semaphore_mem>>
    %dma_start3A_88 = arith.constant 0 : i32
    %dma_start3A_89 = arith.constant 0 : i32
    %dma_start3A_90 = arith.constant 0 : i32
    %dma_start3A_91 = arith.constant 0 : i32
    %dma_start3A_92 = arith.constant 0 : i32
    %dma_start3A_93 = tpu.memref_slice %arg2[%dma_start3A_84, %dma_start3A_88, %dma_start3A_89, %dma_start3A_90, %dma_start3A_91, %dma_start3A_92] : memref<12x1x4x3x224x224xf32, #tpu.memory_space<vmem>> -> memref<1x1x4x3x224x224xf32, #tpu.memory_space<vmem>>
    %dma_start3A_94 = tpu.memref_squeeze %dma_start3A_93 : memref<1x1x4x3x224x224xf32, #tpu.memory_space<vmem>> -> memref<1x4x3x224x224xf32, #tpu.memory_space<vmem>>
    %dma_start3A_95 = arith.constant 2 : i32
    %dma_start3A_96 = arith.constant 4 : i32
    %dma_start3A_97 = arith.constant 1 : i32
    %dma_start3A_98 = arith.constant 0 : i32
    %dma_start3A_99 = arith.constant 0 : i32
    %dma_start3A_100 = tpu.memref_slice %arg0[%dma_start3A_95, %dma_start3A_96, %dma_start3A_97, %dma_start3A_98, %dma_start3A_99] : memref<12x8x4x224x224xf32, #tpu.memory_space<any>> -> memref<1x4x3x224x224xf32, #tpu.memory_space<any>>
    tpu.enqueue_dma source(%dma_start3A_100 : memref<1x4x3x224x224xf32, #tpu.memory_space<any>>) target(%dma_start3A_94 : memref<1x4x3x224x224xf32, #tpu.memory_space<vmem>>) target_semaphore(%dma_start3A_87 : memref<!tpu.dma_semaphore, #tpu.memory_space<semaphore_mem>>)
    %dma_start3A_101 = arith.constant 6 : i32
    %dma_start3A_102 = arith.constant 6 : i32
    %dma_start3A_103 = tpu.memref_slice %arg3[%dma_start3A_102] : memref<12x!tpu.dma_semaphore, #tpu.memory_space<semaphore_mem>> -> memref<1x!tpu.dma_semaphore, #tpu.memory_space<semaphore_mem>>
    %dma_start3A_104 = tpu.memref_squeeze %dma_start3A_103 : memref<1x!tpu.dma_semaphore, #tpu.memory_space<semaphore_mem>> -> memref<!tpu.dma_semaphore, #tpu.memory_space<semaphore_mem>>
    %dma_start3A_105 = arith.constant 0 : i32
    %dma_start3A_106 = arith.constant 0 : i32
    %dma_start3A_107 = arith.constant 0 : i32
    %dma_start3A_108 = arith.constant 0 : i32
    %dma_start3A_109 = arith.constant 0 : i32
    %dma_start3A_110 = tpu.memref_slice %arg2[%dma_start3A_101, %dma_start3A_105, %dma_start3A_106, %dma_start3A_107, %dma_start3A_108, %dma_start3A_109] : memref<12x1x4x3x224x224xf32, #tpu.memory_space<vmem>> -> memref<1x1x4x3x224x224xf32, #tpu.memory_space<vmem>>
    %dma_start3A_111 = tpu.memref_squeeze %dma_start3A_110 : memref<1x1x4x3x224x224xf32, #tpu.memory_space<vmem>> -> memref<1x4x3x224x224xf32, #tpu.memory_space<vmem>>
    %dma_start3A_112 = arith.constant 3 : i32
    %dma_start3A_113 = arith.constant 0 : i32
    %dma_start3A_114 = arith.constant 1 : i32
    %dma_start3A_115 = arith.constant 0 : i32
    %dma_start3A_116 = arith.constant 0 : i32
    %dma_start3A_117 = tpu.memref_slice %arg0[%dma_start3A_112, %dma_start3A_113, %dma_start3A_114, %dma_start3A_115, %dma_start3A_116] : memref<12x8x4x224x224xf32, #tpu.memory_space<any>> -> memref<1x4x3x224x224xf32, #tpu.memory_space<any>>
    tpu.enqueue_dma source(%dma_start3A_117 : memref<1x4x3x224x224xf32, #tpu.memory_space<any>>) target(%dma_start3A_111 : memref<1x4x3x224x224xf32, #tpu.memory_space<vmem>>) target_semaphore(%dma_start3A_104 : memref<!tpu.dma_semaphore, #tpu.memory_space<semaphore_mem>>)
    %dma_start3A_118 = arith.constant 7 : i32
    %dma_start3A_119 = arith.constant 7 : i32
    %dma_start3A_120 = tpu.memref_slice %arg3[%dma_start3A_119] : memref<12x!tpu.dma_semaphore, #tpu.memory_space<semaphore_mem>> -> memref<1x!tpu.dma_semaphore, #tpu.memory_space<semaphore_mem>>
    %dma_start3A_121 = tpu.memref_squeeze %dma_start3A_120 : memref<1x!tpu.dma_semaphore, #tpu.memory_space<semaphore_mem>> -> memref<!tpu.dma_semaphore, #tpu.memory_space<semaphore_mem>>
    %dma_start3A_122 = arith.constant 0 : i32
    %dma_start3A_123 = arith.constant 0 : i32
    %dma_start3A_124 = arith.constant 0 : i32
    %dma_start3A_125 = arith.constant 0 : i32
    %dma_start3A_126 = arith.constant 0 : i32
    %dma_start3A_127 = tpu.memref_slice %arg2[%dma_start3A_118, %dma_start3A_122, %dma_start3A_123, %dma_start3A_124, %dma_start3A_125, %dma_start3A_126] : memref<12x1x4x3x224x224xf32, #tpu.memory_space<vmem>> -> memref<1x1x4x3x224x224xf32, #tpu.memory_space<vmem>>
    %dma_start3A_128 = tpu.memref_squeeze %dma_start3A_127 : memref<1x1x4x3x224x224xf32, #tpu.memory_space<vmem>> -> memref<1x4x3x224x224xf32, #tpu.memory_space<vmem>>
    %dma_start3A_129 = arith.constant 3 : i32
    %dma_start3A_130 = arith.constant 4 : i32
    %dma_start3A_131 = arith.constant 1 : i32
    %dma_start3A_132 = arith.constant 0 : i32
    %dma_start3A_133 = arith.constant 0 : i32
    %dma_start3A_134 = tpu.memref_slice %arg0[%dma_start3A_129, %dma_start3A_130, %dma_start3A_131, %dma_start3A_132, %dma_start3A_133] : memref<12x8x4x224x224xf32, #tpu.memory_space<any>> -> memref<1x4x3x224x224xf32, #tpu.memory_space<any>>
    tpu.enqueue_dma source(%dma_start3A_134 : memref<1x4x3x224x224xf32, #tpu.memory_space<any>>) target(%dma_start3A_128 : memref<1x4x3x224x224xf32, #tpu.memory_space<vmem>>) target_semaphore(%dma_start3A_121 : memref<!tpu.dma_semaphore, #tpu.memory_space<semaphore_mem>>)
    %dma_start3A_135 = arith.constant 8 : i32
    %dma_start3A_136 = arith.constant 8 : i32
    %dma_start3A_137 = tpu.memref_slice %arg3[%dma_start3A_136] : memref<12x!tpu.dma_semaphore, #tpu.memory_space<semaphore_mem>> -> memref<1x!tpu.dma_semaphore, #tpu.memory_space<semaphore_mem>>
    %dma_start3A_138 = tpu.memref_squeeze %dma_start3A_137 : memref<1x!tpu.dma_semaphore, #tpu.memory_space<semaphore_mem>> -> memref<!tpu.dma_semaphore, #tpu.memory_space<semaphore_mem>>
    %dma_start3A_139 = arith.constant 0 : i32
    %dma_start3A_140 = arith.constant 0 : i32
    %dma_start3A_141 = arith.constant 0 : i32
    %dma_start3A_142 = arith.constant 0 : i32
    %dma_start3A_143 = arith.constant 0 : i32
    %dma_start3A_144 = tpu.memref_slice %arg2[%dma_start3A_135, %dma_start3A_139, %dma_start3A_140, %dma_start3A_141, %dma_start3A_142, %dma_start3A_143] : memref<12x1x4x3x224x224xf32, #tpu.memory_space<vmem>> -> memref<1x1x4x3x224x224xf32, #tpu.memory_space<vmem>>
    %dma_start3A_145 = tpu.memref_squeeze %dma_start3A_144 : memref<1x1x4x3x224x224xf32, #tpu.memory_space<vmem>> -> memref<1x4x3x224x224xf32, #tpu.memory_space<vmem>>
    %dma_start3A_146 = arith.constant 4 : i32
    %dma_start3A_147 = arith.constant 0 : i32
    %dma_start3A_148 = arith.constant 1 : i32
    %dma_start3A_149 = arith.constant 0 : i32
    %dma_start3A_150 = arith.constant 0 : i32
    %dma_start3A_151 = tpu.memref_slice %arg0[%dma_start3A_146, %dma_start3A_147, %dma_start3A_148, %dma_start3A_149, %dma_start3A_150] : memref<12x8x4x224x224xf32, #tpu.memory_space<any>> -> memref<1x4x3x224x224xf32, #tpu.memory_space<any>>
    tpu.enqueue_dma source(%dma_start3A_151 : memref<1x4x3x224x224xf32, #tpu.memory_space<any>>) target(%dma_start3A_145 : memref<1x4x3x224x224xf32, #tpu.memory_space<vmem>>) target_semaphore(%dma_start3A_138 : memref<!tpu.dma_semaphore, #tpu.memory_space<semaphore_mem>>)
    %dma_start3A_152 = arith.constant 9 : i32
    %dma_start3A_153 = arith.constant 9 : i32
    %dma_start3A_154 = tpu.memref_slice %arg3[%dma_start3A_153] : memref<12x!tpu.dma_semaphore, #tpu.memory_space<semaphore_mem>> -> memref<1x!tpu.dma_semaphore, #tpu.memory_space<semaphore_mem>>
    %dma_start3A_155 = tpu.memref_squeeze %dma_start3A_154 : memref<1x!tpu.dma_semaphore, #tpu.memory_space<semaphore_mem>> -> memref<!tpu.dma_semaphore, #tpu.memory_space<semaphore_mem>>
    %dma_start3A_156 = arith.constant 0 : i32
    %dma_start3A_157 = arith.constant 0 : i32
    %dma_start3A_158 = arith.constant 0 : i32
    %dma_start3A_159 = arith.constant 0 : i32
    %dma_start3A_160 = arith.constant 0 : i32
    %dma_start3A_161 = tpu.memref_slice %arg2[%dma_start3A_152, %dma_start3A_156, %dma_start3A_157, %dma_start3A_158, %dma_start3A_159, %dma_start3A_160] : memref<12x1x4x3x224x224xf32, #tpu.memory_space<vmem>> -> memref<1x1x4x3x224x224xf32, #tpu.memory_space<vmem>>
    %dma_start3A_162 = tpu.memref_squeeze %dma_start3A_161 : memref<1x1x4x3x224x224xf32, #tpu.memory_space<vmem>> -> memref<1x4x3x224x224xf32, #tpu.memory_space<vmem>>
    %dma_start3A_163 = arith.constant 4 : i32
    %dma_start3A_164 = arith.constant 4 : i32
    %dma_start3A_165 = arith.constant 1 : i32
    %dma_start3A_166 = arith.constant 0 : i32
    %dma_start3A_167 = arith.constant 0 : i32
    %dma_start3A_168 = tpu.memref_slice %arg0[%dma_start3A_163, %dma_start3A_164, %dma_start3A_165, %dma_start3A_166, %dma_start3A_167] : memref<12x8x4x224x224xf32, #tpu.memory_space<any>> -> memref<1x4x3x224x224xf32, #tpu.memory_space<any>>
    tpu.enqueue_dma source(%dma_start3A_168 : memref<1x4x3x224x224xf32, #tpu.memory_space<any>>) target(%dma_start3A_162 : memref<1x4x3x224x224xf32, #tpu.memory_space<vmem>>) target_semaphore(%dma_start3A_155 : memref<!tpu.dma_semaphore, #tpu.memory_space<semaphore_mem>>)
    %dma_start3A_169 = arith.constant 10 : i32
    %dma_start3A_170 = arith.constant 10 : i32
    %dma_start3A_171 = tpu.memref_slice %arg3[%dma_start3A_170] : memref<12x!tpu.dma_semaphore, #tpu.memory_space<semaphore_mem>> -> memref<1x!tpu.dma_semaphore, #tpu.memory_space<semaphore_mem>>
    %dma_start3A_172 = tpu.memref_squeeze %dma_start3A_171 : memref<1x!tpu.dma_semaphore, #tpu.memory_space<semaphore_mem>> -> memref<!tpu.dma_semaphore, #tpu.memory_space<semaphore_mem>>
    %dma_start3A_173 = arith.constant 0 : i32
    %dma_start3A_174 = arith.constant 0 : i32
    %dma_start3A_175 = arith.constant 0 : i32
    %dma_start3A_176 = arith.constant 0 : i32
    %dma_start3A_177 = arith.constant 0 : i32
    %dma_start3A_178 = tpu.memref_slice %arg2[%dma_start3A_169, %dma_start3A_173, %dma_start3A_174, %dma_start3A_175, %dma_start3A_176, %dma_start3A_177] : memref<12x1x4x3x224x224xf32, #tpu.memory_space<vmem>> -> memref<1x1x4x3x224x224xf32, #tpu.memory_space<vmem>>
    %dma_start3A_179 = tpu.memref_squeeze %dma_start3A_178 : memref<1x1x4x3x224x224xf32, #tpu.memory_space<vmem>> -> memref<1x4x3x224x224xf32, #tpu.memory_space<vmem>>
    %dma_start3A_180 = arith.constant 5 : i32
    %dma_start3A_181 = arith.constant 0 : i32
    %dma_start3A_182 = arith.constant 1 : i32
    %dma_start3A_183 = arith.constant 0 : i32
    %dma_start3A_184 = arith.constant 0 : i32
    %dma_start3A_185 = tpu.memref_slice %arg0[%dma_start3A_180, %dma_start3A_181, %dma_start3A_182, %dma_start3A_183, %dma_start3A_184] : memref<12x8x4x224x224xf32, #tpu.memory_space<any>> -> memref<1x4x3x224x224xf32, #tpu.memory_space<any>>
    tpu.enqueue_dma source(%dma_start3A_185 : memref<1x4x3x224x224xf32, #tpu.memory_space<any>>) target(%dma_start3A_179 : memref<1x4x3x224x224xf32, #tpu.memory_space<vmem>>) target_semaphore(%dma_start3A_172 : memref<!tpu.dma_semaphore, #tpu.memory_space<semaphore_mem>>)
    %dma_start3A_186 = arith.constant 11 : i32
    %dma_start3A_187 = arith.constant 11 : i32
    %dma_start3A_188 = tpu.memref_slice %arg3[%dma_start3A_187] : memref<12x!tpu.dma_semaphore, #tpu.memory_space<semaphore_mem>> -> memref<1x!tpu.dma_semaphore, #tpu.memory_space<semaphore_mem>>
    %dma_start3A_189 = tpu.memref_squeeze %dma_start3A_188 : memref<1x!tpu.dma_semaphore, #tpu.memory_space<semaphore_mem>> -> memref<!tpu.dma_semaphore, #tpu.memory_space<semaphore_mem>>
    %dma_start3A_190 = arith.constant 0 : i32
    %dma_start3A_191 = arith.constant 0 : i32
    %dma_start3A_192 = arith.constant 0 : i32
    %dma_start3A_193 = arith.constant 0 : i32
    %dma_start3A_194 = arith.constant 0 : i32
    %dma_start3A_195 = tpu.memref_slice %arg2[%dma_start3A_186, %dma_start3A_190, %dma_start3A_191, %dma_start3A_192, %dma_start3A_193, %dma_start3A_194] : memref<12x1x4x3x224x224xf32, #tpu.memory_space<vmem>> -> memref<1x1x4x3x224x224xf32, #tpu.memory_space<vmem>>
    %dma_start3A_196 = tpu.memref_squeeze %dma_start3A_195 : memref<1x1x4x3x224x224xf32, #tpu.memory_space<vmem>> -> memref<1x4x3x224x224xf32, #tpu.memory_space<vmem>>
    %dma_start3A_197 = arith.constant 5 : i32
    %dma_start3A_198 = arith.constant 4 : i32
    %dma_start3A_199 = arith.constant 1 : i32
    %dma_start3A_200 = arith.constant 0 : i32
    %dma_start3A_201 = arith.constant 0 : i32
    %dma_start3A_202 = tpu.memref_slice %arg0[%dma_start3A_197, %dma_start3A_198, %dma_start3A_199, %dma_start3A_200, %dma_start3A_201] : memref<12x8x4x224x224xf32, #tpu.memory_space<any>> -> memref<1x4x3x224x224xf32, #tpu.memory_space<any>>
    tpu.enqueue_dma source(%dma_start3A_202 : memref<1x4x3x224x224xf32, #tpu.memory_space<any>>) target(%dma_start3A_196 : memref<1x4x3x224x224xf32, #tpu.memory_space<vmem>>) target_semaphore(%dma_start3A_189 : memref<!tpu.dma_semaphore, #tpu.memory_space<semaphore_mem>>)
    %dma_wait3A = arith.constant 0 : i32
    %dma_wait3A_203 = arith.constant 0 : i32
    %dma_wait3A_204 = tpu.memref_slice %arg3[%dma_wait3A_203] : memref<12x!tpu.dma_semaphore, #tpu.memory_space<semaphore_mem>> -> memref<1x!tpu.dma_semaphore, #tpu.memory_space<semaphore_mem>>
    %dma_wait3A_205 = tpu.memref_squeeze %dma_wait3A_204 : memref<1x!tpu.dma_semaphore, #tpu.memory_space<semaphore_mem>> -> memref<!tpu.dma_semaphore, #tpu.memory_space<semaphore_mem>>
    %dma_wait3A_206 = arith.constant 0 : i32
    %dma_wait3A_207 = arith.constant 0 : i32
    %dma_wait3A_208 = arith.constant 0 : i32
    %dma_wait3A_209 = arith.constant 0 : i32
    %dma_wait3A_210 = arith.constant 0 : i32
    %dma_wait3A_211 = tpu.memref_slice %arg2[%dma_wait3A, %dma_wait3A_206, %dma_wait3A_207, %dma_wait3A_208, %dma_wait3A_209, %dma_wait3A_210] : memref<12x1x4x3x224x224xf32, #tpu.memory_space<vmem>> -> memref<1x1x4x3x224x224xf32, #tpu.memory_space<vmem>>
    %dma_wait3A_212 = tpu.memref_squeeze %dma_wait3A_211 : memref<1x1x4x3x224x224xf32, #tpu.memory_space<vmem>> -> memref<1x4x3x224x224xf32, #tpu.memory_space<vmem>>
    %dma_wait3A_213 = arith.constant 0 : i32
    %dma_wait3A_214 = arith.constant 0 : i32
    %dma_wait3A_215 = arith.constant 1 : i32
    %dma_wait3A_216 = arith.constant 0 : i32
    %dma_wait3A_217 = arith.constant 0 : i32
    %dma_wait3A_218 = tpu.memref_slice %arg0[%dma_wait3A_213, %dma_wait3A_214, %dma_wait3A_215, %dma_wait3A_216, %dma_wait3A_217] : memref<12x8x4x224x224xf32, #tpu.memory_space<any>> -> memref<1x4x3x224x224xf32, #tpu.memory_space<any>>
    tpu.wait_dma2 semaphore(%dma_wait3A_205 : memref<!tpu.dma_semaphore, #tpu.memory_space<semaphore_mem>>) src(%dma_wait3A_218 : memref<1x4x3x224x224xf32, #tpu.memory_space<any>>) dst(%dma_wait3A_212 : memref<1x4x3x224x224xf32, #tpu.memory_space<vmem>>)
    %dma_start3A_219 = arith.constant 0 : i32
    %dma_start3A_220 = arith.constant 0 : i32
    %dma_start3A_221 = tpu.memref_slice %arg4[%dma_start3A_220] : memref<12x!tpu.dma_semaphore, #tpu.memory_space<semaphore_mem>> -> memref<1x!tpu.dma_semaphore, #tpu.memory_space<semaphore_mem>>
    %dma_start3A_222 = tpu.memref_squeeze %dma_start3A_221 : memref<1x!tpu.dma_semaphore, #tpu.memory_space<semaphore_mem>> -> memref<!tpu.dma_semaphore, #tpu.memory_space<semaphore_mem>>
    %dma_start3A_223 = arith.constant 0 : i32
    %dma_start3A_224 = arith.constant 0 : i32
    %dma_start3A_225 = arith.constant 0 : i32
    %dma_start3A_226 = arith.constant 0 : i32
    %dma_start3A_227 = arith.constant 0 : i32
    %dma_start3A_228 = tpu.memref_slice %arg1[%dma_start3A_223, %dma_start3A_224, %dma_start3A_225, %dma_start3A_226, %dma_start3A_227] : memref<12x8x3x224x224xf32, #tpu.memory_space<any>> -> memref<1x4x3x224x224xf32, #tpu.memory_space<any>>
    %dma_start3A_229 = arith.constant 0 : i32
    %dma_start3A_230 = arith.constant 0 : i32
    %dma_start3A_231 = arith.constant 0 : i32
    %dma_start3A_232 = arith.constant 0 : i32
    %dma_start3A_233 = arith.constant 0 : i32
    %dma_start3A_234 = tpu.memref_slice %arg2[%dma_start3A_219, %dma_start3A_229, %dma_start3A_230, %dma_start3A_231, %dma_start3A_232, %dma_start3A_233] : memref<12x1x4x3x224x224xf32, #tpu.memory_space<vmem>> -> memref<1x1x4x3x224x224xf32, #tpu.memory_space<vmem>>
    %dma_start3A_235 = tpu.memref_squeeze %dma_start3A_234 : memref<1x1x4x3x224x224xf32, #tpu.memory_space<vmem>> -> memref<1x4x3x224x224xf32, #tpu.memory_space<vmem>>
    tpu.enqueue_dma source(%dma_start3A_235 : memref<1x4x3x224x224xf32, #tpu.memory_space<vmem>>) target(%dma_start3A_228 : memref<1x4x3x224x224xf32, #tpu.memory_space<any>>) target_semaphore(%dma_start3A_222 : memref<!tpu.dma_semaphore, #tpu.memory_space<semaphore_mem>>)
    %dma_wait3A_236 = arith.constant 0 : i32
    %dma_wait3A_237 = arith.constant 0 : i32
    %dma_wait3A_238 = tpu.memref_slice %arg4[%dma_wait3A_237] : memref<12x!tpu.dma_semaphore, #tpu.memory_space<semaphore_mem>> -> memref<1x!tpu.dma_semaphore, #tpu.memory_space<semaphore_mem>>
    %dma_wait3A_239 = tpu.memref_squeeze %dma_wait3A_238 : memref<1x!tpu.dma_semaphore, #tpu.memory_space<semaphore_mem>> -> memref<!tpu.dma_semaphore, #tpu.memory_space<semaphore_mem>>
    %dma_wait3A_240 = arith.constant 0 : i32
    %dma_wait3A_241 = arith.constant 0 : i32
    %dma_wait3A_242 = arith.constant 0 : i32
    %dma_wait3A_243 = arith.constant 0 : i32
    %dma_wait3A_244 = arith.constant 0 : i32
    %dma_wait3A_245 = tpu.memref_slice %arg1[%dma_wait3A_240, %dma_wait3A_241, %dma_wait3A_242, %dma_wait3A_243, %dma_wait3A_244] : memref<12x8x3x224x224xf32, #tpu.memory_space<any>> -> memref<1x4x3x224x224xf32, #tpu.memory_space<any>>
    %dma_wait3A_246 = arith.constant 0 : i32
    %dma_wait3A_247 = arith.constant 0 : i32
    %dma_wait3A_248 = arith.constant 0 : i32
    %dma_wait3A_249 = arith.constant 0 : i32
    %dma_wait3A_250 = arith.constant 0 : i32
    %dma_wait3A_251 = tpu.memref_slice %arg2[%dma_wait3A_236, %dma_wait3A_246, %dma_wait3A_247, %dma_wait3A_248, %dma_wait3A_249, %dma_wait3A_250] : memref<12x1x4x3x224x224xf32, #tpu.memory_space<vmem>> -> memref<1x1x4x3x224x224xf32, #tpu.memory_space<vmem>>
    %dma_wait3A_252 = tpu.memref_squeeze %dma_wait3A_251 : memref<1x1x4x3x224x224xf32, #tpu.memory_space<vmem>> -> memref<1x4x3x224x224xf32, #tpu.memory_space<vmem>>
    tpu.wait_dma2 semaphore(%dma_wait3A_239 : memref<!tpu.dma_semaphore, #tpu.memory_space<semaphore_mem>>) src(%dma_wait3A_252 : memref<1x4x3x224x224xf32, #tpu.memory_space<vmem>>) dst(%dma_wait3A_245 : memref<1x4x3x224x224xf32, #tpu.memory_space<any>>)
    %dma_start3A_253 = arith.constant 0 : i32
    %dma_start3A_254 = arith.constant 0 : i32
    %dma_start3A_255 = tpu.memref_slice %arg3[%dma_start3A_254] : memref<12x!tpu.dma_semaphore, #tpu.memory_space<semaphore_mem>> -> memref<1x!tpu.dma_semaphore, #tpu.memory_space<semaphore_mem>>
    %dma_start3A_256 = tpu.memref_squeeze %dma_start3A_255 : memref<1x!tpu.dma_semaphore, #tpu.memory_space<semaphore_mem>> -> memref<!tpu.dma_semaphore, #tpu.memory_space<semaphore_mem>>
    %dma_start3A_257 = arith.constant 0 : i32
    %dma_start3A_258 = arith.constant 0 : i32
    %dma_start3A_259 = arith.constant 0 : i32
    %dma_start3A_260 = arith.constant 0 : i32
    %dma_start3A_261 = arith.constant 0 : i32
    %dma_start3A_262 = tpu.memref_slice %arg2[%dma_start3A_253, %dma_start3A_257, %dma_start3A_258, %dma_start3A_259, %dma_start3A_260, %dma_start3A_261] : memref<12x1x4x3x224x224xf32, #tpu.memory_space<vmem>> -> memref<1x1x4x3x224x224xf32, #tpu.memory_space<vmem>>
    %dma_start3A_263 = tpu.memref_squeeze %dma_start3A_262 : memref<1x1x4x3x224x224xf32, #tpu.memory_space<vmem>> -> memref<1x4x3x224x224xf32, #tpu.memory_space<vmem>>
    %dma_start3A_264 = arith.constant 6 : i32
    %dma_start3A_265 = arith.constant 0 : i32
    %dma_start3A_266 = arith.constant 1 : i32
    %dma_start3A_267 = arith.constant 0 : i32
    %dma_start3A_268 = arith.constant 0 : i32
    %dma_start3A_269 = tpu.memref_slice %arg0[%dma_start3A_264, %dma_start3A_265, %dma_start3A_266, %dma_start3A_267, %dma_start3A_268] : memref<12x8x4x224x224xf32, #tpu.memory_space<any>> -> memref<1x4x3x224x224xf32, #tpu.memory_space<any>>
    tpu.enqueue_dma source(%dma_start3A_269 : memref<1x4x3x224x224xf32, #tpu.memory_space<any>>) target(%dma_start3A_263 : memref<1x4x3x224x224xf32, #tpu.memory_space<vmem>>) target_semaphore(%dma_start3A_256 : memref<!tpu.dma_semaphore, #tpu.memory_space<semaphore_mem>>)
    %dma_wait3A_270 = arith.constant 1 : i32
    %dma_wait3A_271 = arith.constant 1 : i32
    %dma_wait3A_272 = tpu.memref_slice %arg3[%dma_wait3A_271] : memref<12x!tpu.dma_semaphore, #tpu.memory_space<semaphore_mem>> -> memref<1x!tpu.dma_semaphore, #tpu.memory_space<semaphore_mem>>
    %dma_wait3A_273 = tpu.memref_squeeze %dma_wait3A_272 : memref<1x!tpu.dma_semaphore, #tpu.memory_space<semaphore_mem>> -> memref<!tpu.dma_semaphore, #tpu.memory_space<semaphore_mem>>
    %dma_wait3A_274 = arith.constant 0 : i32
    %dma_wait3A_275 = arith.constant 0 : i32
    %dma_wait3A_276 = arith.constant 0 : i32
    %dma_wait3A_277 = arith.constant 0 : i32
    %dma_wait3A_278 = arith.constant 0 : i32
    %dma_wait3A_279 = tpu.memref_slice %arg2[%dma_wait3A_270, %dma_wait3A_274, %dma_wait3A_275, %dma_wait3A_276, %dma_wait3A_277, %dma_wait3A_278] : memref<12x1x4x3x224x224xf32, #tpu.memory_space<vmem>> -> memref<1x1x4x3x224x224xf32, #tpu.memory_space<vmem>>
    %dma_wait3A_280 = tpu.memref_squeeze %dma_wait3A_279 : memref<1x1x4x3x224x224xf32, #tpu.memory_space<vmem>> -> memref<1x4x3x224x224xf32, #tpu.memory_space<vmem>>
    %dma_wait3A_281 = arith.constant 0 : i32
    %dma_wait3A_282 = arith.constant 4 : i32
    %dma_wait3A_283 = arith.constant 1 : i32
    %dma_wait3A_284 = arith.constant 0 : i32
    %dma_wait3A_285 = arith.constant 0 : i32
    %dma_wait3A_286 = tpu.memref_slice %arg0[%dma_wait3A_281, %dma_wait3A_282, %dma_wait3A_283, %dma_wait3A_284, %dma_wait3A_285] : memref<12x8x4x224x224xf32, #tpu.memory_space<any>> -> memref<1x4x3x224x224xf32, #tpu.memory_space<any>>
    tpu.wait_dma2 semaphore(%dma_wait3A_273 : memref<!tpu.dma_semaphore, #tpu.memory_space<semaphore_mem>>) src(%dma_wait3A_286 : memref<1x4x3x224x224xf32, #tpu.memory_space<any>>) dst(%dma_wait3A_280 : memref<1x4x3x224x224xf32, #tpu.memory_space<vmem>>)
    %dma_start3A_287 = arith.constant 1 : i32
    %dma_start3A_288 = arith.constant 1 : i32
    %dma_start3A_289 = tpu.memref_slice %arg4[%dma_start3A_288] : memref<12x!tpu.dma_semaphore, #tpu.memory_space<semaphore_mem>> -> memref<1x!tpu.dma_semaphore, #tpu.memory_space<semaphore_mem>>
    %dma_start3A_290 = tpu.memref_squeeze %dma_start3A_289 : memref<1x!tpu.dma_semaphore, #tpu.memory_space<semaphore_mem>> -> memref<!tpu.dma_semaphore, #tpu.memory_space<semaphore_mem>>
    %dma_start3A_291 = arith.constant 0 : i32
    %dma_start3A_292 = arith.constant 4 : i32
    %dma_start3A_293 = arith.constant 0 : i32
    %dma_start3A_294 = arith.constant 0 : i32
    %dma_start3A_295 = arith.constant 0 : i32
    %dma_start3A_296 = tpu.memref_slice %arg1[%dma_start3A_291, %dma_start3A_292, %dma_start3A_293, %dma_start3A_294, %dma_start3A_295] : memref<12x8x3x224x224xf32, #tpu.memory_space<any>> -> memref<1x4x3x224x224xf32, #tpu.memory_space<any>>
    %dma_start3A_297 = arith.constant 0 : i32
    %dma_start3A_298 = arith.constant 0 : i32
    %dma_start3A_299 = arith.constant 0 : i32
    %dma_start3A_300 = arith.constant 0 : i32
    %dma_start3A_301 = arith.constant 0 : i32
    %dma_start3A_302 = tpu.memref_slice %arg2[%dma_start3A_287, %dma_start3A_297, %dma_start3A_298, %dma_start3A_299, %dma_start3A_300, %dma_start3A_301] : memref<12x1x4x3x224x224xf32, #tpu.memory_space<vmem>> -> memref<1x1x4x3x224x224xf32, #tpu.memory_space<vmem>>
    %dma_start3A_303 = tpu.memref_squeeze %dma_start3A_302 : memref<1x1x4x3x224x224xf32, #tpu.memory_space<vmem>> -> memref<1x4x3x224x224xf32, #tpu.memory_space<vmem>>
    tpu.enqueue_dma source(%dma_start3A_303 : memref<1x4x3x224x224xf32, #tpu.memory_space<vmem>>) target(%dma_start3A_296 : memref<1x4x3x224x224xf32, #tpu.memory_space<any>>) target_semaphore(%dma_start3A_290 : memref<!tpu.dma_semaphore, #tpu.memory_space<semaphore_mem>>)
    %dma_wait3A_304 = arith.constant 1 : i32
    %dma_wait3A_305 = arith.constant 1 : i32
    %dma_wait3A_306 = tpu.memref_slice %arg4[%dma_wait3A_305] : memref<12x!tpu.dma_semaphore, #tpu.memory_space<semaphore_mem>> -> memref<1x!tpu.dma_semaphore, #tpu.memory_space<semaphore_mem>>
    %dma_wait3A_307 = tpu.memref_squeeze %dma_wait3A_306 : memref<1x!tpu.dma_semaphore, #tpu.memory_space<semaphore_mem>> -> memref<!tpu.dma_semaphore, #tpu.memory_space<semaphore_mem>>
    %dma_wait3A_308 = arith.constant 0 : i32
    %dma_wait3A_309 = arith.constant 4 : i32
    %dma_wait3A_310 = arith.constant 0 : i32
    %dma_wait3A_311 = arith.constant 0 : i32
    %dma_wait3A_312 = arith.constant 0 : i32
    %dma_wait3A_313 = tpu.memref_slice %arg1[%dma_wait3A_308, %dma_wait3A_309, %dma_wait3A_310, %dma_wait3A_311, %dma_wait3A_312] : memref<12x8x3x224x224xf32, #tpu.memory_space<any>> -> memref<1x4x3x224x224xf32, #tpu.memory_space<any>>
    %dma_wait3A_314 = arith.constant 0 : i32
    %dma_wait3A_315 = arith.constant 0 : i32
    %dma_wait3A_316 = arith.constant 0 : i32
    %dma_wait3A_317 = arith.constant 0 : i32
    %dma_wait3A_318 = arith.constant 0 : i32
    %dma_wait3A_319 = tpu.memref_slice %arg2[%dma_wait3A_304, %dma_wait3A_314, %dma_wait3A_315, %dma_wait3A_316, %dma_wait3A_317, %dma_wait3A_318] : memref<12x1x4x3x224x224xf32, #tpu.memory_space<vmem>> -> memref<1x1x4x3x224x224xf32, #tpu.memory_space<vmem>>
    %dma_wait3A_320 = tpu.memref_squeeze %dma_wait3A_319 : memref<1x1x4x3x224x224xf32, #tpu.memory_space<vmem>> -> memref<1x4x3x224x224xf32, #tpu.memory_space<vmem>>
    tpu.wait_dma2 semaphore(%dma_wait3A_307 : memref<!tpu.dma_semaphore, #tpu.memory_space<semaphore_mem>>) src(%dma_wait3A_320 : memref<1x4x3x224x224xf32, #tpu.memory_space<vmem>>) dst(%dma_wait3A_313 : memref<1x4x3x224x224xf32, #tpu.memory_space<any>>)
    %dma_start3A_321 = arith.constant 1 : i32
    %dma_start3A_322 = arith.constant 1 : i32
    %dma_start3A_323 = tpu.memref_slice %arg3[%dma_start3A_322] : memref<12x!tpu.dma_semaphore, #tpu.memory_space<semaphore_mem>> -> memref<1x!tpu.dma_semaphore, #tpu.memory_space<semaphore_mem>>
    %dma_start3A_324 = tpu.memref_squeeze %dma_start3A_323 : memref<1x!tpu.dma_semaphore, #tpu.memory_space<semaphore_mem>> -> memref<!tpu.dma_semaphore, #tpu.memory_space<semaphore_mem>>
    %dma_start3A_325 = arith.constant 0 : i32
    %dma_start3A_326 = arith.constant 0 : i32
    %dma_start3A_327 = arith.constant 0 : i32
    %dma_start3A_328 = arith.constant 0 : i32
    %dma_start3A_329 = arith.constant 0 : i32
    %dma_start3A_330 = tpu.memref_slice %arg2[%dma_start3A_321, %dma_start3A_325, %dma_start3A_326, %dma_start3A_327, %dma_start3A_328, %dma_start3A_329] : memref<12x1x4x3x224x224xf32, #tpu.memory_space<vmem>> -> memref<1x1x4x3x224x224xf32, #tpu.memory_space<vmem>>
    %dma_start3A_331 = tpu.memref_squeeze %dma_start3A_330 : memref<1x1x4x3x224x224xf32, #tpu.memory_space<vmem>> -> memref<1x4x3x224x224xf32, #tpu.memory_space<vmem>>
    %dma_start3A_332 = arith.constant 6 : i32
    %dma_start3A_333 = arith.constant 4 : i32
    %dma_start3A_334 = arith.constant 1 : i32
    %dma_start3A_335 = arith.constant 0 : i32
    %dma_start3A_336 = arith.constant 0 : i32
    %dma_start3A_337 = tpu.memref_slice %arg0[%dma_start3A_332, %dma_start3A_333, %dma_start3A_334, %dma_start3A_335, %dma_start3A_336] : memref<12x8x4x224x224xf32, #tpu.memory_space<any>> -> memref<1x4x3x224x224xf32, #tpu.memory_space<any>>
    tpu.enqueue_dma source(%dma_start3A_337 : memref<1x4x3x224x224xf32, #tpu.memory_space<any>>) target(%dma_start3A_331 : memref<1x4x3x224x224xf32, #tpu.memory_space<vmem>>) target_semaphore(%dma_start3A_324 : memref<!tpu.dma_semaphore, #tpu.memory_space<semaphore_mem>>)
    %dma_wait3A_338 = arith.constant 2 : i32
    %dma_wait3A_339 = arith.constant 2 : i32
    %dma_wait3A_340 = tpu.memref_slice %arg3[%dma_wait3A_339] : memref<12x!tpu.dma_semaphore, #tpu.memory_space<semaphore_mem>> -> memref<1x!tpu.dma_semaphore, #tpu.memory_space<semaphore_mem>>
    %dma_wait3A_341 = tpu.memref_squeeze %dma_wait3A_340 : memref<1x!tpu.dma_semaphore, #tpu.memory_space<semaphore_mem>> -> memref<!tpu.dma_semaphore, #tpu.memory_space<semaphore_mem>>
    %dma_wait3A_342 = arith.constant 0 : i32
    %dma_wait3A_343 = arith.constant 0 : i32
    %dma_wait3A_344 = arith.constant 0 : i32
    %dma_wait3A_345 = arith.constant 0 : i32
    %dma_wait3A_346 = arith.constant 0 : i32
    %dma_wait3A_347 = tpu.memref_slice %arg2[%dma_wait3A_338, %dma_wait3A_342, %dma_wait3A_343, %dma_wait3A_344, %dma_wait3A_345, %dma_wait3A_346] : memref<12x1x4x3x224x224xf32, #tpu.memory_space<vmem>> -> memref<1x1x4x3x224x224xf32, #tpu.memory_space<vmem>>
    %dma_wait3A_348 = tpu.memref_squeeze %dma_wait3A_347 : memref<1x1x4x3x224x224xf32, #tpu.memory_space<vmem>> -> memref<1x4x3x224x224xf32, #tpu.memory_space<vmem>>
    %dma_wait3A_349 = arith.constant 1 : i32
    %dma_wait3A_350 = arith.constant 0 : i32
    %dma_wait3A_351 = arith.constant 1 : i32
    %dma_wait3A_352 = arith.constant 0 : i32
    %dma_wait3A_353 = arith.constant 0 : i32
    %dma_wait3A_354 = tpu.memref_slice %arg0[%dma_wait3A_349, %dma_wait3A_350, %dma_wait3A_351, %dma_wait3A_352, %dma_wait3A_353] : memref<12x8x4x224x224xf32, #tpu.memory_space<any>> -> memref<1x4x3x224x224xf32, #tpu.memory_space<any>>
    tpu.wait_dma2 semaphore(%dma_wait3A_341 : memref<!tpu.dma_semaphore, #tpu.memory_space<semaphore_mem>>) src(%dma_wait3A_354 : memref<1x4x3x224x224xf32, #tpu.memory_space<any>>) dst(%dma_wait3A_348 : memref<1x4x3x224x224xf32, #tpu.memory_space<vmem>>)
    %dma_start3A_355 = arith.constant 2 : i32
    %dma_start3A_356 = arith.constant 2 : i32
    %dma_start3A_357 = tpu.memref_slice %arg4[%dma_start3A_356] : memref<12x!tpu.dma_semaphore, #tpu.memory_space<semaphore_mem>> -> memref<1x!tpu.dma_semaphore, #tpu.memory_space<semaphore_mem>>
    %dma_start3A_358 = tpu.memref_squeeze %dma_start3A_357 : memref<1x!tpu.dma_semaphore, #tpu.memory_space<semaphore_mem>> -> memref<!tpu.dma_semaphore, #tpu.memory_space<semaphore_mem>>
    %dma_start3A_359 = arith.constant 1 : i32
    %dma_start3A_360 = arith.constant 0 : i32
    %dma_start3A_361 = arith.constant 0 : i32
    %dma_start3A_362 = arith.constant 0 : i32
    %dma_start3A_363 = arith.constant 0 : i32
    %dma_start3A_364 = tpu.memref_slice %arg1[%dma_start3A_359, %dma_start3A_360, %dma_start3A_361, %dma_start3A_362, %dma_start3A_363] : memref<12x8x3x224x224xf32, #tpu.memory_space<any>> -> memref<1x4x3x224x224xf32, #tpu.memory_space<any>>
    %dma_start3A_365 = arith.constant 0 : i32
    %dma_start3A_366 = arith.constant 0 : i32
    %dma_start3A_367 = arith.constant 0 : i32
    %dma_start3A_368 = arith.constant 0 : i32
    %dma_start3A_369 = arith.constant 0 : i32
    %dma_start3A_370 = tpu.memref_slice %arg2[%dma_start3A_355, %dma_start3A_365, %dma_start3A_366, %dma_start3A_367, %dma_start3A_368, %dma_start3A_369] : memref<12x1x4x3x224x224xf32, #tpu.memory_space<vmem>> -> memref<1x1x4x3x224x224xf32, #tpu.memory_space<vmem>>
    %dma_start3A_371 = tpu.memref_squeeze %dma_start3A_370 : memref<1x1x4x3x224x224xf32, #tpu.memory_space<vmem>> -> memref<1x4x3x224x224xf32, #tpu.memory_space<vmem>>
    tpu.enqueue_dma source(%dma_start3A_371 : memref<1x4x3x224x224xf32, #tpu.memory_space<vmem>>) target(%dma_start3A_364 : memref<1x4x3x224x224xf32, #tpu.memory_space<any>>) target_semaphore(%dma_start3A_358 : memref<!tpu.dma_semaphore, #tpu.memory_space<semaphore_mem>>)
    %dma_wait3A_372 = arith.constant 2 : i32
    %dma_wait3A_373 = arith.constant 2 : i32
    %dma_wait3A_374 = tpu.memref_slice %arg4[%dma_wait3A_373] : memref<12x!tpu.dma_semaphore, #tpu.memory_space<semaphore_mem>> -> memref<1x!tpu.dma_semaphore, #tpu.memory_space<semaphore_mem>>
    %dma_wait3A_375 = tpu.memref_squeeze %dma_wait3A_374 : memref<1x!tpu.dma_semaphore, #tpu.memory_space<semaphore_mem>> -> memref<!tpu.dma_semaphore, #tpu.memory_space<semaphore_mem>>
    %dma_wait3A_376 = arith.constant 1 : i32
    %dma_wait3A_377 = arith.constant 0 : i32
    %dma_wait3A_378 = arith.constant 0 : i32
    %dma_wait3A_379 = arith.constant 0 : i32
    %dma_wait3A_380 = arith.constant 0 : i32
    %dma_wait3A_381 = tpu.memref_slice %arg1[%dma_wait3A_376, %dma_wait3A_377, %dma_wait3A_378, %dma_wait3A_379, %dma_wait3A_380] : memref<12x8x3x224x224xf32, #tpu.memory_space<any>> -> memref<1x4x3x224x224xf32, #tpu.memory_space<any>>
    %dma_wait3A_382 = arith.constant 0 : i32
    %dma_wait3A_383 = arith.constant 0 : i32
    %dma_wait3A_384 = arith.constant 0 : i32
    %dma_wait3A_385 = arith.constant 0 : i32
    %dma_wait3A_386 = arith.constant 0 : i32
    %dma_wait3A_387 = tpu.memref_slice %arg2[%dma_wait3A_372, %dma_wait3A_382, %dma_wait3A_383, %dma_wait3A_384, %dma_wait3A_385, %dma_wait3A_386] : memref<12x1x4x3x224x224xf32, #tpu.memory_space<vmem>> -> memref<1x1x4x3x224x224xf32, #tpu.memory_space<vmem>>
    %dma_wait3A_388 = tpu.memref_squeeze %dma_wait3A_387 : memref<1x1x4x3x224x224xf32, #tpu.memory_space<vmem>> -> memref<1x4x3x224x224xf32, #tpu.memory_space<vmem>>
    tpu.wait_dma2 semaphore(%dma_wait3A_375 : memref<!tpu.dma_semaphore, #tpu.memory_space<semaphore_mem>>) src(%dma_wait3A_388 : memref<1x4x3x224x224xf32, #tpu.memory_space<vmem>>) dst(%dma_wait3A_381 : memref<1x4x3x224x224xf32, #tpu.memory_space<any>>)
    %dma_start3A_389 = arith.constant 2 : i32
    %dma_start3A_390 = arith.constant 2 : i32
    %dma_start3A_391 = tpu.memref_slice %arg3[%dma_start3A_390] : memref<12x!tpu.dma_semaphore, #tpu.memory_space<semaphore_mem>> -> memref<1x!tpu.dma_semaphore, #tpu.memory_space<semaphore_mem>>
    %dma_start3A_392 = tpu.memref_squeeze %dma_start3A_391 : memref<1x!tpu.dma_semaphore, #tpu.memory_space<semaphore_mem>> -> memref<!tpu.dma_semaphore, #tpu.memory_space<semaphore_mem>>
    %dma_start3A_393 = arith.constant 0 : i32
    %dma_start3A_394 = arith.constant 0 : i32
    %dma_start3A_395 = arith.constant 0 : i32
    %dma_start3A_396 = arith.constant 0 : i32
    %dma_start3A_397 = arith.constant 0 : i32
    %dma_start3A_398 = tpu.memref_slice %arg2[%dma_start3A_389, %dma_start3A_393, %dma_start3A_394, %dma_start3A_395, %dma_start3A_396, %dma_start3A_397] : memref<12x1x4x3x224x224xf32, #tpu.memory_space<vmem>> -> memref<1x1x4x3x224x224xf32, #tpu.memory_space<vmem>>
    %dma_start3A_399 = tpu.memref_squeeze %dma_start3A_398 : memref<1x1x4x3x224x224xf32, #tpu.memory_space<vmem>> -> memref<1x4x3x224x224xf32, #tpu.memory_space<vmem>>
    %dma_start3A_400 = arith.constant 7 : i32
    %dma_start3A_401 = arith.constant 0 : i32
    %dma_start3A_402 = arith.constant 1 : i32
    %dma_start3A_403 = arith.constant 0 : i32
    %dma_start3A_404 = arith.constant 0 : i32
    %dma_start3A_405 = tpu.memref_slice %arg0[%dma_start3A_400, %dma_start3A_401, %dma_start3A_402, %dma_start3A_403, %dma_start3A_404] : memref<12x8x4x224x224xf32, #tpu.memory_space<any>> -> memref<1x4x3x224x224xf32, #tpu.memory_space<any>>
    tpu.enqueue_dma source(%dma_start3A_405 : memref<1x4x3x224x224xf32, #tpu.memory_space<any>>) target(%dma_start3A_399 : memref<1x4x3x224x224xf32, #tpu.memory_space<vmem>>) target_semaphore(%dma_start3A_392 : memref<!tpu.dma_semaphore, #tpu.memory_space<semaphore_mem>>)
    %dma_wait3A_406 = arith.constant 3 : i32
    %dma_wait3A_407 = arith.constant 3 : i32
    %dma_wait3A_408 = tpu.memref_slice %arg3[%dma_wait3A_407] : memref<12x!tpu.dma_semaphore, #tpu.memory_space<semaphore_mem>> -> memref<1x!tpu.dma_semaphore, #tpu.memory_space<semaphore_mem>>
    %dma_wait3A_409 = tpu.memref_squeeze %dma_wait3A_408 : memref<1x!tpu.dma_semaphore, #tpu.memory_space<semaphore_mem>> -> memref<!tpu.dma_semaphore, #tpu.memory_space<semaphore_mem>>
    %dma_wait3A_410 = arith.constant 0 : i32
    %dma_wait3A_411 = arith.constant 0 : i32
    %dma_wait3A_412 = arith.constant 0 : i32
    %dma_wait3A_413 = arith.constant 0 : i32
    %dma_wait3A_414 = arith.constant 0 : i32
    %dma_wait3A_415 = tpu.memref_slice %arg2[%dma_wait3A_406, %dma_wait3A_410, %dma_wait3A_411, %dma_wait3A_412, %dma_wait3A_413, %dma_wait3A_414] : memref<12x1x4x3x224x224xf32, #tpu.memory_space<vmem>> -> memref<1x1x4x3x224x224xf32, #tpu.memory_space<vmem>>
    %dma_wait3A_416 = tpu.memref_squeeze %dma_wait3A_415 : memref<1x1x4x3x224x224xf32, #tpu.memory_space<vmem>> -> memref<1x4x3x224x224xf32, #tpu.memory_space<vmem>>
    %dma_wait3A_417 = arith.constant 1 : i32
    %dma_wait3A_418 = arith.constant 4 : i32
    %dma_wait3A_419 = arith.constant 1 : i32
    %dma_wait3A_420 = arith.constant 0 : i32
    %dma_wait3A_421 = arith.constant 0 : i32
    %dma_wait3A_422 = tpu.memref_slice %arg0[%dma_wait3A_417, %dma_wait3A_418, %dma_wait3A_419, %dma_wait3A_420, %dma_wait3A_421] : memref<12x8x4x224x224xf32, #tpu.memory_space<any>> -> memref<1x4x3x224x224xf32, #tpu.memory_space<any>>
    tpu.wait_dma2 semaphore(%dma_wait3A_409 : memref<!tpu.dma_semaphore, #tpu.memory_space<semaphore_mem>>) src(%dma_wait3A_422 : memref<1x4x3x224x224xf32, #tpu.memory_space<any>>) dst(%dma_wait3A_416 : memref<1x4x3x224x224xf32, #tpu.memory_space<vmem>>)
    %dma_start3A_423 = arith.constant 3 : i32
    %dma_start3A_424 = arith.constant 3 : i32
    %dma_start3A_425 = tpu.memref_slice %arg4[%dma_start3A_424] : memref<12x!tpu.dma_semaphore, #tpu.memory_space<semaphore_mem>> -> memref<1x!tpu.dma_semaphore, #tpu.memory_space<semaphore_mem>>
    %dma_start3A_426 = tpu.memref_squeeze %dma_start3A_425 : memref<1x!tpu.dma_semaphore, #tpu.memory_space<semaphore_mem>> -> memref<!tpu.dma_semaphore, #tpu.memory_space<semaphore_mem>>
    %dma_start3A_427 = arith.constant 1 : i32
    %dma_start3A_428 = arith.constant 4 : i32
    %dma_start3A_429 = arith.constant 0 : i32
    %dma_start3A_430 = arith.constant 0 : i32
    %dma_start3A_431 = arith.constant 0 : i32
    %dma_start3A_432 = tpu.memref_slice %arg1[%dma_start3A_427, %dma_start3A_428, %dma_start3A_429, %dma_start3A_430, %dma_start3A_431] : memref<12x8x3x224x224xf32, #tpu.memory_space<any>> -> memref<1x4x3x224x224xf32, #tpu.memory_space<any>>
    %dma_start3A_433 = arith.constant 0 : i32
    %dma_start3A_434 = arith.constant 0 : i32
    %dma_start3A_435 = arith.constant 0 : i32
    %dma_start3A_436 = arith.constant 0 : i32
    %dma_start3A_437 = arith.constant 0 : i32
    %dma_start3A_438 = tpu.memref_slice %arg2[%dma_start3A_423, %dma_start3A_433, %dma_start3A_434, %dma_start3A_435, %dma_start3A_436, %dma_start3A_437] : memref<12x1x4x3x224x224xf32, #tpu.memory_space<vmem>> -> memref<1x1x4x3x224x224xf32, #tpu.memory_space<vmem>>
    %dma_start3A_439 = tpu.memref_squeeze %dma_start3A_438 : memref<1x1x4x3x224x224xf32, #tpu.memory_space<vmem>> -> memref<1x4x3x224x224xf32, #tpu.memory_space<vmem>>
    tpu.enqueue_dma source(%dma_start3A_439 : memref<1x4x3x224x224xf32, #tpu.memory_space<vmem>>) target(%dma_start3A_432 : memref<1x4x3x224x224xf32, #tpu.memory_space<any>>) target_semaphore(%dma_start3A_426 : memref<!tpu.dma_semaphore, #tpu.memory_space<semaphore_mem>>)
    %dma_wait3A_440 = arith.constant 3 : i32
    %dma_wait3A_441 = arith.constant 3 : i32
    %dma_wait3A_442 = tpu.memref_slice %arg4[%dma_wait3A_441] : memref<12x!tpu.dma_semaphore, #tpu.memory_space<semaphore_mem>> -> memref<1x!tpu.dma_semaphore, #tpu.memory_space<semaphore_mem>>
    %dma_wait3A_443 = tpu.memref_squeeze %dma_wait3A_442 : memref<1x!tpu.dma_semaphore, #tpu.memory_space<semaphore_mem>> -> memref<!tpu.dma_semaphore, #tpu.memory_space<semaphore_mem>>
    %dma_wait3A_444 = arith.constant 1 : i32
    %dma_wait3A_445 = arith.constant 4 : i32
    %dma_wait3A_446 = arith.constant 0 : i32
    %dma_wait3A_447 = arith.constant 0 : i32
    %dma_wait3A_448 = arith.constant 0 : i32
    %dma_wait3A_449 = tpu.memref_slice %arg1[%dma_wait3A_444, %dma_wait3A_445, %dma_wait3A_446, %dma_wait3A_447, %dma_wait3A_448] : memref<12x8x3x224x224xf32, #tpu.memory_space<any>> -> memref<1x4x3x224x224xf32, #tpu.memory_space<any>>
    %dma_wait3A_450 = arith.constant 0 : i32
    %dma_wait3A_451 = arith.constant 0 : i32
    %dma_wait3A_452 = arith.constant 0 : i32
    %dma_wait3A_453 = arith.constant 0 : i32
    %dma_wait3A_454 = arith.constant 0 : i32
    %dma_wait3A_455 = tpu.memref_slice %arg2[%dma_wait3A_440, %dma_wait3A_450, %dma_wait3A_451, %dma_wait3A_452, %dma_wait3A_453, %dma_wait3A_454] : memref<12x1x4x3x224x224xf32, #tpu.memory_space<vmem>> -> memref<1x1x4x3x224x224xf32, #tpu.memory_space<vmem>>
    %dma_wait3A_456 = tpu.memref_squeeze %dma_wait3A_455 : memref<1x1x4x3x224x224xf32, #tpu.memory_space<vmem>> -> memref<1x4x3x224x224xf32, #tpu.memory_space<vmem>>
    tpu.wait_dma2 semaphore(%dma_wait3A_443 : memref<!tpu.dma_semaphore, #tpu.memory_space<semaphore_mem>>) src(%dma_wait3A_456 : memref<1x4x3x224x224xf32, #tpu.memory_space<vmem>>) dst(%dma_wait3A_449 : memref<1x4x3x224x224xf32, #tpu.memory_space<any>>)
    %dma_start3A_457 = arith.constant 3 : i32
    %dma_start3A_458 = arith.constant 3 : i32
    %dma_start3A_459 = tpu.memref_slice %arg3[%dma_start3A_458] : memref<12x!tpu.dma_semaphore, #tpu.memory_space<semaphore_mem>> -> memref<1x!tpu.dma_semaphore, #tpu.memory_space<semaphore_mem>>
    %dma_start3A_460 = tpu.memref_squeeze %dma_start3A_459 : memref<1x!tpu.dma_semaphore, #tpu.memory_space<semaphore_mem>> -> memref<!tpu.dma_semaphore, #tpu.memory_space<semaphore_mem>>
    %dma_start3A_461 = arith.constant 0 : i32
    %dma_start3A_462 = arith.constant 0 : i32
    %dma_start3A_463 = arith.constant 0 : i32
    %dma_start3A_464 = arith.constant 0 : i32
    %dma_start3A_465 = arith.constant 0 : i32
    %dma_start3A_466 = tpu.memref_slice %arg2[%dma_start3A_457, %dma_start3A_461, %dma_start3A_462, %dma_start3A_463, %dma_start3A_464, %dma_start3A_465] : memref<12x1x4x3x224x224xf32, #tpu.memory_space<vmem>> -> memref<1x1x4x3x224x224xf32, #tpu.memory_space<vmem>>
    %dma_start3A_467 = tpu.memref_squeeze %dma_start3A_466 : memref<1x1x4x3x224x224xf32, #tpu.memory_space<vmem>> -> memref<1x4x3x224x224xf32, #tpu.memory_space<vmem>>
    %dma_start3A_468 = arith.constant 7 : i32
    %dma_start3A_469 = arith.constant 4 : i32
    %dma_start3A_470 = arith.constant 1 : i32
    %dma_start3A_471 = arith.constant 0 : i32
    %dma_start3A_472 = arith.constant 0 : i32
    %dma_start3A_473 = tpu.memref_slice %arg0[%dma_start3A_468, %dma_start3A_469, %dma_start3A_470, %dma_start3A_471, %dma_start3A_472] : memref<12x8x4x224x224xf32, #tpu.memory_space<any>> -> memref<1x4x3x224x224xf32, #tpu.memory_space<any>>
    tpu.enqueue_dma source(%dma_start3A_473 : memref<1x4x3x224x224xf32, #tpu.memory_space<any>>) target(%dma_start3A_467 : memref<1x4x3x224x224xf32, #tpu.memory_space<vmem>>) target_semaphore(%dma_start3A_460 : memref<!tpu.dma_semaphore, #tpu.memory_space<semaphore_mem>>)
    %dma_wait3A_474 = arith.constant 4 : i32
    %dma_wait3A_475 = arith.constant 4 : i32
    %dma_wait3A_476 = tpu.memref_slice %arg3[%dma_wait3A_475] : memref<12x!tpu.dma_semaphore, #tpu.memory_space<semaphore_mem>> -> memref<1x!tpu.dma_semaphore, #tpu.memory_space<semaphore_mem>>
    %dma_wait3A_477 = tpu.memref_squeeze %dma_wait3A_476 : memref<1x!tpu.dma_semaphore, #tpu.memory_space<semaphore_mem>> -> memref<!tpu.dma_semaphore, #tpu.memory_space<semaphore_mem>>
    %dma_wait3A_478 = arith.constant 0 : i32
    %dma_wait3A_479 = arith.constant 0 : i32
    %dma_wait3A_480 = arith.constant 0 : i32
    %dma_wait3A_481 = arith.constant 0 : i32
    %dma_wait3A_482 = arith.constant 0 : i32
    %dma_wait3A_483 = tpu.memref_slice %arg2[%dma_wait3A_474, %dma_wait3A_478, %dma_wait3A_479, %dma_wait3A_480, %dma_wait3A_481, %dma_wait3A_482] : memref<12x1x4x3x224x224xf32, #tpu.memory_space<vmem>> -> memref<1x1x4x3x224x224xf32, #tpu.memory_space<vmem>>
    %dma_wait3A_484 = tpu.memref_squeeze %dma_wait3A_483 : memref<1x1x4x3x224x224xf32, #tpu.memory_space<vmem>> -> memref<1x4x3x224x224xf32, #tpu.memory_space<vmem>>
    %dma_wait3A_485 = arith.constant 2 : i32
    %dma_wait3A_486 = arith.constant 0 : i32
    %dma_wait3A_487 = arith.constant 1 : i32
    %dma_wait3A_488 = arith.constant 0 : i32
    %dma_wait3A_489 = arith.constant 0 : i32
    %dma_wait3A_490 = tpu.memref_slice %arg0[%dma_wait3A_485, %dma_wait3A_486, %dma_wait3A_487, %dma_wait3A_488, %dma_wait3A_489] : memref<12x8x4x224x224xf32, #tpu.memory_space<any>> -> memref<1x4x3x224x224xf32, #tpu.memory_space<any>>
    tpu.wait_dma2 semaphore(%dma_wait3A_477 : memref<!tpu.dma_semaphore, #tpu.memory_space<semaphore_mem>>) src(%dma_wait3A_490 : memref<1x4x3x224x224xf32, #tpu.memory_space<any>>) dst(%dma_wait3A_484 : memref<1x4x3x224x224xf32, #tpu.memory_space<vmem>>)
    %dma_start3A_491 = arith.constant 4 : i32
    %dma_start3A_492 = arith.constant 4 : i32
    %dma_start3A_493 = tpu.memref_slice %arg4[%dma_start3A_492] : memref<12x!tpu.dma_semaphore, #tpu.memory_space<semaphore_mem>> -> memref<1x!tpu.dma_semaphore, #tpu.memory_space<semaphore_mem>>
    %dma_start3A_494 = tpu.memref_squeeze %dma_start3A_493 : memref<1x!tpu.dma_semaphore, #tpu.memory_space<semaphore_mem>> -> memref<!tpu.dma_semaphore, #tpu.memory_space<semaphore_mem>>
    %dma_start3A_495 = arith.constant 2 : i32
    %dma_start3A_496 = arith.constant 0 : i32
    %dma_start3A_497 = arith.constant 0 : i32
    %dma_start3A_498 = arith.constant 0 : i32
    %dma_start3A_499 = arith.constant 0 : i32
    %dma_start3A_500 = tpu.memref_slice %arg1[%dma_start3A_495, %dma_start3A_496, %dma_start3A_497, %dma_start3A_498, %dma_start3A_499] : memref<12x8x3x224x224xf32, #tpu.memory_space<any>> -> memref<1x4x3x224x224xf32, #tpu.memory_space<any>>
    %dma_start3A_501 = arith.constant 0 : i32
    %dma_start3A_502 = arith.constant 0 : i32
    %dma_start3A_503 = arith.constant 0 : i32
    %dma_start3A_504 = arith.constant 0 : i32
    %dma_start3A_505 = arith.constant 0 : i32
    %dma_start3A_506 = tpu.memref_slice %arg2[%dma_start3A_491, %dma_start3A_501, %dma_start3A_502, %dma_start3A_503, %dma_start3A_504, %dma_start3A_505] : memref<12x1x4x3x224x224xf32, #tpu.memory_space<vmem>> -> memref<1x1x4x3x224x224xf32, #tpu.memory_space<vmem>>
    %dma_start3A_507 = tpu.memref_squeeze %dma_start3A_506 : memref<1x1x4x3x224x224xf32, #tpu.memory_space<vmem>> -> memref<1x4x3x224x224xf32, #tpu.memory_space<vmem>>
    tpu.enqueue_dma source(%dma_start3A_507 : memref<1x4x3x224x224xf32, #tpu.memory_space<vmem>>) target(%dma_start3A_500 : memref<1x4x3x224x224xf32, #tpu.memory_space<any>>) target_semaphore(%dma_start3A_494 : memref<!tpu.dma_semaphore, #tpu.memory_space<semaphore_mem>>)
    %dma_wait3A_508 = arith.constant 4 : i32
    %dma_wait3A_509 = arith.constant 4 : i32
    %dma_wait3A_510 = tpu.memref_slice %arg4[%dma_wait3A_509] : memref<12x!tpu.dma_semaphore, #tpu.memory_space<semaphore_mem>> -> memref<1x!tpu.dma_semaphore, #tpu.memory_space<semaphore_mem>>
    %dma_wait3A_511 = tpu.memref_squeeze %dma_wait3A_510 : memref<1x!tpu.dma_semaphore, #tpu.memory_space<semaphore_mem>> -> memref<!tpu.dma_semaphore, #tpu.memory_space<semaphore_mem>>
    %dma_wait3A_512 = arith.constant 2 : i32
    %dma_wait3A_513 = arith.constant 0 : i32
    %dma_wait3A_514 = arith.constant 0 : i32
    %dma_wait3A_515 = arith.constant 0 : i32
    %dma_wait3A_516 = arith.constant 0 : i32
    %dma_wait3A_517 = tpu.memref_slice %arg1[%dma_wait3A_512, %dma_wait3A_513, %dma_wait3A_514, %dma_wait3A_515, %dma_wait3A_516] : memref<12x8x3x224x224xf32, #tpu.memory_space<any>> -> memref<1x4x3x224x224xf32, #tpu.memory_space<any>>
    %dma_wait3A_518 = arith.constant 0 : i32
    %dma_wait3A_519 = arith.constant 0 : i32
    %dma_wait3A_520 = arith.constant 0 : i32
    %dma_wait3A_521 = arith.constant 0 : i32
    %dma_wait3A_522 = arith.constant 0 : i32
    %dma_wait3A_523 = tpu.memref_slice %arg2[%dma_wait3A_508, %dma_wait3A_518, %dma_wait3A_519, %dma_wait3A_520, %dma_wait3A_521, %dma_wait3A_522] : memref<12x1x4x3x224x224xf32, #tpu.memory_space<vmem>> -> memref<1x1x4x3x224x224xf32, #tpu.memory_space<vmem>>
    %dma_wait3A_524 = tpu.memref_squeeze %dma_wait3A_523 : memref<1x1x4x3x224x224xf32, #tpu.memory_space<vmem>> -> memref<1x4x3x224x224xf32, #tpu.memory_space<vmem>>
    tpu.wait_dma2 semaphore(%dma_wait3A_511 : memref<!tpu.dma_semaphore, #tpu.memory_space<semaphore_mem>>) src(%dma_wait3A_524 : memref<1x4x3x224x224xf32, #tpu.memory_space<vmem>>) dst(%dma_wait3A_517 : memref<1x4x3x224x224xf32, #tpu.memory_space<any>>)
    %dma_start3A_525 = arith.constant 4 : i32
    %dma_start3A_526 = arith.constant 4 : i32
    %dma_start3A_527 = tpu.memref_slice %arg3[%dma_start3A_526] : memref<12x!tpu.dma_semaphore, #tpu.memory_space<semaphore_mem>> -> memref<1x!tpu.dma_semaphore, #tpu.memory_space<semaphore_mem>>
    %dma_start3A_528 = tpu.memref_squeeze %dma_start3A_527 : memref<1x!tpu.dma_semaphore, #tpu.memory_space<semaphore_mem>> -> memref<!tpu.dma_semaphore, #tpu.memory_space<semaphore_mem>>
    %dma_start3A_529 = arith.constant 0 : i32
    %dma_start3A_530 = arith.constant 0 : i32
    %dma_start3A_531 = arith.constant 0 : i32
    %dma_start3A_532 = arith.constant 0 : i32
    %dma_start3A_533 = arith.constant 0 : i32
    %dma_start3A_534 = tpu.memref_slice %arg2[%dma_start3A_525, %dma_start3A_529, %dma_start3A_530, %dma_start3A_531, %dma_start3A_532, %dma_start3A_533] : memref<12x1x4x3x224x224xf32, #tpu.memory_space<vmem>> -> memref<1x1x4x3x224x224xf32, #tpu.memory_space<vmem>>
    %dma_start3A_535 = tpu.memref_squeeze %dma_start3A_534 : memref<1x1x4x3x224x224xf32, #tpu.memory_space<vmem>> -> memref<1x4x3x224x224xf32, #tpu.memory_space<vmem>>
    %dma_start3A_536 = arith.constant 8 : i32
    %dma_start3A_537 = arith.constant 0 : i32
    %dma_start3A_538 = arith.constant 1 : i32
    %dma_start3A_539 = arith.constant 0 : i32
    %dma_start3A_540 = arith.constant 0 : i32
    %dma_start3A_541 = tpu.memref_slice %arg0[%dma_start3A_536, %dma_start3A_537, %dma_start3A_538, %dma_start3A_539, %dma_start3A_540] : memref<12x8x4x224x224xf32, #tpu.memory_space<any>> -> memref<1x4x3x224x224xf32, #tpu.memory_space<any>>
    tpu.enqueue_dma source(%dma_start3A_541 : memref<1x4x3x224x224xf32, #tpu.memory_space<any>>) target(%dma_start3A_535 : memref<1x4x3x224x224xf32, #tpu.memory_space<vmem>>) target_semaphore(%dma_start3A_528 : memref<!tpu.dma_semaphore, #tpu.memory_space<semaphore_mem>>)
    %dma_wait3A_542 = arith.constant 5 : i32
    %dma_wait3A_543 = arith.constant 5 : i32
    %dma_wait3A_544 = tpu.memref_slice %arg3[%dma_wait3A_543] : memref<12x!tpu.dma_semaphore, #tpu.memory_space<semaphore_mem>> -> memref<1x!tpu.dma_semaphore, #tpu.memory_space<semaphore_mem>>
    %dma_wait3A_545 = tpu.memref_squeeze %dma_wait3A_544 : memref<1x!tpu.dma_semaphore, #tpu.memory_space<semaphore_mem>> -> memref<!tpu.dma_semaphore, #tpu.memory_space<semaphore_mem>>
    %dma_wait3A_546 = arith.constant 0 : i32
    %dma_wait3A_547 = arith.constant 0 : i32
    %dma_wait3A_548 = arith.constant 0 : i32
    %dma_wait3A_549 = arith.constant 0 : i32
    %dma_wait3A_550 = arith.constant 0 : i32
    %dma_wait3A_551 = tpu.memref_slice %arg2[%dma_wait3A_542, %dma_wait3A_546, %dma_wait3A_547, %dma_wait3A_548, %dma_wait3A_549, %dma_wait3A_550] : memref<12x1x4x3x224x224xf32, #tpu.memory_space<vmem>> -> memref<1x1x4x3x224x224xf32, #tpu.memory_space<vmem>>
    %dma_wait3A_552 = tpu.memref_squeeze %dma_wait3A_551 : memref<1x1x4x3x224x224xf32, #tpu.memory_space<vmem>> -> memref<1x4x3x224x224xf32, #tpu.memory_space<vmem>>
    %dma_wait3A_553 = arith.constant 2 : i32
    %dma_wait3A_554 = arith.constant 4 : i32
    %dma_wait3A_555 = arith.constant 1 : i32
    %dma_wait3A_556 = arith.constant 0 : i32
    %dma_wait3A_557 = arith.constant 0 : i32
    %dma_wait3A_558 = tpu.memref_slice %arg0[%dma_wait3A_553, %dma_wait3A_554, %dma_wait3A_555, %dma_wait3A_556, %dma_wait3A_557] : memref<12x8x4x224x224xf32, #tpu.memory_space<any>> -> memref<1x4x3x224x224xf32, #tpu.memory_space<any>>
    tpu.wait_dma2 semaphore(%dma_wait3A_545 : memref<!tpu.dma_semaphore, #tpu.memory_space<semaphore_mem>>) src(%dma_wait3A_558 : memref<1x4x3x224x224xf32, #tpu.memory_space<any>>) dst(%dma_wait3A_552 : memref<1x4x3x224x224xf32, #tpu.memory_space<vmem>>)
    %dma_start3A_559 = arith.constant 5 : i32
    %dma_start3A_560 = arith.constant 5 : i32
    %dma_start3A_561 = tpu.memref_slice %arg4[%dma_start3A_560] : memref<12x!tpu.dma_semaphore, #tpu.memory_space<semaphore_mem>> -> memref<1x!tpu.dma_semaphore, #tpu.memory_space<semaphore_mem>>
    %dma_start3A_562 = tpu.memref_squeeze %dma_start3A_561 : memref<1x!tpu.dma_semaphore, #tpu.memory_space<semaphore_mem>> -> memref<!tpu.dma_semaphore, #tpu.memory_space<semaphore_mem>>
    %dma_start3A_563 = arith.constant 2 : i32
    %dma_start3A_564 = arith.constant 4 : i32
    %dma_start3A_565 = arith.constant 0 : i32
    %dma_start3A_566 = arith.constant 0 : i32
    %dma_start3A_567 = arith.constant 0 : i32
    %dma_start3A_568 = tpu.memref_slice %arg1[%dma_start3A_563, %dma_start3A_564, %dma_start3A_565, %dma_start3A_566, %dma_start3A_567] : memref<12x8x3x224x224xf32, #tpu.memory_space<any>> -> memref<1x4x3x224x224xf32, #tpu.memory_space<any>>
    %dma_start3A_569 = arith.constant 0 : i32
    %dma_start3A_570 = arith.constant 0 : i32
    %dma_start3A_571 = arith.constant 0 : i32
    %dma_start3A_572 = arith.constant 0 : i32
    %dma_start3A_573 = arith.constant 0 : i32
    %dma_start3A_574 = tpu.memref_slice %arg2[%dma_start3A_559, %dma_start3A_569, %dma_start3A_570, %dma_start3A_571, %dma_start3A_572, %dma_start3A_573] : memref<12x1x4x3x224x224xf32, #tpu.memory_space<vmem>> -> memref<1x1x4x3x224x224xf32, #tpu.memory_space<vmem>>
    %dma_start3A_575 = tpu.memref_squeeze %dma_start3A_574 : memref<1x1x4x3x224x224xf32, #tpu.memory_space<vmem>> -> memref<1x4x3x224x224xf32, #tpu.memory_space<vmem>>
    tpu.enqueue_dma source(%dma_start3A_575 : memref<1x4x3x224x224xf32, #tpu.memory_space<vmem>>) target(%dma_start3A_568 : memref<1x4x3x224x224xf32, #tpu.memory_space<any>>) target_semaphore(%dma_start3A_562 : memref<!tpu.dma_semaphore, #tpu.memory_space<semaphore_mem>>)
    %dma_wait3A_576 = arith.constant 5 : i32
    %dma_wait3A_577 = arith.constant 5 : i32
    %dma_wait3A_578 = tpu.memref_slice %arg4[%dma_wait3A_577] : memref<12x!tpu.dma_semaphore, #tpu.memory_space<semaphore_mem>> -> memref<1x!tpu.dma_semaphore, #tpu.memory_space<semaphore_mem>>
    %dma_wait3A_579 = tpu.memref_squeeze %dma_wait3A_578 : memref<1x!tpu.dma_semaphore, #tpu.memory_space<semaphore_mem>> -> memref<!tpu.dma_semaphore, #tpu.memory_space<semaphore_mem>>
    %dma_wait3A_580 = arith.constant 2 : i32
    %dma_wait3A_581 = arith.constant 4 : i32
    %dma_wait3A_582 = arith.constant 0 : i32
    %dma_wait3A_583 = arith.constant 0 : i32
    %dma_wait3A_584 = arith.constant 0 : i32
    %dma_wait3A_585 = tpu.memref_slice %arg1[%dma_wait3A_580, %dma_wait3A_581, %dma_wait3A_582, %dma_wait3A_583, %dma_wait3A_584] : memref<12x8x3x224x224xf32, #tpu.memory_space<any>> -> memref<1x4x3x224x224xf32, #tpu.memory_space<any>>
    %dma_wait3A_586 = arith.constant 0 : i32
    %dma_wait3A_587 = arith.constant 0 : i32
    %dma_wait3A_588 = arith.constant 0 : i32
    %dma_wait3A_589 = arith.constant 0 : i32
    %dma_wait3A_590 = arith.constant 0 : i32
    %dma_wait3A_591 = tpu.memref_slice %arg2[%dma_wait3A_576, %dma_wait3A_586, %dma_wait3A_587, %dma_wait3A_588, %dma_wait3A_589, %dma_wait3A_590] : memref<12x1x4x3x224x224xf32, #tpu.memory_space<vmem>> -> memref<1x1x4x3x224x224xf32, #tpu.memory_space<vmem>>
    %dma_wait3A_592 = tpu.memref_squeeze %dma_wait3A_591 : memref<1x1x4x3x224x224xf32, #tpu.memory_space<vmem>> -> memref<1x4x3x224x224xf32, #tpu.memory_space<vmem>>
    tpu.wait_dma2 semaphore(%dma_wait3A_579 : memref<!tpu.dma_semaphore, #tpu.memory_space<semaphore_mem>>) src(%dma_wait3A_592 : memref<1x4x3x224x224xf32, #tpu.memory_space<vmem>>) dst(%dma_wait3A_585 : memref<1x4x3x224x224xf32, #tpu.memory_space<any>>)
    %dma_start3A_593 = arith.constant 5 : i32
    %dma_start3A_594 = arith.constant 5 : i32
    %dma_start3A_595 = tpu.memref_slice %arg3[%dma_start3A_594] : memref<12x!tpu.dma_semaphore, #tpu.memory_space<semaphore_mem>> -> memref<1x!tpu.dma_semaphore, #tpu.memory_space<semaphore_mem>>
    %dma_start3A_596 = tpu.memref_squeeze %dma_start3A_595 : memref<1x!tpu.dma_semaphore, #tpu.memory_space<semaphore_mem>> -> memref<!tpu.dma_semaphore, #tpu.memory_space<semaphore_mem>>
    %dma_start3A_597 = arith.constant 0 : i32
    %dma_start3A_598 = arith.constant 0 : i32
    %dma_start3A_599 = arith.constant 0 : i32
    %dma_start3A_600 = arith.constant 0 : i32
    %dma_start3A_601 = arith.constant 0 : i32
    %dma_start3A_602 = tpu.memref_slice %arg2[%dma_start3A_593, %dma_start3A_597, %dma_start3A_598, %dma_start3A_599, %dma_start3A_600, %dma_start3A_601] : memref<12x1x4x3x224x224xf32, #tpu.memory_space<vmem>> -> memref<1x1x4x3x224x224xf32, #tpu.memory_space<vmem>>
    %dma_start3A_603 = tpu.memref_squeeze %dma_start3A_602 : memref<1x1x4x3x224x224xf32, #tpu.memory_space<vmem>> -> memref<1x4x3x224x224xf32, #tpu.memory_space<vmem>>
    %dma_start3A_604 = arith.constant 8 : i32
    %dma_start3A_605 = arith.constant 4 : i32
    %dma_start3A_606 = arith.constant 1 : i32
    %dma_start3A_607 = arith.constant 0 : i32
    %dma_start3A_608 = arith.constant 0 : i32
    %dma_start3A_609 = tpu.memref_slice %arg0[%dma_start3A_604, %dma_start3A_605, %dma_start3A_606, %dma_start3A_607, %dma_start3A_608] : memref<12x8x4x224x224xf32, #tpu.memory_space<any>> -> memref<1x4x3x224x224xf32, #tpu.memory_space<any>>
    tpu.enqueue_dma source(%dma_start3A_609 : memref<1x4x3x224x224xf32, #tpu.memory_space<any>>) target(%dma_start3A_603 : memref<1x4x3x224x224xf32, #tpu.memory_space<vmem>>) target_semaphore(%dma_start3A_596 : memref<!tpu.dma_semaphore, #tpu.memory_space<semaphore_mem>>)
    %dma_wait3A_610 = arith.constant 6 : i32
    %dma_wait3A_611 = arith.constant 6 : i32
    %dma_wait3A_612 = tpu.memref_slice %arg3[%dma_wait3A_611] : memref<12x!tpu.dma_semaphore, #tpu.memory_space<semaphore_mem>> -> memref<1x!tpu.dma_semaphore, #tpu.memory_space<semaphore_mem>>
    %dma_wait3A_613 = tpu.memref_squeeze %dma_wait3A_612 : memref<1x!tpu.dma_semaphore, #tpu.memory_space<semaphore_mem>> -> memref<!tpu.dma_semaphore, #tpu.memory_space<semaphore_mem>>
    %dma_wait3A_614 = arith.constant 0 : i32
    %dma_wait3A_615 = arith.constant 0 : i32
    %dma_wait3A_616 = arith.constant 0 : i32
    %dma_wait3A_617 = arith.constant 0 : i32
    %dma_wait3A_618 = arith.constant 0 : i32
    %dma_wait3A_619 = tpu.memref_slice %arg2[%dma_wait3A_610, %dma_wait3A_614, %dma_wait3A_615, %dma_wait3A_616, %dma_wait3A_617, %dma_wait3A_618] : memref<12x1x4x3x224x224xf32, #tpu.memory_space<vmem>> -> memref<1x1x4x3x224x224xf32, #tpu.memory_space<vmem>>
    %dma_wait3A_620 = tpu.memref_squeeze %dma_wait3A_619 : memref<1x1x4x3x224x224xf32, #tpu.memory_space<vmem>> -> memref<1x4x3x224x224xf32, #tpu.memory_space<vmem>>
    %dma_wait3A_621 = arith.constant 3 : i32
    %dma_wait3A_622 = arith.constant 0 : i32
    %dma_wait3A_623 = arith.constant 1 : i32
    %dma_wait3A_624 = arith.constant 0 : i32
    %dma_wait3A_625 = arith.constant 0 : i32
    %dma_wait3A_626 = tpu.memref_slice %arg0[%dma_wait3A_621, %dma_wait3A_622, %dma_wait3A_623, %dma_wait3A_624, %dma_wait3A_625] : memref<12x8x4x224x224xf32, #tpu.memory_space<any>> -> memref<1x4x3x224x224xf32, #tpu.memory_space<any>>
    tpu.wait_dma2 semaphore(%dma_wait3A_613 : memref<!tpu.dma_semaphore, #tpu.memory_space<semaphore_mem>>) src(%dma_wait3A_626 : memref<1x4x3x224x224xf32, #tpu.memory_space<any>>) dst(%dma_wait3A_620 : memref<1x4x3x224x224xf32, #tpu.memory_space<vmem>>)
    %dma_start3A_627 = arith.constant 6 : i32
    %dma_start3A_628 = arith.constant 6 : i32
    %dma_start3A_629 = tpu.memref_slice %arg4[%dma_start3A_628] : memref<12x!tpu.dma_semaphore, #tpu.memory_space<semaphore_mem>> -> memref<1x!tpu.dma_semaphore, #tpu.memory_space<semaphore_mem>>
    %dma_start3A_630 = tpu.memref_squeeze %dma_start3A_629 : memref<1x!tpu.dma_semaphore, #tpu.memory_space<semaphore_mem>> -> memref<!tpu.dma_semaphore, #tpu.memory_space<semaphore_mem>>
    %dma_start3A_631 = arith.constant 3 : i32
    %dma_start3A_632 = arith.constant 0 : i32
    %dma_start3A_633 = arith.constant 0 : i32
    %dma_start3A_634 = arith.constant 0 : i32
    %dma_start3A_635 = arith.constant 0 : i32
    %dma_start3A_636 = tpu.memref_slice %arg1[%dma_start3A_631, %dma_start3A_632, %dma_start3A_633, %dma_start3A_634, %dma_start3A_635] : memref<12x8x3x224x224xf32, #tpu.memory_space<any>> -> memref<1x4x3x224x224xf32, #tpu.memory_space<any>>
    %dma_start3A_637 = arith.constant 0 : i32
    %dma_start3A_638 = arith.constant 0 : i32
    %dma_start3A_639 = arith.constant 0 : i32
    %dma_start3A_640 = arith.constant 0 : i32
    %dma_start3A_641 = arith.constant 0 : i32
    %dma_start3A_642 = tpu.memref_slice %arg2[%dma_start3A_627, %dma_start3A_637, %dma_start3A_638, %dma_start3A_639, %dma_start3A_640, %dma_start3A_641] : memref<12x1x4x3x224x224xf32, #tpu.memory_space<vmem>> -> memref<1x1x4x3x224x224xf32, #tpu.memory_space<vmem>>
    %dma_start3A_643 = tpu.memref_squeeze %dma_start3A_642 : memref<1x1x4x3x224x224xf32, #tpu.memory_space<vmem>> -> memref<1x4x3x224x224xf32, #tpu.memory_space<vmem>>
    tpu.enqueue_dma source(%dma_start3A_643 : memref<1x4x3x224x224xf32, #tpu.memory_space<vmem>>) target(%dma_start3A_636 : memref<1x4x3x224x224xf32, #tpu.memory_space<any>>) target_semaphore(%dma_start3A_630 : memref<!tpu.dma_semaphore, #tpu.memory_space<semaphore_mem>>)
    %dma_wait3A_644 = arith.constant 6 : i32
    %dma_wait3A_645 = arith.constant 6 : i32
    %dma_wait3A_646 = tpu.memref_slice %arg4[%dma_wait3A_645] : memref<12x!tpu.dma_semaphore, #tpu.memory_space<semaphore_mem>> -> memref<1x!tpu.dma_semaphore, #tpu.memory_space<semaphore_mem>>
    %dma_wait3A_647 = tpu.memref_squeeze %dma_wait3A_646 : memref<1x!tpu.dma_semaphore, #tpu.memory_space<semaphore_mem>> -> memref<!tpu.dma_semaphore, #tpu.memory_space<semaphore_mem>>
    %dma_wait3A_648 = arith.constant 3 : i32
    %dma_wait3A_649 = arith.constant 0 : i32
    %dma_wait3A_650 = arith.constant 0 : i32
    %dma_wait3A_651 = arith.constant 0 : i32
    %dma_wait3A_652 = arith.constant 0 : i32
    %dma_wait3A_653 = tpu.memref_slice %arg1[%dma_wait3A_648, %dma_wait3A_649, %dma_wait3A_650, %dma_wait3A_651, %dma_wait3A_652] : memref<12x8x3x224x224xf32, #tpu.memory_space<any>> -> memref<1x4x3x224x224xf32, #tpu.memory_space<any>>
    %dma_wait3A_654 = arith.constant 0 : i32
    %dma_wait3A_655 = arith.constant 0 : i32
    %dma_wait3A_656 = arith.constant 0 : i32
    %dma_wait3A_657 = arith.constant 0 : i32
    %dma_wait3A_658 = arith.constant 0 : i32
    %dma_wait3A_659 = tpu.memref_slice %arg2[%dma_wait3A_644, %dma_wait3A_654, %dma_wait3A_655, %dma_wait3A_656, %dma_wait3A_657, %dma_wait3A_658] : memref<12x1x4x3x224x224xf32, #tpu.memory_space<vmem>> -> memref<1x1x4x3x224x224xf32, #tpu.memory_space<vmem>>
    %dma_wait3A_660 = tpu.memref_squeeze %dma_wait3A_659 : memref<1x1x4x3x224x224xf32, #tpu.memory_space<vmem>> -> memref<1x4x3x224x224xf32, #tpu.memory_space<vmem>>
    tpu.wait_dma2 semaphore(%dma_wait3A_647 : memref<!tpu.dma_semaphore, #tpu.memory_space<semaphore_mem>>) src(%dma_wait3A_660 : memref<1x4x3x224x224xf32, #tpu.memory_space<vmem>>) dst(%dma_wait3A_653 : memref<1x4x3x224x224xf32, #tpu.memory_space<any>>)
    %dma_start3A_661 = arith.constant 6 : i32
    %dma_start3A_662 = arith.constant 6 : i32
    %dma_start3A_663 = tpu.memref_slice %arg3[%dma_start3A_662] : memref<12x!tpu.dma_semaphore, #tpu.memory_space<semaphore_mem>> -> memref<1x!tpu.dma_semaphore, #tpu.memory_space<semaphore_mem>>
    %dma_start3A_664 = tpu.memref_squeeze %dma_start3A_663 : memref<1x!tpu.dma_semaphore, #tpu.memory_space<semaphore_mem>> -> memref<!tpu.dma_semaphore, #tpu.memory_space<semaphore_mem>>
    %dma_start3A_665 = arith.constant 0 : i32
    %dma_start3A_666 = arith.constant 0 : i32
    %dma_start3A_667 = arith.constant 0 : i32
    %dma_start3A_668 = arith.constant 0 : i32
    %dma_start3A_669 = arith.constant 0 : i32
    %dma_start3A_670 = tpu.memref_slice %arg2[%dma_start3A_661, %dma_start3A_665, %dma_start3A_666, %dma_start3A_667, %dma_start3A_668, %dma_start3A_669] : memref<12x1x4x3x224x224xf32, #tpu.memory_space<vmem>> -> memref<1x1x4x3x224x224xf32, #tpu.memory_space<vmem>>
    %dma_start3A_671 = tpu.memref_squeeze %dma_start3A_670 : memref<1x1x4x3x224x224xf32, #tpu.memory_space<vmem>> -> memref<1x4x3x224x224xf32, #tpu.memory_space<vmem>>
    %dma_start3A_672 = arith.constant 9 : i32
    %dma_start3A_673 = arith.constant 0 : i32
    %dma_start3A_674 = arith.constant 1 : i32
    %dma_start3A_675 = arith.constant 0 : i32
    %dma_start3A_676 = arith.constant 0 : i32
    %dma_start3A_677 = tpu.memref_slice %arg0[%dma_start3A_672, %dma_start3A_673, %dma_start3A_674, %dma_start3A_675, %dma_start3A_676] : memref<12x8x4x224x224xf32, #tpu.memory_space<any>> -> memref<1x4x3x224x224xf32, #tpu.memory_space<any>>
    tpu.enqueue_dma source(%dma_start3A_677 : memref<1x4x3x224x224xf32, #tpu.memory_space<any>>) target(%dma_start3A_671 : memref<1x4x3x224x224xf32, #tpu.memory_space<vmem>>) target_semaphore(%dma_start3A_664 : memref<!tpu.dma_semaphore, #tpu.memory_space<semaphore_mem>>)
    %dma_wait3A_678 = arith.constant 7 : i32
    %dma_wait3A_679 = arith.constant 7 : i32
    %dma_wait3A_680 = tpu.memref_slice %arg3[%dma_wait3A_679] : memref<12x!tpu.dma_semaphore, #tpu.memory_space<semaphore_mem>> -> memref<1x!tpu.dma_semaphore, #tpu.memory_space<semaphore_mem>>
    %dma_wait3A_681 = tpu.memref_squeeze %dma_wait3A_680 : memref<1x!tpu.dma_semaphore, #tpu.memory_space<semaphore_mem>> -> memref<!tpu.dma_semaphore, #tpu.memory_space<semaphore_mem>>
    %dma_wait3A_682 = arith.constant 0 : i32
    %dma_wait3A_683 = arith.constant 0 : i32
    %dma_wait3A_684 = arith.constant 0 : i32
    %dma_wait3A_685 = arith.constant 0 : i32
    %dma_wait3A_686 = arith.constant 0 : i32
    %dma_wait3A_687 = tpu.memref_slice %arg2[%dma_wait3A_678, %dma_wait3A_682, %dma_wait3A_683, %dma_wait3A_684, %dma_wait3A_685, %dma_wait3A_686] : memref<12x1x4x3x224x224xf32, #tpu.memory_space<vmem>> -> memref<1x1x4x3x224x224xf32, #tpu.memory_space<vmem>>
    %dma_wait3A_688 = tpu.memref_squeeze %dma_wait3A_687 : memref<1x1x4x3x224x224xf32, #tpu.memory_space<vmem>> -> memref<1x4x3x224x224xf32, #tpu.memory_space<vmem>>
    %dma_wait3A_689 = arith.constant 3 : i32
    %dma_wait3A_690 = arith.constant 4 : i32
    %dma_wait3A_691 = arith.constant 1 : i32
    %dma_wait3A_692 = arith.constant 0 : i32
    %dma_wait3A_693 = arith.constant 0 : i32
    %dma_wait3A_694 = tpu.memref_slice %arg0[%dma_wait3A_689, %dma_wait3A_690, %dma_wait3A_691, %dma_wait3A_692, %dma_wait3A_693] : memref<12x8x4x224x224xf32, #tpu.memory_space<any>> -> memref<1x4x3x224x224xf32, #tpu.memory_space<any>>
    tpu.wait_dma2 semaphore(%dma_wait3A_681 : memref<!tpu.dma_semaphore, #tpu.memory_space<semaphore_mem>>) src(%dma_wait3A_694 : memref<1x4x3x224x224xf32, #tpu.memory_space<any>>) dst(%dma_wait3A_688 : memref<1x4x3x224x224xf32, #tpu.memory_space<vmem>>)
    %dma_start3A_695 = arith.constant 7 : i32
    %dma_start3A_696 = arith.constant 7 : i32
    %dma_start3A_697 = tpu.memref_slice %arg4[%dma_start3A_696] : memref<12x!tpu.dma_semaphore, #tpu.memory_space<semaphore_mem>> -> memref<1x!tpu.dma_semaphore, #tpu.memory_space<semaphore_mem>>
    %dma_start3A_698 = tpu.memref_squeeze %dma_start3A_697 : memref<1x!tpu.dma_semaphore, #tpu.memory_space<semaphore_mem>> -> memref<!tpu.dma_semaphore, #tpu.memory_space<semaphore_mem>>
    %dma_start3A_699 = arith.constant 3 : i32
    %dma_start3A_700 = arith.constant 4 : i32
    %dma_start3A_701 = arith.constant 0 : i32
    %dma_start3A_702 = arith.constant 0 : i32
    %dma_start3A_703 = arith.constant 0 : i32
    %dma_start3A_704 = tpu.memref_slice %arg1[%dma_start3A_699, %dma_start3A_700, %dma_start3A_701, %dma_start3A_702, %dma_start3A_703] : memref<12x8x3x224x224xf32, #tpu.memory_space<any>> -> memref<1x4x3x224x224xf32, #tpu.memory_space<any>>
    %dma_start3A_705 = arith.constant 0 : i32
    %dma_start3A_706 = arith.constant 0 : i32
    %dma_start3A_707 = arith.constant 0 : i32
    %dma_start3A_708 = arith.constant 0 : i32
    %dma_start3A_709 = arith.constant 0 : i32
    %dma_start3A_710 = tpu.memref_slice %arg2[%dma_start3A_695, %dma_start3A_705, %dma_start3A_706, %dma_start3A_707, %dma_start3A_708, %dma_start3A_709] : memref<12x1x4x3x224x224xf32, #tpu.memory_space<vmem>> -> memref<1x1x4x3x224x224xf32, #tpu.memory_space<vmem>>
    %dma_start3A_711 = tpu.memref_squeeze %dma_start3A_710 : memref<1x1x4x3x224x224xf32, #tpu.memory_space<vmem>> -> memref<1x4x3x224x224xf32, #tpu.memory_space<vmem>>
    tpu.enqueue_dma source(%dma_start3A_711 : memref<1x4x3x224x224xf32, #tpu.memory_space<vmem>>) target(%dma_start3A_704 : memref<1x4x3x224x224xf32, #tpu.memory_space<any>>) target_semaphore(%dma_start3A_698 : memref<!tpu.dma_semaphore, #tpu.memory_space<semaphore_mem>>)
    %dma_wait3A_712 = arith.constant 7 : i32
    %dma_wait3A_713 = arith.constant 7 : i32
    %dma_wait3A_714 = tpu.memref_slice %arg4[%dma_wait3A_713] : memref<12x!tpu.dma_semaphore, #tpu.memory_space<semaphore_mem>> -> memref<1x!tpu.dma_semaphore, #tpu.memory_space<semaphore_mem>>
    %dma_wait3A_715 = tpu.memref_squeeze %dma_wait3A_714 : memref<1x!tpu.dma_semaphore, #tpu.memory_space<semaphore_mem>> -> memref<!tpu.dma_semaphore, #tpu.memory_space<semaphore_mem>>
    %dma_wait3A_716 = arith.constant 3 : i32
    %dma_wait3A_717 = arith.constant 4 : i32
    %dma_wait3A_718 = arith.constant 0 : i32
    %dma_wait3A_719 = arith.constant 0 : i32
    %dma_wait3A_720 = arith.constant 0 : i32
    %dma_wait3A_721 = tpu.memref_slice %arg1[%dma_wait3A_716, %dma_wait3A_717, %dma_wait3A_718, %dma_wait3A_719, %dma_wait3A_720] : memref<12x8x3x224x224xf32, #tpu.memory_space<any>> -> memref<1x4x3x224x224xf32, #tpu.memory_space<any>>
    %dma_wait3A_722 = arith.constant 0 : i32
    %dma_wait3A_723 = arith.constant 0 : i32
    %dma_wait3A_724 = arith.constant 0 : i32
    %dma_wait3A_725 = arith.constant 0 : i32
    %dma_wait3A_726 = arith.constant 0 : i32
    %dma_wait3A_727 = tpu.memref_slice %arg2[%dma_wait3A_712, %dma_wait3A_722, %dma_wait3A_723, %dma_wait3A_724, %dma_wait3A_725, %dma_wait3A_726] : memref<12x1x4x3x224x224xf32, #tpu.memory_space<vmem>> -> memref<1x1x4x3x224x224xf32, #tpu.memory_space<vmem>>
    %dma_wait3A_728 = tpu.memref_squeeze %dma_wait3A_727 : memref<1x1x4x3x224x224xf32, #tpu.memory_space<vmem>> -> memref<1x4x3x224x224xf32, #tpu.memory_space<vmem>>
    tpu.wait_dma2 semaphore(%dma_wait3A_715 : memref<!tpu.dma_semaphore, #tpu.memory_space<semaphore_mem>>) src(%dma_wait3A_728 : memref<1x4x3x224x224xf32, #tpu.memory_space<vmem>>) dst(%dma_wait3A_721 : memref<1x4x3x224x224xf32, #tpu.memory_space<any>>)
    %dma_start3A_729 = arith.constant 7 : i32
    %dma_start3A_730 = arith.constant 7 : i32
    %dma_start3A_731 = tpu.memref_slice %arg3[%dma_start3A_730] : memref<12x!tpu.dma_semaphore, #tpu.memory_space<semaphore_mem>> -> memref<1x!tpu.dma_semaphore, #tpu.memory_space<semaphore_mem>>
    %dma_start3A_732 = tpu.memref_squeeze %dma_start3A_731 : memref<1x!tpu.dma_semaphore, #tpu.memory_space<semaphore_mem>> -> memref<!tpu.dma_semaphore, #tpu.memory_space<semaphore_mem>>
    %dma_start3A_733 = arith.constant 0 : i32
    %dma_start3A_734 = arith.constant 0 : i32
    %dma_start3A_735 = arith.constant 0 : i32
    %dma_start3A_736 = arith.constant 0 : i32
    %dma_start3A_737 = arith.constant 0 : i32
    %dma_start3A_738 = tpu.memref_slice %arg2[%dma_start3A_729, %dma_start3A_733, %dma_start3A_734, %dma_start3A_735, %dma_start3A_736, %dma_start3A_737] : memref<12x1x4x3x224x224xf32, #tpu.memory_space<vmem>> -> memref<1x1x4x3x224x224xf32, #tpu.memory_space<vmem>>
    %dma_start3A_739 = tpu.memref_squeeze %dma_start3A_738 : memref<1x1x4x3x224x224xf32, #tpu.memory_space<vmem>> -> memref<1x4x3x224x224xf32, #tpu.memory_space<vmem>>
    %dma_start3A_740 = arith.constant 9 : i32
    %dma_start3A_741 = arith.constant 4 : i32
    %dma_start3A_742 = arith.constant 1 : i32
    %dma_start3A_743 = arith.constant 0 : i32
    %dma_start3A_744 = arith.constant 0 : i32
    %dma_start3A_745 = tpu.memref_slice %arg0[%dma_start3A_740, %dma_start3A_741, %dma_start3A_742, %dma_start3A_743, %dma_start3A_744] : memref<12x8x4x224x224xf32, #tpu.memory_space<any>> -> memref<1x4x3x224x224xf32, #tpu.memory_space<any>>
    tpu.enqueue_dma source(%dma_start3A_745 : memref<1x4x3x224x224xf32, #tpu.memory_space<any>>) target(%dma_start3A_739 : memref<1x4x3x224x224xf32, #tpu.memory_space<vmem>>) target_semaphore(%dma_start3A_732 : memref<!tpu.dma_semaphore, #tpu.memory_space<semaphore_mem>>)
    %dma_wait3A_746 = arith.constant 8 : i32
    %dma_wait3A_747 = arith.constant 8 : i32
    %dma_wait3A_748 = tpu.memref_slice %arg3[%dma_wait3A_747] : memref<12x!tpu.dma_semaphore, #tpu.memory_space<semaphore_mem>> -> memref<1x!tpu.dma_semaphore, #tpu.memory_space<semaphore_mem>>
    %dma_wait3A_749 = tpu.memref_squeeze %dma_wait3A_748 : memref<1x!tpu.dma_semaphore, #tpu.memory_space<semaphore_mem>> -> memref<!tpu.dma_semaphore, #tpu.memory_space<semaphore_mem>>
    %dma_wait3A_750 = arith.constant 0 : i32
    %dma_wait3A_751 = arith.constant 0 : i32
    %dma_wait3A_752 = arith.constant 0 : i32
    %dma_wait3A_753 = arith.constant 0 : i32
    %dma_wait3A_754 = arith.constant 0 : i32
    %dma_wait3A_755 = tpu.memref_slice %arg2[%dma_wait3A_746, %dma_wait3A_750, %dma_wait3A_751, %dma_wait3A_752, %dma_wait3A_753, %dma_wait3A_754] : memref<12x1x4x3x224x224xf32, #tpu.memory_space<vmem>> -> memref<1x1x4x3x224x224xf32, #tpu.memory_space<vmem>>
    %dma_wait3A_756 = tpu.memref_squeeze %dma_wait3A_755 : memref<1x1x4x3x224x224xf32, #tpu.memory_space<vmem>> -> memref<1x4x3x224x224xf32, #tpu.memory_space<vmem>>
    %dma_wait3A_757 = arith.constant 4 : i32
    %dma_wait3A_758 = arith.constant 0 : i32
    %dma_wait3A_759 = arith.constant 1 : i32
    %dma_wait3A_760 = arith.constant 0 : i32
    %dma_wait3A_761 = arith.constant 0 : i32
    %dma_wait3A_762 = tpu.memref_slice %arg0[%dma_wait3A_757, %dma_wait3A_758, %dma_wait3A_759, %dma_wait3A_760, %dma_wait3A_761] : memref<12x8x4x224x224xf32, #tpu.memory_space<any>> -> memref<1x4x3x224x224xf32, #tpu.memory_space<any>>
    tpu.wait_dma2 semaphore(%dma_wait3A_749 : memref<!tpu.dma_semaphore, #tpu.memory_space<semaphore_mem>>) src(%dma_wait3A_762 : memref<1x4x3x224x224xf32, #tpu.memory_space<any>>) dst(%dma_wait3A_756 : memref<1x4x3x224x224xf32, #tpu.memory_space<vmem>>)
    %dma_start3A_763 = arith.constant 8 : i32
    %dma_start3A_764 = arith.constant 8 : i32
    %dma_start3A_765 = tpu.memref_slice %arg4[%dma_start3A_764] : memref<12x!tpu.dma_semaphore, #tpu.memory_space<semaphore_mem>> -> memref<1x!tpu.dma_semaphore, #tpu.memory_space<semaphore_mem>>
    %dma_start3A_766 = tpu.memref_squeeze %dma_start3A_765 : memref<1x!tpu.dma_semaphore, #tpu.memory_space<semaphore_mem>> -> memref<!tpu.dma_semaphore, #tpu.memory_space<semaphore_mem>>
    %dma_start3A_767 = arith.constant 4 : i32
    %dma_start3A_768 = arith.constant 0 : i32
    %dma_start3A_769 = arith.constant 0 : i32
    %dma_start3A_770 = arith.constant 0 : i32
    %dma_start3A_771 = arith.constant 0 : i32
    %dma_start3A_772 = tpu.memref_slice %arg1[%dma_start3A_767, %dma_start3A_768, %dma_start3A_769, %dma_start3A_770, %dma_start3A_771] : memref<12x8x3x224x224xf32, #tpu.memory_space<any>> -> memref<1x4x3x224x224xf32, #tpu.memory_space<any>>
    %dma_start3A_773 = arith.constant 0 : i32
    %dma_start3A_774 = arith.constant 0 : i32
    %dma_start3A_775 = arith.constant 0 : i32
    %dma_start3A_776 = arith.constant 0 : i32
    %dma_start3A_777 = arith.constant 0 : i32
    %dma_start3A_778 = tpu.memref_slice %arg2[%dma_start3A_763, %dma_start3A_773, %dma_start3A_774, %dma_start3A_775, %dma_start3A_776, %dma_start3A_777] : memref<12x1x4x3x224x224xf32, #tpu.memory_space<vmem>> -> memref<1x1x4x3x224x224xf32, #tpu.memory_space<vmem>>
    %dma_start3A_779 = tpu.memref_squeeze %dma_start3A_778 : memref<1x1x4x3x224x224xf32, #tpu.memory_space<vmem>> -> memref<1x4x3x224x224xf32, #tpu.memory_space<vmem>>
    tpu.enqueue_dma source(%dma_start3A_779 : memref<1x4x3x224x224xf32, #tpu.memory_space<vmem>>) target(%dma_start3A_772 : memref<1x4x3x224x224xf32, #tpu.memory_space<any>>) target_semaphore(%dma_start3A_766 : memref<!tpu.dma_semaphore, #tpu.memory_space<semaphore_mem>>)
    %dma_wait3A_780 = arith.constant 8 : i32
    %dma_wait3A_781 = arith.constant 8 : i32
    %dma_wait3A_782 = tpu.memref_slice %arg4[%dma_wait3A_781] : memref<12x!tpu.dma_semaphore, #tpu.memory_space<semaphore_mem>> -> memref<1x!tpu.dma_semaphore, #tpu.memory_space<semaphore_mem>>
    %dma_wait3A_783 = tpu.memref_squeeze %dma_wait3A_782 : memref<1x!tpu.dma_semaphore, #tpu.memory_space<semaphore_mem>> -> memref<!tpu.dma_semaphore, #tpu.memory_space<semaphore_mem>>
    %dma_wait3A_784 = arith.constant 4 : i32
    %dma_wait3A_785 = arith.constant 0 : i32
    %dma_wait3A_786 = arith.constant 0 : i32
    %dma_wait3A_787 = arith.constant 0 : i32
    %dma_wait3A_788 = arith.constant 0 : i32
    %dma_wait3A_789 = tpu.memref_slice %arg1[%dma_wait3A_784, %dma_wait3A_785, %dma_wait3A_786, %dma_wait3A_787, %dma_wait3A_788] : memref<12x8x3x224x224xf32, #tpu.memory_space<any>> -> memref<1x4x3x224x224xf32, #tpu.memory_space<any>>
    %dma_wait3A_790 = arith.constant 0 : i32
    %dma_wait3A_791 = arith.constant 0 : i32
    %dma_wait3A_792 = arith.constant 0 : i32
    %dma_wait3A_793 = arith.constant 0 : i32
    %dma_wait3A_794 = arith.constant 0 : i32
    %dma_wait3A_795 = tpu.memref_slice %arg2[%dma_wait3A_780, %dma_wait3A_790, %dma_wait3A_791, %dma_wait3A_792, %dma_wait3A_793, %dma_wait3A_794] : memref<12x1x4x3x224x224xf32, #tpu.memory_space<vmem>> -> memref<1x1x4x3x224x224xf32, #tpu.memory_space<vmem>>
    %dma_wait3A_796 = tpu.memref_squeeze %dma_wait3A_795 : memref<1x1x4x3x224x224xf32, #tpu.memory_space<vmem>> -> memref<1x4x3x224x224xf32, #tpu.memory_space<vmem>>
    tpu.wait_dma2 semaphore(%dma_wait3A_783 : memref<!tpu.dma_semaphore, #tpu.memory_space<semaphore_mem>>) src(%dma_wait3A_796 : memref<1x4x3x224x224xf32, #tpu.memory_space<vmem>>) dst(%dma_wait3A_789 : memref<1x4x3x224x224xf32, #tpu.memory_space<any>>)
    %dma_start3A_797 = arith.constant 8 : i32
    %dma_start3A_798 = arith.constant 8 : i32
    %dma_start3A_799 = tpu.memref_slice %arg3[%dma_start3A_798] : memref<12x!tpu.dma_semaphore, #tpu.memory_space<semaphore_mem>> -> memref<1x!tpu.dma_semaphore, #tpu.memory_space<semaphore_mem>>
    %dma_start3A_800 = tpu.memref_squeeze %dma_start3A_799 : memref<1x!tpu.dma_semaphore, #tpu.memory_space<semaphore_mem>> -> memref<!tpu.dma_semaphore, #tpu.memory_space<semaphore_mem>>
    %dma_start3A_801 = arith.constant 0 : i32
    %dma_start3A_802 = arith.constant 0 : i32
    %dma_start3A_803 = arith.constant 0 : i32
    %dma_start3A_804 = arith.constant 0 : i32
    %dma_start3A_805 = arith.constant 0 : i32
    %dma_start3A_806 = tpu.memref_slice %arg2[%dma_start3A_797, %dma_start3A_801, %dma_start3A_802, %dma_start3A_803, %dma_start3A_804, %dma_start3A_805] : memref<12x1x4x3x224x224xf32, #tpu.memory_space<vmem>> -> memref<1x1x4x3x224x224xf32, #tpu.memory_space<vmem>>
    %dma_start3A_807 = tpu.memref_squeeze %dma_start3A_806 : memref<1x1x4x3x224x224xf32, #tpu.memory_space<vmem>> -> memref<1x4x3x224x224xf32, #tpu.memory_space<vmem>>
    %dma_start3A_808 = arith.constant 10 : i32
    %dma_start3A_809 = arith.constant 0 : i32
    %dma_start3A_810 = arith.constant 1 : i32
    %dma_start3A_811 = arith.constant 0 : i32
    %dma_start3A_812 = arith.constant 0 : i32
    %dma_start3A_813 = tpu.memref_slice %arg0[%dma_start3A_808, %dma_start3A_809, %dma_start3A_810, %dma_start3A_811, %dma_start3A_812] : memref<12x8x4x224x224xf32, #tpu.memory_space<any>> -> memref<1x4x3x224x224xf32, #tpu.memory_space<any>>
    tpu.enqueue_dma source(%dma_start3A_813 : memref<1x4x3x224x224xf32, #tpu.memory_space<any>>) target(%dma_start3A_807 : memref<1x4x3x224x224xf32, #tpu.memory_space<vmem>>) target_semaphore(%dma_start3A_800 : memref<!tpu.dma_semaphore, #tpu.memory_space<semaphore_mem>>)
    %dma_wait3A_814 = arith.constant 9 : i32
    %dma_wait3A_815 = arith.constant 9 : i32
    %dma_wait3A_816 = tpu.memref_slice %arg3[%dma_wait3A_815] : memref<12x!tpu.dma_semaphore, #tpu.memory_space<semaphore_mem>> -> memref<1x!tpu.dma_semaphore, #tpu.memory_space<semaphore_mem>>
    %dma_wait3A_817 = tpu.memref_squeeze %dma_wait3A_816 : memref<1x!tpu.dma_semaphore, #tpu.memory_space<semaphore_mem>> -> memref<!tpu.dma_semaphore, #tpu.memory_space<semaphore_mem>>
    %dma_wait3A_818 = arith.constant 0 : i32
    %dma_wait3A_819 = arith.constant 0 : i32
    %dma_wait3A_820 = arith.constant 0 : i32
    %dma_wait3A_821 = arith.constant 0 : i32
    %dma_wait3A_822 = arith.constant 0 : i32
    %dma_wait3A_823 = tpu.memref_slice %arg2[%dma_wait3A_814, %dma_wait3A_818, %dma_wait3A_819, %dma_wait3A_820, %dma_wait3A_821, %dma_wait3A_822] : memref<12x1x4x3x224x224xf32, #tpu.memory_space<vmem>> -> memref<1x1x4x3x224x224xf32, #tpu.memory_space<vmem>>
    %dma_wait3A_824 = tpu.memref_squeeze %dma_wait3A_823 : memref<1x1x4x3x224x224xf32, #tpu.memory_space<vmem>> -> memref<1x4x3x224x224xf32, #tpu.memory_space<vmem>>
    %dma_wait3A_825 = arith.constant 4 : i32
    %dma_wait3A_826 = arith.constant 4 : i32
    %dma_wait3A_827 = arith.constant 1 : i32
    %dma_wait3A_828 = arith.constant 0 : i32
    %dma_wait3A_829 = arith.constant 0 : i32
    %dma_wait3A_830 = tpu.memref_slice %arg0[%dma_wait3A_825, %dma_wait3A_826, %dma_wait3A_827, %dma_wait3A_828, %dma_wait3A_829] : memref<12x8x4x224x224xf32, #tpu.memory_space<any>> -> memref<1x4x3x224x224xf32, #tpu.memory_space<any>>
    tpu.wait_dma2 semaphore(%dma_wait3A_817 : memref<!tpu.dma_semaphore, #tpu.memory_space<semaphore_mem>>) src(%dma_wait3A_830 : memref<1x4x3x224x224xf32, #tpu.memory_space<any>>) dst(%dma_wait3A_824 : memref<1x4x3x224x224xf32, #tpu.memory_space<vmem>>)
    %dma_start3A_831 = arith.constant 9 : i32
    %dma_start3A_832 = arith.constant 9 : i32
    %dma_start3A_833 = tpu.memref_slice %arg4[%dma_start3A_832] : memref<12x!tpu.dma_semaphore, #tpu.memory_space<semaphore_mem>> -> memref<1x!tpu.dma_semaphore, #tpu.memory_space<semaphore_mem>>
    %dma_start3A_834 = tpu.memref_squeeze %dma_start3A_833 : memref<1x!tpu.dma_semaphore, #tpu.memory_space<semaphore_mem>> -> memref<!tpu.dma_semaphore, #tpu.memory_space<semaphore_mem>>
    %dma_start3A_835 = arith.constant 4 : i32
    %dma_start3A_836 = arith.constant 4 : i32
    %dma_start3A_837 = arith.constant 0 : i32
    %dma_start3A_838 = arith.constant 0 : i32
    %dma_start3A_839 = arith.constant 0 : i32
    %dma_start3A_840 = tpu.memref_slice %arg1[%dma_start3A_835, %dma_start3A_836, %dma_start3A_837, %dma_start3A_838, %dma_start3A_839] : memref<12x8x3x224x224xf32, #tpu.memory_space<any>> -> memref<1x4x3x224x224xf32, #tpu.memory_space<any>>
    %dma_start3A_841 = arith.constant 0 : i32
    %dma_start3A_842 = arith.constant 0 : i32
    %dma_start3A_843 = arith.constant 0 : i32
    %dma_start3A_844 = arith.constant 0 : i32
    %dma_start3A_845 = arith.constant 0 : i32
    %dma_start3A_846 = tpu.memref_slice %arg2[%dma_start3A_831, %dma_start3A_841, %dma_start3A_842, %dma_start3A_843, %dma_start3A_844, %dma_start3A_845] : memref<12x1x4x3x224x224xf32, #tpu.memory_space<vmem>> -> memref<1x1x4x3x224x224xf32, #tpu.memory_space<vmem>>
    %dma_start3A_847 = tpu.memref_squeeze %dma_start3A_846 : memref<1x1x4x3x224x224xf32, #tpu.memory_space<vmem>> -> memref<1x4x3x224x224xf32, #tpu.memory_space<vmem>>
    tpu.enqueue_dma source(%dma_start3A_847 : memref<1x4x3x224x224xf32, #tpu.memory_space<vmem>>) target(%dma_start3A_840 : memref<1x4x3x224x224xf32, #tpu.memory_space<any>>) target_semaphore(%dma_start3A_834 : memref<!tpu.dma_semaphore, #tpu.memory_space<semaphore_mem>>)
    %dma_wait3A_848 = arith.constant 9 : i32
    %dma_wait3A_849 = arith.constant 9 : i32
    %dma_wait3A_850 = tpu.memref_slice %arg4[%dma_wait3A_849] : memref<12x!tpu.dma_semaphore, #tpu.memory_space<semaphore_mem>> -> memref<1x!tpu.dma_semaphore, #tpu.memory_space<semaphore_mem>>
    %dma_wait3A_851 = tpu.memref_squeeze %dma_wait3A_850 : memref<1x!tpu.dma_semaphore, #tpu.memory_space<semaphore_mem>> -> memref<!tpu.dma_semaphore, #tpu.memory_space<semaphore_mem>>
    %dma_wait3A_852 = arith.constant 4 : i32
    %dma_wait3A_853 = arith.constant 4 : i32
    %dma_wait3A_854 = arith.constant 0 : i32
    %dma_wait3A_855 = arith.constant 0 : i32
    %dma_wait3A_856 = arith.constant 0 : i32
    %dma_wait3A_857 = tpu.memref_slice %arg1[%dma_wait3A_852, %dma_wait3A_853, %dma_wait3A_854, %dma_wait3A_855, %dma_wait3A_856] : memref<12x8x3x224x224xf32, #tpu.memory_space<any>> -> memref<1x4x3x224x224xf32, #tpu.memory_space<any>>
    %dma_wait3A_858 = arith.constant 0 : i32
    %dma_wait3A_859 = arith.constant 0 : i32
    %dma_wait3A_860 = arith.constant 0 : i32
    %dma_wait3A_861 = arith.constant 0 : i32
    %dma_wait3A_862 = arith.constant 0 : i32
    %dma_wait3A_863 = tpu.memref_slice %arg2[%dma_wait3A_848, %dma_wait3A_858, %dma_wait3A_859, %dma_wait3A_860, %dma_wait3A_861, %dma_wait3A_862] : memref<12x1x4x3x224x224xf32, #tpu.memory_space<vmem>> -> memref<1x1x4x3x224x224xf32, #tpu.memory_space<vmem>>
    %dma_wait3A_864 = tpu.memref_squeeze %dma_wait3A_863 : memref<1x1x4x3x224x224xf32, #tpu.memory_space<vmem>> -> memref<1x4x3x224x224xf32, #tpu.memory_space<vmem>>
    tpu.wait_dma2 semaphore(%dma_wait3A_851 : memref<!tpu.dma_semaphore, #tpu.memory_space<semaphore_mem>>) src(%dma_wait3A_864 : memref<1x4x3x224x224xf32, #tpu.memory_space<vmem>>) dst(%dma_wait3A_857 : memref<1x4x3x224x224xf32, #tpu.memory_space<any>>)
    %dma_start3A_865 = arith.constant 9 : i32
    %dma_start3A_866 = arith.constant 9 : i32
    %dma_start3A_867 = tpu.memref_slice %arg3[%dma_start3A_866] : memref<12x!tpu.dma_semaphore, #tpu.memory_space<semaphore_mem>> -> memref<1x!tpu.dma_semaphore, #tpu.memory_space<semaphore_mem>>
    %dma_start3A_868 = tpu.memref_squeeze %dma_start3A_867 : memref<1x!tpu.dma_semaphore, #tpu.memory_space<semaphore_mem>> -> memref<!tpu.dma_semaphore, #tpu.memory_space<semaphore_mem>>
    %dma_start3A_869 = arith.constant 0 : i32
    %dma_start3A_870 = arith.constant 0 : i32
    %dma_start3A_871 = arith.constant 0 : i32
    %dma_start3A_872 = arith.constant 0 : i32
    %dma_start3A_873 = arith.constant 0 : i32
    %dma_start3A_874 = tpu.memref_slice %arg2[%dma_start3A_865, %dma_start3A_869, %dma_start3A_870, %dma_start3A_871, %dma_start3A_872, %dma_start3A_873] : memref<12x1x4x3x224x224xf32, #tpu.memory_space<vmem>> -> memref<1x1x4x3x224x224xf32, #tpu.memory_space<vmem>>
    %dma_start3A_875 = tpu.memref_squeeze %dma_start3A_874 : memref<1x1x4x3x224x224xf32, #tpu.memory_space<vmem>> -> memref<1x4x3x224x224xf32, #tpu.memory_space<vmem>>
    %dma_start3A_876 = arith.constant 10 : i32
    %dma_start3A_877 = arith.constant 4 : i32
    %dma_start3A_878 = arith.constant 1 : i32
    %dma_start3A_879 = arith.constant 0 : i32
    %dma_start3A_880 = arith.constant 0 : i32
    %dma_start3A_881 = tpu.memref_slice %arg0[%dma_start3A_876, %dma_start3A_877, %dma_start3A_878, %dma_start3A_879, %dma_start3A_880] : memref<12x8x4x224x224xf32, #tpu.memory_space<any>> -> memref<1x4x3x224x224xf32, #tpu.memory_space<any>>
    tpu.enqueue_dma source(%dma_start3A_881 : memref<1x4x3x224x224xf32, #tpu.memory_space<any>>) target(%dma_start3A_875 : memref<1x4x3x224x224xf32, #tpu.memory_space<vmem>>) target_semaphore(%dma_start3A_868 : memref<!tpu.dma_semaphore, #tpu.memory_space<semaphore_mem>>)
    %dma_wait3A_882 = arith.constant 10 : i32
    %dma_wait3A_883 = arith.constant 10 : i32
    %dma_wait3A_884 = tpu.memref_slice %arg3[%dma_wait3A_883] : memref<12x!tpu.dma_semaphore, #tpu.memory_space<semaphore_mem>> -> memref<1x!tpu.dma_semaphore, #tpu.memory_space<semaphore_mem>>
    %dma_wait3A_885 = tpu.memref_squeeze %dma_wait3A_884 : memref<1x!tpu.dma_semaphore, #tpu.memory_space<semaphore_mem>> -> memref<!tpu.dma_semaphore, #tpu.memory_space<semaphore_mem>>
    %dma_wait3A_886 = arith.constant 0 : i32
    %dma_wait3A_887 = arith.constant 0 : i32
    %dma_wait3A_888 = arith.constant 0 : i32
    %dma_wait3A_889 = arith.constant 0 : i32
    %dma_wait3A_890 = arith.constant 0 : i32
    %dma_wait3A_891 = tpu.memref_slice %arg2[%dma_wait3A_882, %dma_wait3A_886, %dma_wait3A_887, %dma_wait3A_888, %dma_wait3A_889, %dma_wait3A_890] : memref<12x1x4x3x224x224xf32, #tpu.memory_space<vmem>> -> memref<1x1x4x3x224x224xf32, #tpu.memory_space<vmem>>
    %dma_wait3A_892 = tpu.memref_squeeze %dma_wait3A_891 : memref<1x1x4x3x224x224xf32, #tpu.memory_space<vmem>> -> memref<1x4x3x224x224xf32, #tpu.memory_space<vmem>>
    %dma_wait3A_893 = arith.constant 5 : i32
    %dma_wait3A_894 = arith.constant 0 : i32
    %dma_wait3A_895 = arith.constant 1 : i32
    %dma_wait3A_896 = arith.constant 0 : i32
    %dma_wait3A_897 = arith.constant 0 : i32
    %dma_wait3A_898 = tpu.memref_slice %arg0[%dma_wait3A_893, %dma_wait3A_894, %dma_wait3A_895, %dma_wait3A_896, %dma_wait3A_897] : memref<12x8x4x224x224xf32, #tpu.memory_space<any>> -> memref<1x4x3x224x224xf32, #tpu.memory_space<any>>
    tpu.wait_dma2 semaphore(%dma_wait3A_885 : memref<!tpu.dma_semaphore, #tpu.memory_space<semaphore_mem>>) src(%dma_wait3A_898 : memref<1x4x3x224x224xf32, #tpu.memory_space<any>>) dst(%dma_wait3A_892 : memref<1x4x3x224x224xf32, #tpu.memory_space<vmem>>)
    %dma_start3A_899 = arith.constant 10 : i32
    %dma_start3A_900 = arith.constant 10 : i32
    %dma_start3A_901 = tpu.memref_slice %arg4[%dma_start3A_900] : memref<12x!tpu.dma_semaphore, #tpu.memory_space<semaphore_mem>> -> memref<1x!tpu.dma_semaphore, #tpu.memory_space<semaphore_mem>>
    %dma_start3A_902 = tpu.memref_squeeze %dma_start3A_901 : memref<1x!tpu.dma_semaphore, #tpu.memory_space<semaphore_mem>> -> memref<!tpu.dma_semaphore, #tpu.memory_space<semaphore_mem>>
    %dma_start3A_903 = arith.constant 5 : i32
    %dma_start3A_904 = arith.constant 0 : i32
    %dma_start3A_905 = arith.constant 0 : i32
    %dma_start3A_906 = arith.constant 0 : i32
    %dma_start3A_907 = arith.constant 0 : i32
    %dma_start3A_908 = tpu.memref_slice %arg1[%dma_start3A_903, %dma_start3A_904, %dma_start3A_905, %dma_start3A_906, %dma_start3A_907] : memref<12x8x3x224x224xf32, #tpu.memory_space<any>> -> memref<1x4x3x224x224xf32, #tpu.memory_space<any>>
    %dma_start3A_909 = arith.constant 0 : i32
    %dma_start3A_910 = arith.constant 0 : i32
    %dma_start3A_911 = arith.constant 0 : i32
    %dma_start3A_912 = arith.constant 0 : i32
    %dma_start3A_913 = arith.constant 0 : i32
    %dma_start3A_914 = tpu.memref_slice %arg2[%dma_start3A_899, %dma_start3A_909, %dma_start3A_910, %dma_start3A_911, %dma_start3A_912, %dma_start3A_913] : memref<12x1x4x3x224x224xf32, #tpu.memory_space<vmem>> -> memref<1x1x4x3x224x224xf32, #tpu.memory_space<vmem>>
    %dma_start3A_915 = tpu.memref_squeeze %dma_start3A_914 : memref<1x1x4x3x224x224xf32, #tpu.memory_space<vmem>> -> memref<1x4x3x224x224xf32, #tpu.memory_space<vmem>>
    tpu.enqueue_dma source(%dma_start3A_915 : memref<1x4x3x224x224xf32, #tpu.memory_space<vmem>>) target(%dma_start3A_908 : memref<1x4x3x224x224xf32, #tpu.memory_space<any>>) target_semaphore(%dma_start3A_902 : memref<!tpu.dma_semaphore, #tpu.memory_space<semaphore_mem>>)
    %dma_wait3A_916 = arith.constant 10 : i32
    %dma_wait3A_917 = arith.constant 10 : i32
    %dma_wait3A_918 = tpu.memref_slice %arg4[%dma_wait3A_917] : memref<12x!tpu.dma_semaphore, #tpu.memory_space<semaphore_mem>> -> memref<1x!tpu.dma_semaphore, #tpu.memory_space<semaphore_mem>>
    %dma_wait3A_919 = tpu.memref_squeeze %dma_wait3A_918 : memref<1x!tpu.dma_semaphore, #tpu.memory_space<semaphore_mem>> -> memref<!tpu.dma_semaphore, #tpu.memory_space<semaphore_mem>>
    %dma_wait3A_920 = arith.constant 5 : i32
    %dma_wait3A_921 = arith.constant 0 : i32
    %dma_wait3A_922 = arith.constant 0 : i32
    %dma_wait3A_923 = arith.constant 0 : i32
    %dma_wait3A_924 = arith.constant 0 : i32
    %dma_wait3A_925 = tpu.memref_slice %arg1[%dma_wait3A_920, %dma_wait3A_921, %dma_wait3A_922, %dma_wait3A_923, %dma_wait3A_924] : memref<12x8x3x224x224xf32, #tpu.memory_space<any>> -> memref<1x4x3x224x224xf32, #tpu.memory_space<any>>
    %dma_wait3A_926 = arith.constant 0 : i32
    %dma_wait3A_927 = arith.constant 0 : i32
    %dma_wait3A_928 = arith.constant 0 : i32
    %dma_wait3A_929 = arith.constant 0 : i32
    %dma_wait3A_930 = arith.constant 0 : i32
    %dma_wait3A_931 = tpu.memref_slice %arg2[%dma_wait3A_916, %dma_wait3A_926, %dma_wait3A_927, %dma_wait3A_928, %dma_wait3A_929, %dma_wait3A_930] : memref<12x1x4x3x224x224xf32, #tpu.memory_space<vmem>> -> memref<1x1x4x3x224x224xf32, #tpu.memory_space<vmem>>
    %dma_wait3A_932 = tpu.memref_squeeze %dma_wait3A_931 : memref<1x1x4x3x224x224xf32, #tpu.memory_space<vmem>> -> memref<1x4x3x224x224xf32, #tpu.memory_space<vmem>>
    tpu.wait_dma2 semaphore(%dma_wait3A_919 : memref<!tpu.dma_semaphore, #tpu.memory_space<semaphore_mem>>) src(%dma_wait3A_932 : memref<1x4x3x224x224xf32, #tpu.memory_space<vmem>>) dst(%dma_wait3A_925 : memref<1x4x3x224x224xf32, #tpu.memory_space<any>>)
    %dma_start3A_933 = arith.constant 10 : i32
    %dma_start3A_934 = arith.constant 10 : i32
    %dma_start3A_935 = tpu.memref_slice %arg3[%dma_start3A_934] : memref<12x!tpu.dma_semaphore, #tpu.memory_space<semaphore_mem>> -> memref<1x!tpu.dma_semaphore, #tpu.memory_space<semaphore_mem>>
    %dma_start3A_936 = tpu.memref_squeeze %dma_start3A_935 : memref<1x!tpu.dma_semaphore, #tpu.memory_space<semaphore_mem>> -> memref<!tpu.dma_semaphore, #tpu.memory_space<semaphore_mem>>
    %dma_start3A_937 = arith.constant 0 : i32
    %dma_start3A_938 = arith.constant 0 : i32
    %dma_start3A_939 = arith.constant 0 : i32
    %dma_start3A_940 = arith.constant 0 : i32
    %dma_start3A_941 = arith.constant 0 : i32
    %dma_start3A_942 = tpu.memref_slice %arg2[%dma_start3A_933, %dma_start3A_937, %dma_start3A_938, %dma_start3A_939, %dma_start3A_940, %dma_start3A_941] : memref<12x1x4x3x224x224xf32, #tpu.memory_space<vmem>> -> memref<1x1x4x3x224x224xf32, #tpu.memory_space<vmem>>
    %dma_start3A_943 = tpu.memref_squeeze %dma_start3A_942 : memref<1x1x4x3x224x224xf32, #tpu.memory_space<vmem>> -> memref<1x4x3x224x224xf32, #tpu.memory_space<vmem>>
    %dma_start3A_944 = arith.constant 11 : i32
    %dma_start3A_945 = arith.constant 0 : i32
    %dma_start3A_946 = arith.constant 1 : i32
    %dma_start3A_947 = arith.constant 0 : i32
    %dma_start3A_948 = arith.constant 0 : i32
    %dma_start3A_949 = tpu.memref_slice %arg0[%dma_start3A_944, %dma_start3A_945, %dma_start3A_946, %dma_start3A_947, %dma_start3A_948] : memref<12x8x4x224x224xf32, #tpu.memory_space<any>> -> memref<1x4x3x224x224xf32, #tpu.memory_space<any>>
    tpu.enqueue_dma source(%dma_start3A_949 : memref<1x4x3x224x224xf32, #tpu.memory_space<any>>) target(%dma_start3A_943 : memref<1x4x3x224x224xf32, #tpu.memory_space<vmem>>) target_semaphore(%dma_start3A_936 : memref<!tpu.dma_semaphore, #tpu.memory_space<semaphore_mem>>)
    %dma_wait3A_950 = arith.constant 11 : i32
    %dma_wait3A_951 = arith.constant 11 : i32
    %dma_wait3A_952 = tpu.memref_slice %arg3[%dma_wait3A_951] : memref<12x!tpu.dma_semaphore, #tpu.memory_space<semaphore_mem>> -> memref<1x!tpu.dma_semaphore, #tpu.memory_space<semaphore_mem>>
    %dma_wait3A_953 = tpu.memref_squeeze %dma_wait3A_952 : memref<1x!tpu.dma_semaphore, #tpu.memory_space<semaphore_mem>> -> memref<!tpu.dma_semaphore, #tpu.memory_space<semaphore_mem>>
    %dma_wait3A_954 = arith.constant 0 : i32
    %dma_wait3A_955 = arith.constant 0 : i32
    %dma_wait3A_956 = arith.constant 0 : i32
    %dma_wait3A_957 = arith.constant 0 : i32
    %dma_wait3A_958 = arith.constant 0 : i32
    %dma_wait3A_959 = tpu.memref_slice %arg2[%dma_wait3A_950, %dma_wait3A_954, %dma_wait3A_955, %dma_wait3A_956, %dma_wait3A_957, %dma_wait3A_958] : memref<12x1x4x3x224x224xf32, #tpu.memory_space<vmem>> -> memref<1x1x4x3x224x224xf32, #tpu.memory_space<vmem>>
    %dma_wait3A_960 = tpu.memref_squeeze %dma_wait3A_959 : memref<1x1x4x3x224x224xf32, #tpu.memory_space<vmem>> -> memref<1x4x3x224x224xf32, #tpu.memory_space<vmem>>
    %dma_wait3A_961 = arith.constant 5 : i32
    %dma_wait3A_962 = arith.constant 4 : i32
    %dma_wait3A_963 = arith.constant 1 : i32
    %dma_wait3A_964 = arith.constant 0 : i32
    %dma_wait3A_965 = arith.constant 0 : i32
    %dma_wait3A_966 = tpu.memref_slice %arg0[%dma_wait3A_961, %dma_wait3A_962, %dma_wait3A_963, %dma_wait3A_964, %dma_wait3A_965] : memref<12x8x4x224x224xf32, #tpu.memory_space<any>> -> memref<1x4x3x224x224xf32, #tpu.memory_space<any>>
    tpu.wait_dma2 semaphore(%dma_wait3A_953 : memref<!tpu.dma_semaphore, #tpu.memory_space<semaphore_mem>>) src(%dma_wait3A_966 : memref<1x4x3x224x224xf32, #tpu.memory_space<any>>) dst(%dma_wait3A_960 : memref<1x4x3x224x224xf32, #tpu.memory_space<vmem>>)
    %dma_start3A_967 = arith.constant 11 : i32
    %dma_start3A_968 = arith.constant 11 : i32
    %dma_start3A_969 = tpu.memref_slice %arg4[%dma_start3A_968] : memref<12x!tpu.dma_semaphore, #tpu.memory_space<semaphore_mem>> -> memref<1x!tpu.dma_semaphore, #tpu.memory_space<semaphore_mem>>
    %dma_start3A_970 = tpu.memref_squeeze %dma_start3A_969 : memref<1x!tpu.dma_semaphore, #tpu.memory_space<semaphore_mem>> -> memref<!tpu.dma_semaphore, #tpu.memory_space<semaphore_mem>>
    %dma_start3A_971 = arith.constant 5 : i32
    %dma_start3A_972 = arith.constant 4 : i32
    %dma_start3A_973 = arith.constant 0 : i32
    %dma_start3A_974 = arith.constant 0 : i32
    %dma_start3A_975 = arith.constant 0 : i32
    %dma_start3A_976 = tpu.memref_slice %arg1[%dma_start3A_971, %dma_start3A_972, %dma_start3A_973, %dma_start3A_974, %dma_start3A_975] : memref<12x8x3x224x224xf32, #tpu.memory_space<any>> -> memref<1x4x3x224x224xf32, #tpu.memory_space<any>>
    %dma_start3A_977 = arith.constant 0 : i32
    %dma_start3A_978 = arith.constant 0 : i32
    %dma_start3A_979 = arith.constant 0 : i32
    %dma_start3A_980 = arith.constant 0 : i32
    %dma_start3A_981 = arith.constant 0 : i32
    %dma_start3A_982 = tpu.memref_slice %arg2[%dma_start3A_967, %dma_start3A_977, %dma_start3A_978, %dma_start3A_979, %dma_start3A_980, %dma_start3A_981] : memref<12x1x4x3x224x224xf32, #tpu.memory_space<vmem>> -> memref<1x1x4x3x224x224xf32, #tpu.memory_space<vmem>>
    %dma_start3A_983 = tpu.memref_squeeze %dma_start3A_982 : memref<1x1x4x3x224x224xf32, #tpu.memory_space<vmem>> -> memref<1x4x3x224x224xf32, #tpu.memory_space<vmem>>
    tpu.enqueue_dma source(%dma_start3A_983 : memref<1x4x3x224x224xf32, #tpu.memory_space<vmem>>) target(%dma_start3A_976 : memref<1x4x3x224x224xf32, #tpu.memory_space<any>>) target_semaphore(%dma_start3A_970 : memref<!tpu.dma_semaphore, #tpu.memory_space<semaphore_mem>>)
    %dma_wait3A_984 = arith.constant 11 : i32
    %dma_wait3A_985 = arith.constant 11 : i32
    %dma_wait3A_986 = tpu.memref_slice %arg4[%dma_wait3A_985] : memref<12x!tpu.dma_semaphore, #tpu.memory_space<semaphore_mem>> -> memref<1x!tpu.dma_semaphore, #tpu.memory_space<semaphore_mem>>
    %dma_wait3A_987 = tpu.memref_squeeze %dma_wait3A_986 : memref<1x!tpu.dma_semaphore, #tpu.memory_space<semaphore_mem>> -> memref<!tpu.dma_semaphore, #tpu.memory_space<semaphore_mem>>
    %dma_wait3A_988 = arith.constant 5 : i32
    %dma_wait3A_989 = arith.constant 4 : i32
    %dma_wait3A_990 = arith.constant 0 : i32
    %dma_wait3A_991 = arith.constant 0 : i32
    %dma_wait3A_992 = arith.constant 0 : i32
    %dma_wait3A_993 = tpu.memref_slice %arg1[%dma_wait3A_988, %dma_wait3A_989, %dma_wait3A_990, %dma_wait3A_991, %dma_wait3A_992] : memref<12x8x3x224x224xf32, #tpu.memory_space<any>> -> memref<1x4x3x224x224xf32, #tpu.memory_space<any>>
    %dma_wait3A_994 = arith.constant 0 : i32
    %dma_wait3A_995 = arith.constant 0 : i32
    %dma_wait3A_996 = arith.constant 0 : i32
    %dma_wait3A_997 = arith.constant 0 : i32
    %dma_wait3A_998 = arith.constant 0 : i32
    %dma_wait3A_999 = tpu.memref_slice %arg2[%dma_wait3A_984, %dma_wait3A_994, %dma_wait3A_995, %dma_wait3A_996, %dma_wait3A_997, %dma_wait3A_998] : memref<12x1x4x3x224x224xf32, #tpu.memory_space<vmem>> -> memref<1x1x4x3x224x224xf32, #tpu.memory_space<vmem>>
    %dma_wait3A_1000 = tpu.memref_squeeze %dma_wait3A_999 : memref<1x1x4x3x224x224xf32, #tpu.memory_space<vmem>> -> memref<1x4x3x224x224xf32, #tpu.memory_space<vmem>>
    tpu.wait_dma2 semaphore(%dma_wait3A_987 : memref<!tpu.dma_semaphore, #tpu.memory_space<semaphore_mem>>) src(%dma_wait3A_1000 : memref<1x4x3x224x224xf32, #tpu.memory_space<vmem>>) dst(%dma_wait3A_993 : memref<1x4x3x224x224xf32, #tpu.memory_space<any>>)
    %dma_start3A_1001 = arith.constant 11 : i32
    %dma_start3A_1002 = arith.constant 11 : i32
    %dma_start3A_1003 = tpu.memref_slice %arg3[%dma_start3A_1002] : memref<12x!tpu.dma_semaphore, #tpu.memory_space<semaphore_mem>> -> memref<1x!tpu.dma_semaphore, #tpu.memory_space<semaphore_mem>>
    %dma_start3A_1004 = tpu.memref_squeeze %dma_start3A_1003 : memref<1x!tpu.dma_semaphore, #tpu.memory_space<semaphore_mem>> -> memref<!tpu.dma_semaphore, #tpu.memory_space<semaphore_mem>>
    %dma_start3A_1005 = arith.constant 0 : i32
    %dma_start3A_1006 = arith.constant 0 : i32
    %dma_start3A_1007 = arith.constant 0 : i32
    %dma_start3A_1008 = arith.constant 0 : i32
    %dma_start3A_1009 = arith.constant 0 : i32
    %dma_start3A_1010 = tpu.memref_slice %arg2[%dma_start3A_1001, %dma_start3A_1005, %dma_start3A_1006, %dma_start3A_1007, %dma_start3A_1008, %dma_start3A_1009] : memref<12x1x4x3x224x224xf32, #tpu.memory_space<vmem>> -> memref<1x1x4x3x224x224xf32, #tpu.memory_space<vmem>>
    %dma_start3A_1011 = tpu.memref_squeeze %dma_start3A_1010 : memref<1x1x4x3x224x224xf32, #tpu.memory_space<vmem>> -> memref<1x4x3x224x224xf32, #tpu.memory_space<vmem>>
    %dma_start3A_1012 = arith.constant 11 : i32
    %dma_start3A_1013 = arith.constant 4 : i32
    %dma_start3A_1014 = arith.constant 1 : i32
    %dma_start3A_1015 = arith.constant 0 : i32
    %dma_start3A_1016 = arith.constant 0 : i32
    %dma_start3A_1017 = tpu.memref_slice %arg0[%dma_start3A_1012, %dma_start3A_1013, %dma_start3A_1014, %dma_start3A_1015, %dma_start3A_1016] : memref<12x8x4x224x224xf32, #tpu.memory_space<any>> -> memref<1x4x3x224x224xf32, #tpu.memory_space<any>>
    tpu.enqueue_dma source(%dma_start3A_1017 : memref<1x4x3x224x224xf32, #tpu.memory_space<any>>) target(%dma_start3A_1011 : memref<1x4x3x224x224xf32, #tpu.memory_space<vmem>>) target_semaphore(%dma_start3A_1004 : memref<!tpu.dma_semaphore, #tpu.memory_space<semaphore_mem>>)
    %dma_wait3A_1018 = arith.constant 0 : i32
    %dma_wait3A_1019 = arith.constant 0 : i32
    %dma_wait3A_1020 = tpu.memref_slice %arg3[%dma_wait3A_1019] : memref<12x!tpu.dma_semaphore, #tpu.memory_space<semaphore_mem>> -> memref<1x!tpu.dma_semaphore, #tpu.memory_space<semaphore_mem>>
    %dma_wait3A_1021 = tpu.memref_squeeze %dma_wait3A_1020 : memref<1x!tpu.dma_semaphore, #tpu.memory_space<semaphore_mem>> -> memref<!tpu.dma_semaphore, #tpu.memory_space<semaphore_mem>>
    %dma_wait3A_1022 = arith.constant 0 : i32
    %dma_wait3A_1023 = arith.constant 0 : i32
    %dma_wait3A_1024 = arith.constant 0 : i32
    %dma_wait3A_1025 = arith.constant 0 : i32
    %dma_wait3A_1026 = arith.constant 0 : i32
    %dma_wait3A_1027 = tpu.memref_slice %arg2[%dma_wait3A_1018, %dma_wait3A_1022, %dma_wait3A_1023, %dma_wait3A_1024, %dma_wait3A_1025, %dma_wait3A_1026] : memref<12x1x4x3x224x224xf32, #tpu.memory_space<vmem>> -> memref<1x1x4x3x224x224xf32, #tpu.memory_space<vmem>>
    %dma_wait3A_1028 = tpu.memref_squeeze %dma_wait3A_1027 : memref<1x1x4x3x224x224xf32, #tpu.memory_space<vmem>> -> memref<1x4x3x224x224xf32, #tpu.memory_space<vmem>>
    %dma_wait3A_1029 = arith.constant 6 : i32
    %dma_wait3A_1030 = arith.constant 0 : i32
    %dma_wait3A_1031 = arith.constant 1 : i32
    %dma_wait3A_1032 = arith.constant 0 : i32
    %dma_wait3A_1033 = arith.constant 0 : i32
    %dma_wait3A_1034 = tpu.memref_slice %arg0[%dma_wait3A_1029, %dma_wait3A_1030, %dma_wait3A_1031, %dma_wait3A_1032, %dma_wait3A_1033] : memref<12x8x4x224x224xf32, #tpu.memory_space<any>> -> memref<1x4x3x224x224xf32, #tpu.memory_space<any>>
    tpu.wait_dma2 semaphore(%dma_wait3A_1021 : memref<!tpu.dma_semaphore, #tpu.memory_space<semaphore_mem>>) src(%dma_wait3A_1034 : memref<1x4x3x224x224xf32, #tpu.memory_space<any>>) dst(%dma_wait3A_1028 : memref<1x4x3x224x224xf32, #tpu.memory_space<vmem>>)
    %dma_start3A_1035 = arith.constant 0 : i32
    %dma_start3A_1036 = arith.constant 0 : i32
    %dma_start3A_1037 = tpu.memref_slice %arg4[%dma_start3A_1036] : memref<12x!tpu.dma_semaphore, #tpu.memory_space<semaphore_mem>> -> memref<1x!tpu.dma_semaphore, #tpu.memory_space<semaphore_mem>>
    %dma_start3A_1038 = tpu.memref_squeeze %dma_start3A_1037 : memref<1x!tpu.dma_semaphore, #tpu.memory_space<semaphore_mem>> -> memref<!tpu.dma_semaphore, #tpu.memory_space<semaphore_mem>>
    %dma_start3A_1039 = arith.constant 6 : i32
    %dma_start3A_1040 = arith.constant 0 : i32
    %dma_start3A_1041 = arith.constant 0 : i32
    %dma_start3A_1042 = arith.constant 0 : i32
    %dma_start3A_1043 = arith.constant 0 : i32
    %dma_start3A_1044 = tpu.memref_slice %arg1[%dma_start3A_1039, %dma_start3A_1040, %dma_start3A_1041, %dma_start3A_1042, %dma_start3A_1043] : memref<12x8x3x224x224xf32, #tpu.memory_space<any>> -> memref<1x4x3x224x224xf32, #tpu.memory_space<any>>
    %dma_start3A_1045 = arith.constant 0 : i32
    %dma_start3A_1046 = arith.constant 0 : i32
    %dma_start3A_1047 = arith.constant 0 : i32
    %dma_start3A_1048 = arith.constant 0 : i32
    %dma_start3A_1049 = arith.constant 0 : i32
    %dma_start3A_1050 = tpu.memref_slice %arg2[%dma_start3A_1035, %dma_start3A_1045, %dma_start3A_1046, %dma_start3A_1047, %dma_start3A_1048, %dma_start3A_1049] : memref<12x1x4x3x224x224xf32, #tpu.memory_space<vmem>> -> memref<1x1x4x3x224x224xf32, #tpu.memory_space<vmem>>
    %dma_start3A_1051 = tpu.memref_squeeze %dma_start3A_1050 : memref<1x1x4x3x224x224xf32, #tpu.memory_space<vmem>> -> memref<1x4x3x224x224xf32, #tpu.memory_space<vmem>>
    tpu.enqueue_dma source(%dma_start3A_1051 : memref<1x4x3x224x224xf32, #tpu.memory_space<vmem>>) target(%dma_start3A_1044 : memref<1x4x3x224x224xf32, #tpu.memory_space<any>>) target_semaphore(%dma_start3A_1038 : memref<!tpu.dma_semaphore, #tpu.memory_space<semaphore_mem>>)
    %dma_wait3A_1052 = arith.constant 1 : i32
    %dma_wait3A_1053 = arith.constant 1 : i32
    %dma_wait3A_1054 = tpu.memref_slice %arg3[%dma_wait3A_1053] : memref<12x!tpu.dma_semaphore, #tpu.memory_space<semaphore_mem>> -> memref<1x!tpu.dma_semaphore, #tpu.memory_space<semaphore_mem>>
    %dma_wait3A_1055 = tpu.memref_squeeze %dma_wait3A_1054 : memref<1x!tpu.dma_semaphore, #tpu.memory_space<semaphore_mem>> -> memref<!tpu.dma_semaphore, #tpu.memory_space<semaphore_mem>>
    %dma_wait3A_1056 = arith.constant 0 : i32
    %dma_wait3A_1057 = arith.constant 0 : i32
    %dma_wait3A_1058 = arith.constant 0 : i32
    %dma_wait3A_1059 = arith.constant 0 : i32
    %dma_wait3A_1060 = arith.constant 0 : i32
    %dma_wait3A_1061 = tpu.memref_slice %arg2[%dma_wait3A_1052, %dma_wait3A_1056, %dma_wait3A_1057, %dma_wait3A_1058, %dma_wait3A_1059, %dma_wait3A_1060] : memref<12x1x4x3x224x224xf32, #tpu.memory_space<vmem>> -> memref<1x1x4x3x224x224xf32, #tpu.memory_space<vmem>>
    %dma_wait3A_1062 = tpu.memref_squeeze %dma_wait3A_1061 : memref<1x1x4x3x224x224xf32, #tpu.memory_space<vmem>> -> memref<1x4x3x224x224xf32, #tpu.memory_space<vmem>>
    %dma_wait3A_1063 = arith.constant 6 : i32
    %dma_wait3A_1064 = arith.constant 4 : i32
    %dma_wait3A_1065 = arith.constant 1 : i32
    %dma_wait3A_1066 = arith.constant 0 : i32
    %dma_wait3A_1067 = arith.constant 0 : i32
    %dma_wait3A_1068 = tpu.memref_slice %arg0[%dma_wait3A_1063, %dma_wait3A_1064, %dma_wait3A_1065, %dma_wait3A_1066, %dma_wait3A_1067] : memref<12x8x4x224x224xf32, #tpu.memory_space<any>> -> memref<1x4x3x224x224xf32, #tpu.memory_space<any>>
    tpu.wait_dma2 semaphore(%dma_wait3A_1055 : memref<!tpu.dma_semaphore, #tpu.memory_space<semaphore_mem>>) src(%dma_wait3A_1068 : memref<1x4x3x224x224xf32, #tpu.memory_space<any>>) dst(%dma_wait3A_1062 : memref<1x4x3x224x224xf32, #tpu.memory_space<vmem>>)
    %dma_start3A_1069 = arith.constant 1 : i32
    %dma_start3A_1070 = arith.constant 1 : i32
    %dma_start3A_1071 = tpu.memref_slice %arg4[%dma_start3A_1070] : memref<12x!tpu.dma_semaphore, #tpu.memory_space<semaphore_mem>> -> memref<1x!tpu.dma_semaphore, #tpu.memory_space<semaphore_mem>>
    %dma_start3A_1072 = tpu.memref_squeeze %dma_start3A_1071 : memref<1x!tpu.dma_semaphore, #tpu.memory_space<semaphore_mem>> -> memref<!tpu.dma_semaphore, #tpu.memory_space<semaphore_mem>>
    %dma_start3A_1073 = arith.constant 6 : i32
    %dma_start3A_1074 = arith.constant 4 : i32
    %dma_start3A_1075 = arith.constant 0 : i32
    %dma_start3A_1076 = arith.constant 0 : i32
    %dma_start3A_1077 = arith.constant 0 : i32
    %dma_start3A_1078 = tpu.memref_slice %arg1[%dma_start3A_1073, %dma_start3A_1074, %dma_start3A_1075, %dma_start3A_1076, %dma_start3A_1077] : memref<12x8x3x224x224xf32, #tpu.memory_space<any>> -> memref<1x4x3x224x224xf32, #tpu.memory_space<any>>
    %dma_start3A_1079 = arith.constant 0 : i32
    %dma_start3A_1080 = arith.constant 0 : i32
    %dma_start3A_1081 = arith.constant 0 : i32
    %dma_start3A_1082 = arith.constant 0 : i32
    %dma_start3A_1083 = arith.constant 0 : i32
    %dma_start3A_1084 = tpu.memref_slice %arg2[%dma_start3A_1069, %dma_start3A_1079, %dma_start3A_1080, %dma_start3A_1081, %dma_start3A_1082, %dma_start3A_1083] : memref<12x1x4x3x224x224xf32, #tpu.memory_space<vmem>> -> memref<1x1x4x3x224x224xf32, #tpu.memory_space<vmem>>
    %dma_start3A_1085 = tpu.memref_squeeze %dma_start3A_1084 : memref<1x1x4x3x224x224xf32, #tpu.memory_space<vmem>> -> memref<1x4x3x224x224xf32, #tpu.memory_space<vmem>>
    tpu.enqueue_dma source(%dma_start3A_1085 : memref<1x4x3x224x224xf32, #tpu.memory_space<vmem>>) target(%dma_start3A_1078 : memref<1x4x3x224x224xf32, #tpu.memory_space<any>>) target_semaphore(%dma_start3A_1072 : memref<!tpu.dma_semaphore, #tpu.memory_space<semaphore_mem>>)
    %dma_wait3A_1086 = arith.constant 2 : i32
    %dma_wait3A_1087 = arith.constant 2 : i32
    %dma_wait3A_1088 = tpu.memref_slice %arg3[%dma_wait3A_1087] : memref<12x!tpu.dma_semaphore, #tpu.memory_space<semaphore_mem>> -> memref<1x!tpu.dma_semaphore, #tpu.memory_space<semaphore_mem>>
    %dma_wait3A_1089 = tpu.memref_squeeze %dma_wait3A_1088 : memref<1x!tpu.dma_semaphore, #tpu.memory_space<semaphore_mem>> -> memref<!tpu.dma_semaphore, #tpu.memory_space<semaphore_mem>>
    %dma_wait3A_1090 = arith.constant 0 : i32
    %dma_wait3A_1091 = arith.constant 0 : i32
    %dma_wait3A_1092 = arith.constant 0 : i32
    %dma_wait3A_1093 = arith.constant 0 : i32
    %dma_wait3A_1094 = arith.constant 0 : i32
    %dma_wait3A_1095 = tpu.memref_slice %arg2[%dma_wait3A_1086, %dma_wait3A_1090, %dma_wait3A_1091, %dma_wait3A_1092, %dma_wait3A_1093, %dma_wait3A_1094] : memref<12x1x4x3x224x224xf32, #tpu.memory_space<vmem>> -> memref<1x1x4x3x224x224xf32, #tpu.memory_space<vmem>>
    %dma_wait3A_1096 = tpu.memref_squeeze %dma_wait3A_1095 : memref<1x1x4x3x224x224xf32, #tpu.memory_space<vmem>> -> memref<1x4x3x224x224xf32, #tpu.memory_space<vmem>>
    %dma_wait3A_1097 = arith.constant 7 : i32
    %dma_wait3A_1098 = arith.constant 0 : i32
    %dma_wait3A_1099 = arith.constant 1 : i32
    %dma_wait3A_1100 = arith.constant 0 : i32
    %dma_wait3A_1101 = arith.constant 0 : i32
    %dma_wait3A_1102 = tpu.memref_slice %arg0[%dma_wait3A_1097, %dma_wait3A_1098, %dma_wait3A_1099, %dma_wait3A_1100, %dma_wait3A_1101] : memref<12x8x4x224x224xf32, #tpu.memory_space<any>> -> memref<1x4x3x224x224xf32, #tpu.memory_space<any>>
    tpu.wait_dma2 semaphore(%dma_wait3A_1089 : memref<!tpu.dma_semaphore, #tpu.memory_space<semaphore_mem>>) src(%dma_wait3A_1102 : memref<1x4x3x224x224xf32, #tpu.memory_space<any>>) dst(%dma_wait3A_1096 : memref<1x4x3x224x224xf32, #tpu.memory_space<vmem>>)
    %dma_start3A_1103 = arith.constant 2 : i32
    %dma_start3A_1104 = arith.constant 2 : i32
    %dma_start3A_1105 = tpu.memref_slice %arg4[%dma_start3A_1104] : memref<12x!tpu.dma_semaphore, #tpu.memory_space<semaphore_mem>> -> memref<1x!tpu.dma_semaphore, #tpu.memory_space<semaphore_mem>>
    %dma_start3A_1106 = tpu.memref_squeeze %dma_start3A_1105 : memref<1x!tpu.dma_semaphore, #tpu.memory_space<semaphore_mem>> -> memref<!tpu.dma_semaphore, #tpu.memory_space<semaphore_mem>>
    %dma_start3A_1107 = arith.constant 7 : i32
    %dma_start3A_1108 = arith.constant 0 : i32
    %dma_start3A_1109 = arith.constant 0 : i32
    %dma_start3A_1110 = arith.constant 0 : i32
    %dma_start3A_1111 = arith.constant 0 : i32
    %dma_start3A_1112 = tpu.memref_slice %arg1[%dma_start3A_1107, %dma_start3A_1108, %dma_start3A_1109, %dma_start3A_1110, %dma_start3A_1111] : memref<12x8x3x224x224xf32, #tpu.memory_space<any>> -> memref<1x4x3x224x224xf32, #tpu.memory_space<any>>
    %dma_start3A_1113 = arith.constant 0 : i32
    %dma_start3A_1114 = arith.constant 0 : i32
    %dma_start3A_1115 = arith.constant 0 : i32
    %dma_start3A_1116 = arith.constant 0 : i32
    %dma_start3A_1117 = arith.constant 0 : i32
    %dma_start3A_1118 = tpu.memref_slice %arg2[%dma_start3A_1103, %dma_start3A_1113, %dma_start3A_1114, %dma_start3A_1115, %dma_start3A_1116, %dma_start3A_1117] : memref<12x1x4x3x224x224xf32, #tpu.memory_space<vmem>> -> memref<1x1x4x3x224x224xf32, #tpu.memory_space<vmem>>
    %dma_start3A_1119 = tpu.memref_squeeze %dma_start3A_1118 : memref<1x1x4x3x224x224xf32, #tpu.memory_space<vmem>> -> memref<1x4x3x224x224xf32, #tpu.memory_space<vmem>>
    tpu.enqueue_dma source(%dma_start3A_1119 : memref<1x4x3x224x224xf32, #tpu.memory_space<vmem>>) target(%dma_start3A_1112 : memref<1x4x3x224x224xf32, #tpu.memory_space<any>>) target_semaphore(%dma_start3A_1106 : memref<!tpu.dma_semaphore, #tpu.memory_space<semaphore_mem>>)
    %dma_wait3A_1120 = arith.constant 3 : i32
    %dma_wait3A_1121 = arith.constant 3 : i32
    %dma_wait3A_1122 = tpu.memref_slice %arg3[%dma_wait3A_1121] : memref<12x!tpu.dma_semaphore, #tpu.memory_space<semaphore_mem>> -> memref<1x!tpu.dma_semaphore, #tpu.memory_space<semaphore_mem>>
    %dma_wait3A_1123 = tpu.memref_squeeze %dma_wait3A_1122 : memref<1x!tpu.dma_semaphore, #tpu.memory_space<semaphore_mem>> -> memref<!tpu.dma_semaphore, #tpu.memory_space<semaphore_mem>>
    %dma_wait3A_1124 = arith.constant 0 : i32
    %dma_wait3A_1125 = arith.constant 0 : i32
    %dma_wait3A_1126 = arith.constant 0 : i32
    %dma_wait3A_1127 = arith.constant 0 : i32
    %dma_wait3A_1128 = arith.constant 0 : i32
    %dma_wait3A_1129 = tpu.memref_slice %arg2[%dma_wait3A_1120, %dma_wait3A_1124, %dma_wait3A_1125, %dma_wait3A_1126, %dma_wait3A_1127, %dma_wait3A_1128] : memref<12x1x4x3x224x224xf32, #tpu.memory_space<vmem>> -> memref<1x1x4x3x224x224xf32, #tpu.memory_space<vmem>>
    %dma_wait3A_1130 = tpu.memref_squeeze %dma_wait3A_1129 : memref<1x1x4x3x224x224xf32, #tpu.memory_space<vmem>> -> memref<1x4x3x224x224xf32, #tpu.memory_space<vmem>>
    %dma_wait3A_1131 = arith.constant 7 : i32
    %dma_wait3A_1132 = arith.constant 4 : i32
    %dma_wait3A_1133 = arith.constant 1 : i32
    %dma_wait3A_1134 = arith.constant 0 : i32
    %dma_wait3A_1135 = arith.constant 0 : i32
    %dma_wait3A_1136 = tpu.memref_slice %arg0[%dma_wait3A_1131, %dma_wait3A_1132, %dma_wait3A_1133, %dma_wait3A_1134, %dma_wait3A_1135] : memref<12x8x4x224x224xf32, #tpu.memory_space<any>> -> memref<1x4x3x224x224xf32, #tpu.memory_space<any>>
    tpu.wait_dma2 semaphore(%dma_wait3A_1123 : memref<!tpu.dma_semaphore, #tpu.memory_space<semaphore_mem>>) src(%dma_wait3A_1136 : memref<1x4x3x224x224xf32, #tpu.memory_space<any>>) dst(%dma_wait3A_1130 : memref<1x4x3x224x224xf32, #tpu.memory_space<vmem>>)
    %dma_start3A_1137 = arith.constant 3 : i32
    %dma_start3A_1138 = arith.constant 3 : i32
    %dma_start3A_1139 = tpu.memref_slice %arg4[%dma_start3A_1138] : memref<12x!tpu.dma_semaphore, #tpu.memory_space<semaphore_mem>> -> memref<1x!tpu.dma_semaphore, #tpu.memory_space<semaphore_mem>>
    %dma_start3A_1140 = tpu.memref_squeeze %dma_start3A_1139 : memref<1x!tpu.dma_semaphore, #tpu.memory_space<semaphore_mem>> -> memref<!tpu.dma_semaphore, #tpu.memory_space<semaphore_mem>>
    %dma_start3A_1141 = arith.constant 7 : i32
    %dma_start3A_1142 = arith.constant 4 : i32
    %dma_start3A_1143 = arith.constant 0 : i32
    %dma_start3A_1144 = arith.constant 0 : i32
    %dma_start3A_1145 = arith.constant 0 : i32
    %dma_start3A_1146 = tpu.memref_slice %arg1[%dma_start3A_1141, %dma_start3A_1142, %dma_start3A_1143, %dma_start3A_1144, %dma_start3A_1145] : memref<12x8x3x224x224xf32, #tpu.memory_space<any>> -> memref<1x4x3x224x224xf32, #tpu.memory_space<any>>
    %dma_start3A_1147 = arith.constant 0 : i32
    %dma_start3A_1148 = arith.constant 0 : i32
    %dma_start3A_1149 = arith.constant 0 : i32
    %dma_start3A_1150 = arith.constant 0 : i32
    %dma_start3A_1151 = arith.constant 0 : i32
    %dma_start3A_1152 = tpu.memref_slice %arg2[%dma_start3A_1137, %dma_start3A_1147, %dma_start3A_1148, %dma_start3A_1149, %dma_start3A_1150, %dma_start3A_1151] : memref<12x1x4x3x224x224xf32, #tpu.memory_space<vmem>> -> memref<1x1x4x3x224x224xf32, #tpu.memory_space<vmem>>
    %dma_start3A_1153 = tpu.memref_squeeze %dma_start3A_1152 : memref<1x1x4x3x224x224xf32, #tpu.memory_space<vmem>> -> memref<1x4x3x224x224xf32, #tpu.memory_space<vmem>>
    tpu.enqueue_dma source(%dma_start3A_1153 : memref<1x4x3x224x224xf32, #tpu.memory_space<vmem>>) target(%dma_start3A_1146 : memref<1x4x3x224x224xf32, #tpu.memory_space<any>>) target_semaphore(%dma_start3A_1140 : memref<!tpu.dma_semaphore, #tpu.memory_space<semaphore_mem>>)
    %dma_wait3A_1154 = arith.constant 4 : i32
    %dma_wait3A_1155 = arith.constant 4 : i32
    %dma_wait3A_1156 = tpu.memref_slice %arg3[%dma_wait3A_1155] : memref<12x!tpu.dma_semaphore, #tpu.memory_space<semaphore_mem>> -> memref<1x!tpu.dma_semaphore, #tpu.memory_space<semaphore_mem>>
    %dma_wait3A_1157 = tpu.memref_squeeze %dma_wait3A_1156 : memref<1x!tpu.dma_semaphore, #tpu.memory_space<semaphore_mem>> -> memref<!tpu.dma_semaphore, #tpu.memory_space<semaphore_mem>>
    %dma_wait3A_1158 = arith.constant 0 : i32
    %dma_wait3A_1159 = arith.constant 0 : i32
    %dma_wait3A_1160 = arith.constant 0 : i32
    %dma_wait3A_1161 = arith.constant 0 : i32
    %dma_wait3A_1162 = arith.constant 0 : i32
    %dma_wait3A_1163 = tpu.memref_slice %arg2[%dma_wait3A_1154, %dma_wait3A_1158, %dma_wait3A_1159, %dma_wait3A_1160, %dma_wait3A_1161, %dma_wait3A_1162] : memref<12x1x4x3x224x224xf32, #tpu.memory_space<vmem>> -> memref<1x1x4x3x224x224xf32, #tpu.memory_space<vmem>>
    %dma_wait3A_1164 = tpu.memref_squeeze %dma_wait3A_1163 : memref<1x1x4x3x224x224xf32, #tpu.memory_space<vmem>> -> memref<1x4x3x224x224xf32, #tpu.memory_space<vmem>>
    %dma_wait3A_1165 = arith.constant 8 : i32
    %dma_wait3A_1166 = arith.constant 0 : i32
    %dma_wait3A_1167 = arith.constant 1 : i32
    %dma_wait3A_1168 = arith.constant 0 : i32
    %dma_wait3A_1169 = arith.constant 0 : i32
    %dma_wait3A_1170 = tpu.memref_slice %arg0[%dma_wait3A_1165, %dma_wait3A_1166, %dma_wait3A_1167, %dma_wait3A_1168, %dma_wait3A_1169] : memref<12x8x4x224x224xf32, #tpu.memory_space<any>> -> memref<1x4x3x224x224xf32, #tpu.memory_space<any>>
    tpu.wait_dma2 semaphore(%dma_wait3A_1157 : memref<!tpu.dma_semaphore, #tpu.memory_space<semaphore_mem>>) src(%dma_wait3A_1170 : memref<1x4x3x224x224xf32, #tpu.memory_space<any>>) dst(%dma_wait3A_1164 : memref<1x4x3x224x224xf32, #tpu.memory_space<vmem>>)
    %dma_start3A_1171 = arith.constant 4 : i32
    %dma_start3A_1172 = arith.constant 4 : i32
    %dma_start3A_1173 = tpu.memref_slice %arg4[%dma_start3A_1172] : memref<12x!tpu.dma_semaphore, #tpu.memory_space<semaphore_mem>> -> memref<1x!tpu.dma_semaphore, #tpu.memory_space<semaphore_mem>>
    %dma_start3A_1174 = tpu.memref_squeeze %dma_start3A_1173 : memref<1x!tpu.dma_semaphore, #tpu.memory_space<semaphore_mem>> -> memref<!tpu.dma_semaphore, #tpu.memory_space<semaphore_mem>>
    %dma_start3A_1175 = arith.constant 8 : i32
    %dma_start3A_1176 = arith.constant 0 : i32
    %dma_start3A_1177 = arith.constant 0 : i32
    %dma_start3A_1178 = arith.constant 0 : i32
    %dma_start3A_1179 = arith.constant 0 : i32
    %dma_start3A_1180 = tpu.memref_slice %arg1[%dma_start3A_1175, %dma_start3A_1176, %dma_start3A_1177, %dma_start3A_1178, %dma_start3A_1179] : memref<12x8x3x224x224xf32, #tpu.memory_space<any>> -> memref<1x4x3x224x224xf32, #tpu.memory_space<any>>
    %dma_start3A_1181 = arith.constant 0 : i32
    %dma_start3A_1182 = arith.constant 0 : i32
    %dma_start3A_1183 = arith.constant 0 : i32
    %dma_start3A_1184 = arith.constant 0 : i32
    %dma_start3A_1185 = arith.constant 0 : i32
    %dma_start3A_1186 = tpu.memref_slice %arg2[%dma_start3A_1171, %dma_start3A_1181, %dma_start3A_1182, %dma_start3A_1183, %dma_start3A_1184, %dma_start3A_1185] : memref<12x1x4x3x224x224xf32, #tpu.memory_space<vmem>> -> memref<1x1x4x3x224x224xf32, #tpu.memory_space<vmem>>
    %dma_start3A_1187 = tpu.memref_squeeze %dma_start3A_1186 : memref<1x1x4x3x224x224xf32, #tpu.memory_space<vmem>> -> memref<1x4x3x224x224xf32, #tpu.memory_space<vmem>>
    tpu.enqueue_dma source(%dma_start3A_1187 : memref<1x4x3x224x224xf32, #tpu.memory_space<vmem>>) target(%dma_start3A_1180 : memref<1x4x3x224x224xf32, #tpu.memory_space<any>>) target_semaphore(%dma_start3A_1174 : memref<!tpu.dma_semaphore, #tpu.memory_space<semaphore_mem>>)
    %dma_wait3A_1188 = arith.constant 5 : i32
    %dma_wait3A_1189 = arith.constant 5 : i32
    %dma_wait3A_1190 = tpu.memref_slice %arg3[%dma_wait3A_1189] : memref<12x!tpu.dma_semaphore, #tpu.memory_space<semaphore_mem>> -> memref<1x!tpu.dma_semaphore, #tpu.memory_space<semaphore_mem>>
    %dma_wait3A_1191 = tpu.memref_squeeze %dma_wait3A_1190 : memref<1x!tpu.dma_semaphore, #tpu.memory_space<semaphore_mem>> -> memref<!tpu.dma_semaphore, #tpu.memory_space<semaphore_mem>>
    %dma_wait3A_1192 = arith.constant 0 : i32
    %dma_wait3A_1193 = arith.constant 0 : i32
    %dma_wait3A_1194 = arith.constant 0 : i32
    %dma_wait3A_1195 = arith.constant 0 : i32
    %dma_wait3A_1196 = arith.constant 0 : i32
    %dma_wait3A_1197 = tpu.memref_slice %arg2[%dma_wait3A_1188, %dma_wait3A_1192, %dma_wait3A_1193, %dma_wait3A_1194, %dma_wait3A_1195, %dma_wait3A_1196] : memref<12x1x4x3x224x224xf32, #tpu.memory_space<vmem>> -> memref<1x1x4x3x224x224xf32, #tpu.memory_space<vmem>>
    %dma_wait3A_1198 = tpu.memref_squeeze %dma_wait3A_1197 : memref<1x1x4x3x224x224xf32, #tpu.memory_space<vmem>> -> memref<1x4x3x224x224xf32, #tpu.memory_space<vmem>>
    %dma_wait3A_1199 = arith.constant 8 : i32
    %dma_wait3A_1200 = arith.constant 4 : i32
    %dma_wait3A_1201 = arith.constant 1 : i32
    %dma_wait3A_1202 = arith.constant 0 : i32
    %dma_wait3A_1203 = arith.constant 0 : i32
    %dma_wait3A_1204 = tpu.memref_slice %arg0[%dma_wait3A_1199, %dma_wait3A_1200, %dma_wait3A_1201, %dma_wait3A_1202, %dma_wait3A_1203] : memref<12x8x4x224x224xf32, #tpu.memory_space<any>> -> memref<1x4x3x224x224xf32, #tpu.memory_space<any>>
    tpu.wait_dma2 semaphore(%dma_wait3A_1191 : memref<!tpu.dma_semaphore, #tpu.memory_space<semaphore_mem>>) src(%dma_wait3A_1204 : memref<1x4x3x224x224xf32, #tpu.memory_space<any>>) dst(%dma_wait3A_1198 : memref<1x4x3x224x224xf32, #tpu.memory_space<vmem>>)
    %dma_start3A_1205 = arith.constant 5 : i32
    %dma_start3A_1206 = arith.constant 5 : i32
    %dma_start3A_1207 = tpu.memref_slice %arg4[%dma_start3A_1206] : memref<12x!tpu.dma_semaphore, #tpu.memory_space<semaphore_mem>> -> memref<1x!tpu.dma_semaphore, #tpu.memory_space<semaphore_mem>>
    %dma_start3A_1208 = tpu.memref_squeeze %dma_start3A_1207 : memref<1x!tpu.dma_semaphore, #tpu.memory_space<semaphore_mem>> -> memref<!tpu.dma_semaphore, #tpu.memory_space<semaphore_mem>>
    %dma_start3A_1209 = arith.constant 8 : i32
    %dma_start3A_1210 = arith.constant 4 : i32
    %dma_start3A_1211 = arith.constant 0 : i32
    %dma_start3A_1212 = arith.constant 0 : i32
    %dma_start3A_1213 = arith.constant 0 : i32
    %dma_start3A_1214 = tpu.memref_slice %arg1[%dma_start3A_1209, %dma_start3A_1210, %dma_start3A_1211, %dma_start3A_1212, %dma_start3A_1213] : memref<12x8x3x224x224xf32, #tpu.memory_space<any>> -> memref<1x4x3x224x224xf32, #tpu.memory_space<any>>
    %dma_start3A_1215 = arith.constant 0 : i32
    %dma_start3A_1216 = arith.constant 0 : i32
    %dma_start3A_1217 = arith.constant 0 : i32
    %dma_start3A_1218 = arith.constant 0 : i32
    %dma_start3A_1219 = arith.constant 0 : i32
    %dma_start3A_1220 = tpu.memref_slice %arg2[%dma_start3A_1205, %dma_start3A_1215, %dma_start3A_1216, %dma_start3A_1217, %dma_start3A_1218, %dma_start3A_1219] : memref<12x1x4x3x224x224xf32, #tpu.memory_space<vmem>> -> memref<1x1x4x3x224x224xf32, #tpu.memory_space<vmem>>
    %dma_start3A_1221 = tpu.memref_squeeze %dma_start3A_1220 : memref<1x1x4x3x224x224xf32, #tpu.memory_space<vmem>> -> memref<1x4x3x224x224xf32, #tpu.memory_space<vmem>>
    tpu.enqueue_dma source(%dma_start3A_1221 : memref<1x4x3x224x224xf32, #tpu.memory_space<vmem>>) target(%dma_start3A_1214 : memref<1x4x3x224x224xf32, #tpu.memory_space<any>>) target_semaphore(%dma_start3A_1208 : memref<!tpu.dma_semaphore, #tpu.memory_space<semaphore_mem>>)
    %dma_wait3A_1222 = arith.constant 6 : i32
    %dma_wait3A_1223 = arith.constant 6 : i32
    %dma_wait3A_1224 = tpu.memref_slice %arg3[%dma_wait3A_1223] : memref<12x!tpu.dma_semaphore, #tpu.memory_space<semaphore_mem>> -> memref<1x!tpu.dma_semaphore, #tpu.memory_space<semaphore_mem>>
    %dma_wait3A_1225 = tpu.memref_squeeze %dma_wait3A_1224 : memref<1x!tpu.dma_semaphore, #tpu.memory_space<semaphore_mem>> -> memref<!tpu.dma_semaphore, #tpu.memory_space<semaphore_mem>>
    %dma_wait3A_1226 = arith.constant 0 : i32
    %dma_wait3A_1227 = arith.constant 0 : i32
    %dma_wait3A_1228 = arith.constant 0 : i32
    %dma_wait3A_1229 = arith.constant 0 : i32
    %dma_wait3A_1230 = arith.constant 0 : i32
    %dma_wait3A_1231 = tpu.memref_slice %arg2[%dma_wait3A_1222, %dma_wait3A_1226, %dma_wait3A_1227, %dma_wait3A_1228, %dma_wait3A_1229, %dma_wait3A_1230] : memref<12x1x4x3x224x224xf32, #tpu.memory_space<vmem>> -> memref<1x1x4x3x224x224xf32, #tpu.memory_space<vmem>>
    %dma_wait3A_1232 = tpu.memref_squeeze %dma_wait3A_1231 : memref<1x1x4x3x224x224xf32, #tpu.memory_space<vmem>> -> memref<1x4x3x224x224xf32, #tpu.memory_space<vmem>>
    %dma_wait3A_1233 = arith.constant 9 : i32
    %dma_wait3A_1234 = arith.constant 0 : i32
    %dma_wait3A_1235 = arith.constant 1 : i32
    %dma_wait3A_1236 = arith.constant 0 : i32
    %dma_wait3A_1237 = arith.constant 0 : i32
    %dma_wait3A_1238 = tpu.memref_slice %arg0[%dma_wait3A_1233, %dma_wait3A_1234, %dma_wait3A_1235, %dma_wait3A_1236, %dma_wait3A_1237] : memref<12x8x4x224x224xf32, #tpu.memory_space<any>> -> memref<1x4x3x224x224xf32, #tpu.memory_space<any>>
    tpu.wait_dma2 semaphore(%dma_wait3A_1225 : memref<!tpu.dma_semaphore, #tpu.memory_space<semaphore_mem>>) src(%dma_wait3A_1238 : memref<1x4x3x224x224xf32, #tpu.memory_space<any>>) dst(%dma_wait3A_1232 : memref<1x4x3x224x224xf32, #tpu.memory_space<vmem>>)
    %dma_start3A_1239 = arith.constant 6 : i32
    %dma_start3A_1240 = arith.constant 6 : i32
    %dma_start3A_1241 = tpu.memref_slice %arg4[%dma_start3A_1240] : memref<12x!tpu.dma_semaphore, #tpu.memory_space<semaphore_mem>> -> memref<1x!tpu.dma_semaphore, #tpu.memory_space<semaphore_mem>>
    %dma_start3A_1242 = tpu.memref_squeeze %dma_start3A_1241 : memref<1x!tpu.dma_semaphore, #tpu.memory_space<semaphore_mem>> -> memref<!tpu.dma_semaphore, #tpu.memory_space<semaphore_mem>>
    %dma_start3A_1243 = arith.constant 9 : i32
    %dma_start3A_1244 = arith.constant 0 : i32
    %dma_start3A_1245 = arith.constant 0 : i32
    %dma_start3A_1246 = arith.constant 0 : i32
    %dma_start3A_1247 = arith.constant 0 : i32
    %dma_start3A_1248 = tpu.memref_slice %arg1[%dma_start3A_1243, %dma_start3A_1244, %dma_start3A_1245, %dma_start3A_1246, %dma_start3A_1247] : memref<12x8x3x224x224xf32, #tpu.memory_space<any>> -> memref<1x4x3x224x224xf32, #tpu.memory_space<any>>
    %dma_start3A_1249 = arith.constant 0 : i32
    %dma_start3A_1250 = arith.constant 0 : i32
    %dma_start3A_1251 = arith.constant 0 : i32
    %dma_start3A_1252 = arith.constant 0 : i32
    %dma_start3A_1253 = arith.constant 0 : i32
    %dma_start3A_1254 = tpu.memref_slice %arg2[%dma_start3A_1239, %dma_start3A_1249, %dma_start3A_1250, %dma_start3A_1251, %dma_start3A_1252, %dma_start3A_1253] : memref<12x1x4x3x224x224xf32, #tpu.memory_space<vmem>> -> memref<1x1x4x3x224x224xf32, #tpu.memory_space<vmem>>
    %dma_start3A_1255 = tpu.memref_squeeze %dma_start3A_1254 : memref<1x1x4x3x224x224xf32, #tpu.memory_space<vmem>> -> memref<1x4x3x224x224xf32, #tpu.memory_space<vmem>>
    tpu.enqueue_dma source(%dma_start3A_1255 : memref<1x4x3x224x224xf32, #tpu.memory_space<vmem>>) target(%dma_start3A_1248 : memref<1x4x3x224x224xf32, #tpu.memory_space<any>>) target_semaphore(%dma_start3A_1242 : memref<!tpu.dma_semaphore, #tpu.memory_space<semaphore_mem>>)
    %dma_wait3A_1256 = arith.constant 7 : i32
    %dma_wait3A_1257 = arith.constant 7 : i32
    %dma_wait3A_1258 = tpu.memref_slice %arg3[%dma_wait3A_1257] : memref<12x!tpu.dma_semaphore, #tpu.memory_space<semaphore_mem>> -> memref<1x!tpu.dma_semaphore, #tpu.memory_space<semaphore_mem>>
    %dma_wait3A_1259 = tpu.memref_squeeze %dma_wait3A_1258 : memref<1x!tpu.dma_semaphore, #tpu.memory_space<semaphore_mem>> -> memref<!tpu.dma_semaphore, #tpu.memory_space<semaphore_mem>>
    %dma_wait3A_1260 = arith.constant 0 : i32
    %dma_wait3A_1261 = arith.constant 0 : i32
    %dma_wait3A_1262 = arith.constant 0 : i32
    %dma_wait3A_1263 = arith.constant 0 : i32
    %dma_wait3A_1264 = arith.constant 0 : i32
    %dma_wait3A_1265 = tpu.memref_slice %arg2[%dma_wait3A_1256, %dma_wait3A_1260, %dma_wait3A_1261, %dma_wait3A_1262, %dma_wait3A_1263, %dma_wait3A_1264] : memref<12x1x4x3x224x224xf32, #tpu.memory_space<vmem>> -> memref<1x1x4x3x224x224xf32, #tpu.memory_space<vmem>>
    %dma_wait3A_1266 = tpu.memref_squeeze %dma_wait3A_1265 : memref<1x1x4x3x224x224xf32, #tpu.memory_space<vmem>> -> memref<1x4x3x224x224xf32, #tpu.memory_space<vmem>>
    %dma_wait3A_1267 = arith.constant 9 : i32
    %dma_wait3A_1268 = arith.constant 4 : i32
    %dma_wait3A_1269 = arith.constant 1 : i32
    %dma_wait3A_1270 = arith.constant 0 : i32
    %dma_wait3A_1271 = arith.constant 0 : i32
    %dma_wait3A_1272 = tpu.memref_slice %arg0[%dma_wait3A_1267, %dma_wait3A_1268, %dma_wait3A_1269, %dma_wait3A_1270, %dma_wait3A_1271] : memref<12x8x4x224x224xf32, #tpu.memory_space<any>> -> memref<1x4x3x224x224xf32, #tpu.memory_space<any>>
    tpu.wait_dma2 semaphore(%dma_wait3A_1259 : memref<!tpu.dma_semaphore, #tpu.memory_space<semaphore_mem>>) src(%dma_wait3A_1272 : memref<1x4x3x224x224xf32, #tpu.memory_space<any>>) dst(%dma_wait3A_1266 : memref<1x4x3x224x224xf32, #tpu.memory_space<vmem>>)
    %dma_start3A_1273 = arith.constant 7 : i32
    %dma_start3A_1274 = arith.constant 7 : i32
    %dma_start3A_1275 = tpu.memref_slice %arg4[%dma_start3A_1274] : memref<12x!tpu.dma_semaphore, #tpu.memory_space<semaphore_mem>> -> memref<1x!tpu.dma_semaphore, #tpu.memory_space<semaphore_mem>>
    %dma_start3A_1276 = tpu.memref_squeeze %dma_start3A_1275 : memref<1x!tpu.dma_semaphore, #tpu.memory_space<semaphore_mem>> -> memref<!tpu.dma_semaphore, #tpu.memory_space<semaphore_mem>>
    %dma_start3A_1277 = arith.constant 9 : i32
    %dma_start3A_1278 = arith.constant 4 : i32
    %dma_start3A_1279 = arith.constant 0 : i32
    %dma_start3A_1280 = arith.constant 0 : i32
    %dma_start3A_1281 = arith.constant 0 : i32
    %dma_start3A_1282 = tpu.memref_slice %arg1[%dma_start3A_1277, %dma_start3A_1278, %dma_start3A_1279, %dma_start3A_1280, %dma_start3A_1281] : memref<12x8x3x224x224xf32, #tpu.memory_space<any>> -> memref<1x4x3x224x224xf32, #tpu.memory_space<any>>
    %dma_start3A_1283 = arith.constant 0 : i32
    %dma_start3A_1284 = arith.constant 0 : i32
    %dma_start3A_1285 = arith.constant 0 : i32
    %dma_start3A_1286 = arith.constant 0 : i32
    %dma_start3A_1287 = arith.constant 0 : i32
    %dma_start3A_1288 = tpu.memref_slice %arg2[%dma_start3A_1273, %dma_start3A_1283, %dma_start3A_1284, %dma_start3A_1285, %dma_start3A_1286, %dma_start3A_1287] : memref<12x1x4x3x224x224xf32, #tpu.memory_space<vmem>> -> memref<1x1x4x3x224x224xf32, #tpu.memory_space<vmem>>
    %dma_start3A_1289 = tpu.memref_squeeze %dma_start3A_1288 : memref<1x1x4x3x224x224xf32, #tpu.memory_space<vmem>> -> memref<1x4x3x224x224xf32, #tpu.memory_space<vmem>>
    tpu.enqueue_dma source(%dma_start3A_1289 : memref<1x4x3x224x224xf32, #tpu.memory_space<vmem>>) target(%dma_start3A_1282 : memref<1x4x3x224x224xf32, #tpu.memory_space<any>>) target_semaphore(%dma_start3A_1276 : memref<!tpu.dma_semaphore, #tpu.memory_space<semaphore_mem>>)
    %dma_wait3A_1290 = arith.constant 8 : i32
    %dma_wait3A_1291 = arith.constant 8 : i32
    %dma_wait3A_1292 = tpu.memref_slice %arg3[%dma_wait3A_1291] : memref<12x!tpu.dma_semaphore, #tpu.memory_space<semaphore_mem>> -> memref<1x!tpu.dma_semaphore, #tpu.memory_space<semaphore_mem>>
    %dma_wait3A_1293 = tpu.memref_squeeze %dma_wait3A_1292 : memref<1x!tpu.dma_semaphore, #tpu.memory_space<semaphore_mem>> -> memref<!tpu.dma_semaphore, #tpu.memory_space<semaphore_mem>>
    %dma_wait3A_1294 = arith.constant 0 : i32
    %dma_wait3A_1295 = arith.constant 0 : i32
    %dma_wait3A_1296 = arith.constant 0 : i32
    %dma_wait3A_1297 = arith.constant 0 : i32
    %dma_wait3A_1298 = arith.constant 0 : i32
    %dma_wait3A_1299 = tpu.memref_slice %arg2[%dma_wait3A_1290, %dma_wait3A_1294, %dma_wait3A_1295, %dma_wait3A_1296, %dma_wait3A_1297, %dma_wait3A_1298] : memref<12x1x4x3x224x224xf32, #tpu.memory_space<vmem>> -> memref<1x1x4x3x224x224xf32, #tpu.memory_space<vmem>>
    %dma_wait3A_1300 = tpu.memref_squeeze %dma_wait3A_1299 : memref<1x1x4x3x224x224xf32, #tpu.memory_space<vmem>> -> memref<1x4x3x224x224xf32, #tpu.memory_space<vmem>>
    %dma_wait3A_1301 = arith.constant 10 : i32
    %dma_wait3A_1302 = arith.constant 0 : i32
    %dma_wait3A_1303 = arith.constant 1 : i32
    %dma_wait3A_1304 = arith.constant 0 : i32
    %dma_wait3A_1305 = arith.constant 0 : i32
    %dma_wait3A_1306 = tpu.memref_slice %arg0[%dma_wait3A_1301, %dma_wait3A_1302, %dma_wait3A_1303, %dma_wait3A_1304, %dma_wait3A_1305] : memref<12x8x4x224x224xf32, #tpu.memory_space<any>> -> memref<1x4x3x224x224xf32, #tpu.memory_space<any>>
    tpu.wait_dma2 semaphore(%dma_wait3A_1293 : memref<!tpu.dma_semaphore, #tpu.memory_space<semaphore_mem>>) src(%dma_wait3A_1306 : memref<1x4x3x224x224xf32, #tpu.memory_space<any>>) dst(%dma_wait3A_1300 : memref<1x4x3x224x224xf32, #tpu.memory_space<vmem>>)
    %dma_start3A_1307 = arith.constant 8 : i32
    %dma_start3A_1308 = arith.constant 8 : i32
    %dma_start3A_1309 = tpu.memref_slice %arg4[%dma_start3A_1308] : memref<12x!tpu.dma_semaphore, #tpu.memory_space<semaphore_mem>> -> memref<1x!tpu.dma_semaphore, #tpu.memory_space<semaphore_mem>>
    %dma_start3A_1310 = tpu.memref_squeeze %dma_start3A_1309 : memref<1x!tpu.dma_semaphore, #tpu.memory_space<semaphore_mem>> -> memref<!tpu.dma_semaphore, #tpu.memory_space<semaphore_mem>>
    %dma_start3A_1311 = arith.constant 10 : i32
    %dma_start3A_1312 = arith.constant 0 : i32
    %dma_start3A_1313 = arith.constant 0 : i32
    %dma_start3A_1314 = arith.constant 0 : i32
    %dma_start3A_1315 = arith.constant 0 : i32
    %dma_start3A_1316 = tpu.memref_slice %arg1[%dma_start3A_1311, %dma_start3A_1312, %dma_start3A_1313, %dma_start3A_1314, %dma_start3A_1315] : memref<12x8x3x224x224xf32, #tpu.memory_space<any>> -> memref<1x4x3x224x224xf32, #tpu.memory_space<any>>
    %dma_start3A_1317 = arith.constant 0 : i32
    %dma_start3A_1318 = arith.constant 0 : i32
    %dma_start3A_1319 = arith.constant 0 : i32
    %dma_start3A_1320 = arith.constant 0 : i32
    %dma_start3A_1321 = arith.constant 0 : i32
    %dma_start3A_1322 = tpu.memref_slice %arg2[%dma_start3A_1307, %dma_start3A_1317, %dma_start3A_1318, %dma_start3A_1319, %dma_start3A_1320, %dma_start3A_1321] : memref<12x1x4x3x224x224xf32, #tpu.memory_space<vmem>> -> memref<1x1x4x3x224x224xf32, #tpu.memory_space<vmem>>
    %dma_start3A_1323 = tpu.memref_squeeze %dma_start3A_1322 : memref<1x1x4x3x224x224xf32, #tpu.memory_space<vmem>> -> memref<1x4x3x224x224xf32, #tpu.memory_space<vmem>>
    tpu.enqueue_dma source(%dma_start3A_1323 : memref<1x4x3x224x224xf32, #tpu.memory_space<vmem>>) target(%dma_start3A_1316 : memref<1x4x3x224x224xf32, #tpu.memory_space<any>>) target_semaphore(%dma_start3A_1310 : memref<!tpu.dma_semaphore, #tpu.memory_space<semaphore_mem>>)
    %dma_wait3A_1324 = arith.constant 9 : i32
    %dma_wait3A_1325 = arith.constant 9 : i32
    %dma_wait3A_1326 = tpu.memref_slice %arg3[%dma_wait3A_1325] : memref<12x!tpu.dma_semaphore, #tpu.memory_space<semaphore_mem>> -> memref<1x!tpu.dma_semaphore, #tpu.memory_space<semaphore_mem>>
    %dma_wait3A_1327 = tpu.memref_squeeze %dma_wait3A_1326 : memref<1x!tpu.dma_semaphore, #tpu.memory_space<semaphore_mem>> -> memref<!tpu.dma_semaphore, #tpu.memory_space<semaphore_mem>>
    %dma_wait3A_1328 = arith.constant 0 : i32
    %dma_wait3A_1329 = arith.constant 0 : i32
    %dma_wait3A_1330 = arith.constant 0 : i32
    %dma_wait3A_1331 = arith.constant 0 : i32
    %dma_wait3A_1332 = arith.constant 0 : i32
    %dma_wait3A_1333 = tpu.memref_slice %arg2[%dma_wait3A_1324, %dma_wait3A_1328, %dma_wait3A_1329, %dma_wait3A_1330, %dma_wait3A_1331, %dma_wait3A_1332] : memref<12x1x4x3x224x224xf32, #tpu.memory_space<vmem>> -> memref<1x1x4x3x224x224xf32, #tpu.memory_space<vmem>>
    %dma_wait3A_1334 = tpu.memref_squeeze %dma_wait3A_1333 : memref<1x1x4x3x224x224xf32, #tpu.memory_space<vmem>> -> memref<1x4x3x224x224xf32, #tpu.memory_space<vmem>>
    %dma_wait3A_1335 = arith.constant 10 : i32
    %dma_wait3A_1336 = arith.constant 4 : i32
    %dma_wait3A_1337 = arith.constant 1 : i32
    %dma_wait3A_1338 = arith.constant 0 : i32
    %dma_wait3A_1339 = arith.constant 0 : i32
    %dma_wait3A_1340 = tpu.memref_slice %arg0[%dma_wait3A_1335, %dma_wait3A_1336, %dma_wait3A_1337, %dma_wait3A_1338, %dma_wait3A_1339] : memref<12x8x4x224x224xf32, #tpu.memory_space<any>> -> memref<1x4x3x224x224xf32, #tpu.memory_space<any>>
    tpu.wait_dma2 semaphore(%dma_wait3A_1327 : memref<!tpu.dma_semaphore, #tpu.memory_space<semaphore_mem>>) src(%dma_wait3A_1340 : memref<1x4x3x224x224xf32, #tpu.memory_space<any>>) dst(%dma_wait3A_1334 : memref<1x4x3x224x224xf32, #tpu.memory_space<vmem>>)
    %dma_start3A_1341 = arith.constant 9 : i32
    %dma_start3A_1342 = arith.constant 9 : i32
    %dma_start3A_1343 = tpu.memref_slice %arg4[%dma_start3A_1342] : memref<12x!tpu.dma_semaphore, #tpu.memory_space<semaphore_mem>> -> memref<1x!tpu.dma_semaphore, #tpu.memory_space<semaphore_mem>>
    %dma_start3A_1344 = tpu.memref_squeeze %dma_start3A_1343 : memref<1x!tpu.dma_semaphore, #tpu.memory_space<semaphore_mem>> -> memref<!tpu.dma_semaphore, #tpu.memory_space<semaphore_mem>>
    %dma_start3A_1345 = arith.constant 10 : i32
    %dma_start3A_1346 = arith.constant 4 : i32
    %dma_start3A_1347 = arith.constant 0 : i32
    %dma_start3A_1348 = arith.constant 0 : i32
    %dma_start3A_1349 = arith.constant 0 : i32
    %dma_start3A_1350 = tpu.memref_slice %arg1[%dma_start3A_1345, %dma_start3A_1346, %dma_start3A_1347, %dma_start3A_1348, %dma_start3A_1349] : memref<12x8x3x224x224xf32, #tpu.memory_space<any>> -> memref<1x4x3x224x224xf32, #tpu.memory_space<any>>
    %dma_start3A_1351 = arith.constant 0 : i32
    %dma_start3A_1352 = arith.constant 0 : i32
    %dma_start3A_1353 = arith.constant 0 : i32
    %dma_start3A_1354 = arith.constant 0 : i32
    %dma_start3A_1355 = arith.constant 0 : i32
    %dma_start3A_1356 = tpu.memref_slice %arg2[%dma_start3A_1341, %dma_start3A_1351, %dma_start3A_1352, %dma_start3A_1353, %dma_start3A_1354, %dma_start3A_1355] : memref<12x1x4x3x224x224xf32, #tpu.memory_space<vmem>> -> memref<1x1x4x3x224x224xf32, #tpu.memory_space<vmem>>
    %dma_start3A_1357 = tpu.memref_squeeze %dma_start3A_1356 : memref<1x1x4x3x224x224xf32, #tpu.memory_space<vmem>> -> memref<1x4x3x224x224xf32, #tpu.memory_space<vmem>>
    tpu.enqueue_dma source(%dma_start3A_1357 : memref<1x4x3x224x224xf32, #tpu.memory_space<vmem>>) target(%dma_start3A_1350 : memref<1x4x3x224x224xf32, #tpu.memory_space<any>>) target_semaphore(%dma_start3A_1344 : memref<!tpu.dma_semaphore, #tpu.memory_space<semaphore_mem>>)
    %dma_wait3A_1358 = arith.constant 10 : i32
    %dma_wait3A_1359 = arith.constant 10 : i32
    %dma_wait3A_1360 = tpu.memref_slice %arg3[%dma_wait3A_1359] : memref<12x!tpu.dma_semaphore, #tpu.memory_space<semaphore_mem>> -> memref<1x!tpu.dma_semaphore, #tpu.memory_space<semaphore_mem>>
    %dma_wait3A_1361 = tpu.memref_squeeze %dma_wait3A_1360 : memref<1x!tpu.dma_semaphore, #tpu.memory_space<semaphore_mem>> -> memref<!tpu.dma_semaphore, #tpu.memory_space<semaphore_mem>>
    %dma_wait3A_1362 = arith.constant 0 : i32
    %dma_wait3A_1363 = arith.constant 0 : i32
    %dma_wait3A_1364 = arith.constant 0 : i32
    %dma_wait3A_1365 = arith.constant 0 : i32
    %dma_wait3A_1366 = arith.constant 0 : i32
    %dma_wait3A_1367 = tpu.memref_slice %arg2[%dma_wait3A_1358, %dma_wait3A_1362, %dma_wait3A_1363, %dma_wait3A_1364, %dma_wait3A_1365, %dma_wait3A_1366] : memref<12x1x4x3x224x224xf32, #tpu.memory_space<vmem>> -> memref<1x1x4x3x224x224xf32, #tpu.memory_space<vmem>>
    %dma_wait3A_1368 = tpu.memref_squeeze %dma_wait3A_1367 : memref<1x1x4x3x224x224xf32, #tpu.memory_space<vmem>> -> memref<1x4x3x224x224xf32, #tpu.memory_space<vmem>>
    %dma_wait3A_1369 = arith.constant 11 : i32
    %dma_wait3A_1370 = arith.constant 0 : i32
    %dma_wait3A_1371 = arith.constant 1 : i32
    %dma_wait3A_1372 = arith.constant 0 : i32
    %dma_wait3A_1373 = arith.constant 0 : i32
    %dma_wait3A_1374 = tpu.memref_slice %arg0[%dma_wait3A_1369, %dma_wait3A_1370, %dma_wait3A_1371, %dma_wait3A_1372, %dma_wait3A_1373] : memref<12x8x4x224x224xf32, #tpu.memory_space<any>> -> memref<1x4x3x224x224xf32, #tpu.memory_space<any>>
    tpu.wait_dma2 semaphore(%dma_wait3A_1361 : memref<!tpu.dma_semaphore, #tpu.memory_space<semaphore_mem>>) src(%dma_wait3A_1374 : memref<1x4x3x224x224xf32, #tpu.memory_space<any>>) dst(%dma_wait3A_1368 : memref<1x4x3x224x224xf32, #tpu.memory_space<vmem>>)
    %dma_start3A_1375 = arith.constant 10 : i32
    %dma_start3A_1376 = arith.constant 10 : i32
    %dma_start3A_1377 = tpu.memref_slice %arg4[%dma_start3A_1376] : memref<12x!tpu.dma_semaphore, #tpu.memory_space<semaphore_mem>> -> memref<1x!tpu.dma_semaphore, #tpu.memory_space<semaphore_mem>>
    %dma_start3A_1378 = tpu.memref_squeeze %dma_start3A_1377 : memref<1x!tpu.dma_semaphore, #tpu.memory_space<semaphore_mem>> -> memref<!tpu.dma_semaphore, #tpu.memory_space<semaphore_mem>>
    %dma_start3A_1379 = arith.constant 11 : i32
    %dma_start3A_1380 = arith.constant 0 : i32
    %dma_start3A_1381 = arith.constant 0 : i32
    %dma_start3A_1382 = arith.constant 0 : i32
    %dma_start3A_1383 = arith.constant 0 : i32
    %dma_start3A_1384 = tpu.memref_slice %arg1[%dma_start3A_1379, %dma_start3A_1380, %dma_start3A_1381, %dma_start3A_1382, %dma_start3A_1383] : memref<12x8x3x224x224xf32, #tpu.memory_space<any>> -> memref<1x4x3x224x224xf32, #tpu.memory_space<any>>
    %dma_start3A_1385 = arith.constant 0 : i32
    %dma_start3A_1386 = arith.constant 0 : i32
    %dma_start3A_1387 = arith.constant 0 : i32
    %dma_start3A_1388 = arith.constant 0 : i32
    %dma_start3A_1389 = arith.constant 0 : i32
    %dma_start3A_1390 = tpu.memref_slice %arg2[%dma_start3A_1375, %dma_start3A_1385, %dma_start3A_1386, %dma_start3A_1387, %dma_start3A_1388, %dma_start3A_1389] : memref<12x1x4x3x224x224xf32, #tpu.memory_space<vmem>> -> memref<1x1x4x3x224x224xf32, #tpu.memory_space<vmem>>
    %dma_start3A_1391 = tpu.memref_squeeze %dma_start3A_1390 : memref<1x1x4x3x224x224xf32, #tpu.memory_space<vmem>> -> memref<1x4x3x224x224xf32, #tpu.memory_space<vmem>>
    tpu.enqueue_dma source(%dma_start3A_1391 : memref<1x4x3x224x224xf32, #tpu.memory_space<vmem>>) target(%dma_start3A_1384 : memref<1x4x3x224x224xf32, #tpu.memory_space<any>>) target_semaphore(%dma_start3A_1378 : memref<!tpu.dma_semaphore, #tpu.memory_space<semaphore_mem>>)
    %dma_wait3A_1392 = arith.constant 11 : i32
    %dma_wait3A_1393 = arith.constant 11 : i32
    %dma_wait3A_1394 = tpu.memref_slice %arg3[%dma_wait3A_1393] : memref<12x!tpu.dma_semaphore, #tpu.memory_space<semaphore_mem>> -> memref<1x!tpu.dma_semaphore, #tpu.memory_space<semaphore_mem>>
    %dma_wait3A_1395 = tpu.memref_squeeze %dma_wait3A_1394 : memref<1x!tpu.dma_semaphore, #tpu.memory_space<semaphore_mem>> -> memref<!tpu.dma_semaphore, #tpu.memory_space<semaphore_mem>>
    %dma_wait3A_1396 = arith.constant 0 : i32
    %dma_wait3A_1397 = arith.constant 0 : i32
    %dma_wait3A_1398 = arith.constant 0 : i32
    %dma_wait3A_1399 = arith.constant 0 : i32
    %dma_wait3A_1400 = arith.constant 0 : i32
    %dma_wait3A_1401 = tpu.memref_slice %arg2[%dma_wait3A_1392, %dma_wait3A_1396, %dma_wait3A_1397, %dma_wait3A_1398, %dma_wait3A_1399, %dma_wait3A_1400] : memref<12x1x4x3x224x224xf32, #tpu.memory_space<vmem>> -> memref<1x1x4x3x224x224xf32, #tpu.memory_space<vmem>>
    %dma_wait3A_1402 = tpu.memref_squeeze %dma_wait3A_1401 : memref<1x1x4x3x224x224xf32, #tpu.memory_space<vmem>> -> memref<1x4x3x224x224xf32, #tpu.memory_space<vmem>>
    %dma_wait3A_1403 = arith.constant 11 : i32
    %dma_wait3A_1404 = arith.constant 4 : i32
    %dma_wait3A_1405 = arith.constant 1 : i32
    %dma_wait3A_1406 = arith.constant 0 : i32
    %dma_wait3A_1407 = arith.constant 0 : i32
    %dma_wait3A_1408 = tpu.memref_slice %arg0[%dma_wait3A_1403, %dma_wait3A_1404, %dma_wait3A_1405, %dma_wait3A_1406, %dma_wait3A_1407] : memref<12x8x4x224x224xf32, #tpu.memory_space<any>> -> memref<1x4x3x224x224xf32, #tpu.memory_space<any>>
    tpu.wait_dma2 semaphore(%dma_wait3A_1395 : memref<!tpu.dma_semaphore, #tpu.memory_space<semaphore_mem>>) src(%dma_wait3A_1408 : memref<1x4x3x224x224xf32, #tpu.memory_space<any>>) dst(%dma_wait3A_1402 : memref<1x4x3x224x224xf32, #tpu.memory_space<vmem>>)
    %dma_start3A_1409 = arith.constant 11 : i32
    %dma_start3A_1410 = arith.constant 11 : i32
    %dma_start3A_1411 = tpu.memref_slice %arg4[%dma_start3A_1410] : memref<12x!tpu.dma_semaphore, #tpu.memory_space<semaphore_mem>> -> memref<1x!tpu.dma_semaphore, #tpu.memory_space<semaphore_mem>>
    %dma_start3A_1412 = tpu.memref_squeeze %dma_start3A_1411 : memref<1x!tpu.dma_semaphore, #tpu.memory_space<semaphore_mem>> -> memref<!tpu.dma_semaphore, #tpu.memory_space<semaphore_mem>>
    %dma_start3A_1413 = arith.constant 11 : i32
    %dma_start3A_1414 = arith.constant 4 : i32
    %dma_start3A_1415 = arith.constant 0 : i32
    %dma_start3A_1416 = arith.constant 0 : i32
    %dma_start3A_1417 = arith.constant 0 : i32
    %dma_start3A_1418 = tpu.memref_slice %arg1[%dma_start3A_1413, %dma_start3A_1414, %dma_start3A_1415, %dma_start3A_1416, %dma_start3A_1417] : memref<12x8x3x224x224xf32, #tpu.memory_space<any>> -> memref<1x4x3x224x224xf32, #tpu.memory_space<any>>
    %dma_start3A_1419 = arith.constant 0 : i32
    %dma_start3A_1420 = arith.constant 0 : i32
    %dma_start3A_1421 = arith.constant 0 : i32
    %dma_start3A_1422 = arith.constant 0 : i32
    %dma_start3A_1423 = arith.constant 0 : i32
    %dma_start3A_1424 = tpu.memref_slice %arg2[%dma_start3A_1409, %dma_start3A_1419, %dma_start3A_1420, %dma_start3A_1421, %dma_start3A_1422, %dma_start3A_1423] : memref<12x1x4x3x224x224xf32, #tpu.memory_space<vmem>> -> memref<1x1x4x3x224x224xf32, #tpu.memory_space<vmem>>
    %dma_start3A_1425 = tpu.memref_squeeze %dma_start3A_1424 : memref<1x1x4x3x224x224xf32, #tpu.memory_space<vmem>> -> memref<1x4x3x224x224xf32, #tpu.memory_space<vmem>>
    tpu.enqueue_dma source(%dma_start3A_1425 : memref<1x4x3x224x224xf32, #tpu.memory_space<vmem>>) target(%dma_start3A_1418 : memref<1x4x3x224x224xf32, #tpu.memory_space<any>>) target_semaphore(%dma_start3A_1412 : memref<!tpu.dma_semaphore, #tpu.memory_space<semaphore_mem>>)
    %dma_wait3A_1426 = arith.constant 0 : i32
    %dma_wait3A_1427 = arith.constant 0 : i32
    %dma_wait3A_1428 = tpu.memref_slice %arg4[%dma_wait3A_1427] : memref<12x!tpu.dma_semaphore, #tpu.memory_space<semaphore_mem>> -> memref<1x!tpu.dma_semaphore, #tpu.memory_space<semaphore_mem>>
    %dma_wait3A_1429 = tpu.memref_squeeze %dma_wait3A_1428 : memref<1x!tpu.dma_semaphore, #tpu.memory_space<semaphore_mem>> -> memref<!tpu.dma_semaphore, #tpu.memory_space<semaphore_mem>>
    %dma_wait3A_1430 = arith.constant 6 : i32
    %dma_wait3A_1431 = arith.constant 0 : i32
    %dma_wait3A_1432 = arith.constant 0 : i32
    %dma_wait3A_1433 = arith.constant 0 : i32
    %dma_wait3A_1434 = arith.constant 0 : i32
    %dma_wait3A_1435 = tpu.memref_slice %arg1[%dma_wait3A_1430, %dma_wait3A_1431, %dma_wait3A_1432, %dma_wait3A_1433, %dma_wait3A_1434] : memref<12x8x3x224x224xf32, #tpu.memory_space<any>> -> memref<1x4x3x224x224xf32, #tpu.memory_space<any>>
    %dma_wait3A_1436 = arith.constant 0 : i32
    %dma_wait3A_1437 = arith.constant 0 : i32
    %dma_wait3A_1438 = arith.constant 0 : i32
    %dma_wait3A_1439 = arith.constant 0 : i32
    %dma_wait3A_1440 = arith.constant 0 : i32
    %dma_wait3A_1441 = tpu.memref_slice %arg2[%dma_wait3A_1426, %dma_wait3A_1436, %dma_wait3A_1437, %dma_wait3A_1438, %dma_wait3A_1439, %dma_wait3A_1440] : memref<12x1x4x3x224x224xf32, #tpu.memory_space<vmem>> -> memref<1x1x4x3x224x224xf32, #tpu.memory_space<vmem>>
    %dma_wait3A_1442 = tpu.memref_squeeze %dma_wait3A_1441 : memref<1x1x4x3x224x224xf32, #tpu.memory_space<vmem>> -> memref<1x4x3x224x224xf32, #tpu.memory_space<vmem>>
    tpu.wait_dma2 semaphore(%dma_wait3A_1429 : memref<!tpu.dma_semaphore, #tpu.memory_space<semaphore_mem>>) src(%dma_wait3A_1442 : memref<1x4x3x224x224xf32, #tpu.memory_space<vmem>>) dst(%dma_wait3A_1435 : memref<1x4x3x224x224xf32, #tpu.memory_space<any>>)
    %dma_wait3A_1443 = arith.constant 1 : i32
    %dma_wait3A_1444 = arith.constant 1 : i32
    %dma_wait3A_1445 = tpu.memref_slice %arg4[%dma_wait3A_1444] : memref<12x!tpu.dma_semaphore, #tpu.memory_space<semaphore_mem>> -> memref<1x!tpu.dma_semaphore, #tpu.memory_space<semaphore_mem>>
    %dma_wait3A_1446 = tpu.memref_squeeze %dma_wait3A_1445 : memref<1x!tpu.dma_semaphore, #tpu.memory_space<semaphore_mem>> -> memref<!tpu.dma_semaphore, #tpu.memory_space<semaphore_mem>>
    %dma_wait3A_1447 = arith.constant 6 : i32
    %dma_wait3A_1448 = arith.constant 4 : i32
    %dma_wait3A_1449 = arith.constant 0 : i32
    %dma_wait3A_1450 = arith.constant 0 : i32
    %dma_wait3A_1451 = arith.constant 0 : i32
    %dma_wait3A_1452 = tpu.memref_slice %arg1[%dma_wait3A_1447, %dma_wait3A_1448, %dma_wait3A_1449, %dma_wait3A_1450, %dma_wait3A_1451] : memref<12x8x3x224x224xf32, #tpu.memory_space<any>> -> memref<1x4x3x224x224xf32, #tpu.memory_space<any>>
    %dma_wait3A_1453 = arith.constant 0 : i32
    %dma_wait3A_1454 = arith.constant 0 : i32
    %dma_wait3A_1455 = arith.constant 0 : i32
    %dma_wait3A_1456 = arith.constant 0 : i32
    %dma_wait3A_1457 = arith.constant 0 : i32
    %dma_wait3A_1458 = tpu.memref_slice %arg2[%dma_wait3A_1443, %dma_wait3A_1453, %dma_wait3A_1454, %dma_wait3A_1455, %dma_wait3A_1456, %dma_wait3A_1457] : memref<12x1x4x3x224x224xf32, #tpu.memory_space<vmem>> -> memref<1x1x4x3x224x224xf32, #tpu.memory_space<vmem>>
    %dma_wait3A_1459 = tpu.memref_squeeze %dma_wait3A_1458 : memref<1x1x4x3x224x224xf32, #tpu.memory_space<vmem>> -> memref<1x4x3x224x224xf32, #tpu.memory_space<vmem>>
    tpu.wait_dma2 semaphore(%dma_wait3A_1446 : memref<!tpu.dma_semaphore, #tpu.memory_space<semaphore_mem>>) src(%dma_wait3A_1459 : memref<1x4x3x224x224xf32, #tpu.memory_space<vmem>>) dst(%dma_wait3A_1452 : memref<1x4x3x224x224xf32, #tpu.memory_space<any>>)
    %dma_wait3A_1460 = arith.constant 2 : i32
    %dma_wait3A_1461 = arith.constant 2 : i32
    %dma_wait3A_1462 = tpu.memref_slice %arg4[%dma_wait3A_1461] : memref<12x!tpu.dma_semaphore, #tpu.memory_space<semaphore_mem>> -> memref<1x!tpu.dma_semaphore, #tpu.memory_space<semaphore_mem>>
    %dma_wait3A_1463 = tpu.memref_squeeze %dma_wait3A_1462 : memref<1x!tpu.dma_semaphore, #tpu.memory_space<semaphore_mem>> -> memref<!tpu.dma_semaphore, #tpu.memory_space<semaphore_mem>>
    %dma_wait3A_1464 = arith.constant 7 : i32
    %dma_wait3A_1465 = arith.constant 0 : i32
    %dma_wait3A_1466 = arith.constant 0 : i32
    %dma_wait3A_1467 = arith.constant 0 : i32
    %dma_wait3A_1468 = arith.constant 0 : i32
    %dma_wait3A_1469 = tpu.memref_slice %arg1[%dma_wait3A_1464, %dma_wait3A_1465, %dma_wait3A_1466, %dma_wait3A_1467, %dma_wait3A_1468] : memref<12x8x3x224x224xf32, #tpu.memory_space<any>> -> memref<1x4x3x224x224xf32, #tpu.memory_space<any>>
    %dma_wait3A_1470 = arith.constant 0 : i32
    %dma_wait3A_1471 = arith.constant 0 : i32
    %dma_wait3A_1472 = arith.constant 0 : i32
    %dma_wait3A_1473 = arith.constant 0 : i32
    %dma_wait3A_1474 = arith.constant 0 : i32
    %dma_wait3A_1475 = tpu.memref_slice %arg2[%dma_wait3A_1460, %dma_wait3A_1470, %dma_wait3A_1471, %dma_wait3A_1472, %dma_wait3A_1473, %dma_wait3A_1474] : memref<12x1x4x3x224x224xf32, #tpu.memory_space<vmem>> -> memref<1x1x4x3x224x224xf32, #tpu.memory_space<vmem>>
    %dma_wait3A_1476 = tpu.memref_squeeze %dma_wait3A_1475 : memref<1x1x4x3x224x224xf32, #tpu.memory_space<vmem>> -> memref<1x4x3x224x224xf32, #tpu.memory_space<vmem>>
    tpu.wait_dma2 semaphore(%dma_wait3A_1463 : memref<!tpu.dma_semaphore, #tpu.memory_space<semaphore_mem>>) src(%dma_wait3A_1476 : memref<1x4x3x224x224xf32, #tpu.memory_space<vmem>>) dst(%dma_wait3A_1469 : memref<1x4x3x224x224xf32, #tpu.memory_space<any>>)
    %dma_wait3A_1477 = arith.constant 3 : i32
    %dma_wait3A_1478 = arith.constant 3 : i32
    %dma_wait3A_1479 = tpu.memref_slice %arg4[%dma_wait3A_1478] : memref<12x!tpu.dma_semaphore, #tpu.memory_space<semaphore_mem>> -> memref<1x!tpu.dma_semaphore, #tpu.memory_space<semaphore_mem>>
    %dma_wait3A_1480 = tpu.memref_squeeze %dma_wait3A_1479 : memref<1x!tpu.dma_semaphore, #tpu.memory_space<semaphore_mem>> -> memref<!tpu.dma_semaphore, #tpu.memory_space<semaphore_mem>>
    %dma_wait3A_1481 = arith.constant 7 : i32
    %dma_wait3A_1482 = arith.constant 4 : i32
    %dma_wait3A_1483 = arith.constant 0 : i32
    %dma_wait3A_1484 = arith.constant 0 : i32
    %dma_wait3A_1485 = arith.constant 0 : i32
    %dma_wait3A_1486 = tpu.memref_slice %arg1[%dma_wait3A_1481, %dma_wait3A_1482, %dma_wait3A_1483, %dma_wait3A_1484, %dma_wait3A_1485] : memref<12x8x3x224x224xf32, #tpu.memory_space<any>> -> memref<1x4x3x224x224xf32, #tpu.memory_space<any>>
    %dma_wait3A_1487 = arith.constant 0 : i32
    %dma_wait3A_1488 = arith.constant 0 : i32
    %dma_wait3A_1489 = arith.constant 0 : i32
    %dma_wait3A_1490 = arith.constant 0 : i32
    %dma_wait3A_1491 = arith.constant 0 : i32
    %dma_wait3A_1492 = tpu.memref_slice %arg2[%dma_wait3A_1477, %dma_wait3A_1487, %dma_wait3A_1488, %dma_wait3A_1489, %dma_wait3A_1490, %dma_wait3A_1491] : memref<12x1x4x3x224x224xf32, #tpu.memory_space<vmem>> -> memref<1x1x4x3x224x224xf32, #tpu.memory_space<vmem>>
    %dma_wait3A_1493 = tpu.memref_squeeze %dma_wait3A_1492 : memref<1x1x4x3x224x224xf32, #tpu.memory_space<vmem>> -> memref<1x4x3x224x224xf32, #tpu.memory_space<vmem>>
    tpu.wait_dma2 semaphore(%dma_wait3A_1480 : memref<!tpu.dma_semaphore, #tpu.memory_space<semaphore_mem>>) src(%dma_wait3A_1493 : memref<1x4x3x224x224xf32, #tpu.memory_space<vmem>>) dst(%dma_wait3A_1486 : memref<1x4x3x224x224xf32, #tpu.memory_space<any>>)
    %dma_wait3A_1494 = arith.constant 4 : i32
    %dma_wait3A_1495 = arith.constant 4 : i32
    %dma_wait3A_1496 = tpu.memref_slice %arg4[%dma_wait3A_1495] : memref<12x!tpu.dma_semaphore, #tpu.memory_space<semaphore_mem>> -> memref<1x!tpu.dma_semaphore, #tpu.memory_space<semaphore_mem>>
    %dma_wait3A_1497 = tpu.memref_squeeze %dma_wait3A_1496 : memref<1x!tpu.dma_semaphore, #tpu.memory_space<semaphore_mem>> -> memref<!tpu.dma_semaphore, #tpu.memory_space<semaphore_mem>>
    %dma_wait3A_1498 = arith.constant 8 : i32
    %dma_wait3A_1499 = arith.constant 0 : i32
    %dma_wait3A_1500 = arith.constant 0 : i32
    %dma_wait3A_1501 = arith.constant 0 : i32
    %dma_wait3A_1502 = arith.constant 0 : i32
    %dma_wait3A_1503 = tpu.memref_slice %arg1[%dma_wait3A_1498, %dma_wait3A_1499, %dma_wait3A_1500, %dma_wait3A_1501, %dma_wait3A_1502] : memref<12x8x3x224x224xf32, #tpu.memory_space<any>> -> memref<1x4x3x224x224xf32, #tpu.memory_space<any>>
    %dma_wait3A_1504 = arith.constant 0 : i32
    %dma_wait3A_1505 = arith.constant 0 : i32
    %dma_wait3A_1506 = arith.constant 0 : i32
    %dma_wait3A_1507 = arith.constant 0 : i32
    %dma_wait3A_1508 = arith.constant 0 : i32
    %dma_wait3A_1509 = tpu.memref_slice %arg2[%dma_wait3A_1494, %dma_wait3A_1504, %dma_wait3A_1505, %dma_wait3A_1506, %dma_wait3A_1507, %dma_wait3A_1508] : memref<12x1x4x3x224x224xf32, #tpu.memory_space<vmem>> -> memref<1x1x4x3x224x224xf32, #tpu.memory_space<vmem>>
    %dma_wait3A_1510 = tpu.memref_squeeze %dma_wait3A_1509 : memref<1x1x4x3x224x224xf32, #tpu.memory_space<vmem>> -> memref<1x4x3x224x224xf32, #tpu.memory_space<vmem>>
    tpu.wait_dma2 semaphore(%dma_wait3A_1497 : memref<!tpu.dma_semaphore, #tpu.memory_space<semaphore_mem>>) src(%dma_wait3A_1510 : memref<1x4x3x224x224xf32, #tpu.memory_space<vmem>>) dst(%dma_wait3A_1503 : memref<1x4x3x224x224xf32, #tpu.memory_space<any>>)
    %dma_wait3A_1511 = arith.constant 5 : i32
    %dma_wait3A_1512 = arith.constant 5 : i32
    %dma_wait3A_1513 = tpu.memref_slice %arg4[%dma_wait3A_1512] : memref<12x!tpu.dma_semaphore, #tpu.memory_space<semaphore_mem>> -> memref<1x!tpu.dma_semaphore, #tpu.memory_space<semaphore_mem>>
    %dma_wait3A_1514 = tpu.memref_squeeze %dma_wait3A_1513 : memref<1x!tpu.dma_semaphore, #tpu.memory_space<semaphore_mem>> -> memref<!tpu.dma_semaphore, #tpu.memory_space<semaphore_mem>>
    %dma_wait3A_1515 = arith.constant 8 : i32
    %dma_wait3A_1516 = arith.constant 4 : i32
    %dma_wait3A_1517 = arith.constant 0 : i32
    %dma_wait3A_1518 = arith.constant 0 : i32
    %dma_wait3A_1519 = arith.constant 0 : i32
    %dma_wait3A_1520 = tpu.memref_slice %arg1[%dma_wait3A_1515, %dma_wait3A_1516, %dma_wait3A_1517, %dma_wait3A_1518, %dma_wait3A_1519] : memref<12x8x3x224x224xf32, #tpu.memory_space<any>> -> memref<1x4x3x224x224xf32, #tpu.memory_space<any>>
    %dma_wait3A_1521 = arith.constant 0 : i32
    %dma_wait3A_1522 = arith.constant 0 : i32
    %dma_wait3A_1523 = arith.constant 0 : i32
    %dma_wait3A_1524 = arith.constant 0 : i32
    %dma_wait3A_1525 = arith.constant 0 : i32
    %dma_wait3A_1526 = tpu.memref_slice %arg2[%dma_wait3A_1511, %dma_wait3A_1521, %dma_wait3A_1522, %dma_wait3A_1523, %dma_wait3A_1524, %dma_wait3A_1525] : memref<12x1x4x3x224x224xf32, #tpu.memory_space<vmem>> -> memref<1x1x4x3x224x224xf32, #tpu.memory_space<vmem>>
    %dma_wait3A_1527 = tpu.memref_squeeze %dma_wait3A_1526 : memref<1x1x4x3x224x224xf32, #tpu.memory_space<vmem>> -> memref<1x4x3x224x224xf32, #tpu.memory_space<vmem>>
    tpu.wait_dma2 semaphore(%dma_wait3A_1514 : memref<!tpu.dma_semaphore, #tpu.memory_space<semaphore_mem>>) src(%dma_wait3A_1527 : memref<1x4x3x224x224xf32, #tpu.memory_space<vmem>>) dst(%dma_wait3A_1520 : memref<1x4x3x224x224xf32, #tpu.memory_space<any>>)
    %dma_wait3A_1528 = arith.constant 6 : i32
    %dma_wait3A_1529 = arith.constant 6 : i32
    %dma_wait3A_1530 = tpu.memref_slice %arg4[%dma_wait3A_1529] : memref<12x!tpu.dma_semaphore, #tpu.memory_space<semaphore_mem>> -> memref<1x!tpu.dma_semaphore, #tpu.memory_space<semaphore_mem>>
    %dma_wait3A_1531 = tpu.memref_squeeze %dma_wait3A_1530 : memref<1x!tpu.dma_semaphore, #tpu.memory_space<semaphore_mem>> -> memref<!tpu.dma_semaphore, #tpu.memory_space<semaphore_mem>>
    %dma_wait3A_1532 = arith.constant 9 : i32
    %dma_wait3A_1533 = arith.constant 0 : i32
    %dma_wait3A_1534 = arith.constant 0 : i32
    %dma_wait3A_1535 = arith.constant 0 : i32
    %dma_wait3A_1536 = arith.constant 0 : i32
    %dma_wait3A_1537 = tpu.memref_slice %arg1[%dma_wait3A_1532, %dma_wait3A_1533, %dma_wait3A_1534, %dma_wait3A_1535, %dma_wait3A_1536] : memref<12x8x3x224x224xf32, #tpu.memory_space<any>> -> memref<1x4x3x224x224xf32, #tpu.memory_space<any>>
    %dma_wait3A_1538 = arith.constant 0 : i32
    %dma_wait3A_1539 = arith.constant 0 : i32
    %dma_wait3A_1540 = arith.constant 0 : i32
    %dma_wait3A_1541 = arith.constant 0 : i32
    %dma_wait3A_1542 = arith.constant 0 : i32
    %dma_wait3A_1543 = tpu.memref_slice %arg2[%dma_wait3A_1528, %dma_wait3A_1538, %dma_wait3A_1539, %dma_wait3A_1540, %dma_wait3A_1541, %dma_wait3A_1542] : memref<12x1x4x3x224x224xf32, #tpu.memory_space<vmem>> -> memref<1x1x4x3x224x224xf32, #tpu.memory_space<vmem>>
    %dma_wait3A_1544 = tpu.memref_squeeze %dma_wait3A_1543 : memref<1x1x4x3x224x224xf32, #tpu.memory_space<vmem>> -> memref<1x4x3x224x224xf32, #tpu.memory_space<vmem>>
    tpu.wait_dma2 semaphore(%dma_wait3A_1531 : memref<!tpu.dma_semaphore, #tpu.memory_space<semaphore_mem>>) src(%dma_wait3A_1544 : memref<1x4x3x224x224xf32, #tpu.memory_space<vmem>>) dst(%dma_wait3A_1537 : memref<1x4x3x224x224xf32, #tpu.memory_space<any>>)
    %dma_wait3A_1545 = arith.constant 7 : i32
    %dma_wait3A_1546 = arith.constant 7 : i32
    %dma_wait3A_1547 = tpu.memref_slice %arg4[%dma_wait3A_1546] : memref<12x!tpu.dma_semaphore, #tpu.memory_space<semaphore_mem>> -> memref<1x!tpu.dma_semaphore, #tpu.memory_space<semaphore_mem>>
    %dma_wait3A_1548 = tpu.memref_squeeze %dma_wait3A_1547 : memref<1x!tpu.dma_semaphore, #tpu.memory_space<semaphore_mem>> -> memref<!tpu.dma_semaphore, #tpu.memory_space<semaphore_mem>>
    %dma_wait3A_1549 = arith.constant 9 : i32
    %dma_wait3A_1550 = arith.constant 4 : i32
    %dma_wait3A_1551 = arith.constant 0 : i32
    %dma_wait3A_1552 = arith.constant 0 : i32
    %dma_wait3A_1553 = arith.constant 0 : i32
    %dma_wait3A_1554 = tpu.memref_slice %arg1[%dma_wait3A_1549, %dma_wait3A_1550, %dma_wait3A_1551, %dma_wait3A_1552, %dma_wait3A_1553] : memref<12x8x3x224x224xf32, #tpu.memory_space<any>> -> memref<1x4x3x224x224xf32, #tpu.memory_space<any>>
    %dma_wait3A_1555 = arith.constant 0 : i32
    %dma_wait3A_1556 = arith.constant 0 : i32
    %dma_wait3A_1557 = arith.constant 0 : i32
    %dma_wait3A_1558 = arith.constant 0 : i32
    %dma_wait3A_1559 = arith.constant 0 : i32
    %dma_wait3A_1560 = tpu.memref_slice %arg2[%dma_wait3A_1545, %dma_wait3A_1555, %dma_wait3A_1556, %dma_wait3A_1557, %dma_wait3A_1558, %dma_wait3A_1559] : memref<12x1x4x3x224x224xf32, #tpu.memory_space<vmem>> -> memref<1x1x4x3x224x224xf32, #tpu.memory_space<vmem>>
    %dma_wait3A_1561 = tpu.memref_squeeze %dma_wait3A_1560 : memref<1x1x4x3x224x224xf32, #tpu.memory_space<vmem>> -> memref<1x4x3x224x224xf32, #tpu.memory_space<vmem>>
    tpu.wait_dma2 semaphore(%dma_wait3A_1548 : memref<!tpu.dma_semaphore, #tpu.memory_space<semaphore_mem>>) src(%dma_wait3A_1561 : memref<1x4x3x224x224xf32, #tpu.memory_space<vmem>>) dst(%dma_wait3A_1554 : memref<1x4x3x224x224xf32, #tpu.memory_space<any>>)
    %dma_wait3A_1562 = arith.constant 8 : i32
    %dma_wait3A_1563 = arith.constant 8 : i32
    %dma_wait3A_1564 = tpu.memref_slice %arg4[%dma_wait3A_1563] : memref<12x!tpu.dma_semaphore, #tpu.memory_space<semaphore_mem>> -> memref<1x!tpu.dma_semaphore, #tpu.memory_space<semaphore_mem>>
    %dma_wait3A_1565 = tpu.memref_squeeze %dma_wait3A_1564 : memref<1x!tpu.dma_semaphore, #tpu.memory_space<semaphore_mem>> -> memref<!tpu.dma_semaphore, #tpu.memory_space<semaphore_mem>>
    %dma_wait3A_1566 = arith.constant 10 : i32
    %dma_wait3A_1567 = arith.constant 0 : i32
    %dma_wait3A_1568 = arith.constant 0 : i32
    %dma_wait3A_1569 = arith.constant 0 : i32
    %dma_wait3A_1570 = arith.constant 0 : i32
    %dma_wait3A_1571 = tpu.memref_slice %arg1[%dma_wait3A_1566, %dma_wait3A_1567, %dma_wait3A_1568, %dma_wait3A_1569, %dma_wait3A_1570] : memref<12x8x3x224x224xf32, #tpu.memory_space<any>> -> memref<1x4x3x224x224xf32, #tpu.memory_space<any>>
    %dma_wait3A_1572 = arith.constant 0 : i32
    %dma_wait3A_1573 = arith.constant 0 : i32
    %dma_wait3A_1574 = arith.constant 0 : i32
    %dma_wait3A_1575 = arith.constant 0 : i32
    %dma_wait3A_1576 = arith.constant 0 : i32
    %dma_wait3A_1577 = tpu.memref_slice %arg2[%dma_wait3A_1562, %dma_wait3A_1572, %dma_wait3A_1573, %dma_wait3A_1574, %dma_wait3A_1575, %dma_wait3A_1576] : memref<12x1x4x3x224x224xf32, #tpu.memory_space<vmem>> -> memref<1x1x4x3x224x224xf32, #tpu.memory_space<vmem>>
    %dma_wait3A_1578 = tpu.memref_squeeze %dma_wait3A_1577 : memref<1x1x4x3x224x224xf32, #tpu.memory_space<vmem>> -> memref<1x4x3x224x224xf32, #tpu.memory_space<vmem>>
    tpu.wait_dma2 semaphore(%dma_wait3A_1565 : memref<!tpu.dma_semaphore, #tpu.memory_space<semaphore_mem>>) src(%dma_wait3A_1578 : memref<1x4x3x224x224xf32, #tpu.memory_space<vmem>>) dst(%dma_wait3A_1571 : memref<1x4x3x224x224xf32, #tpu.memory_space<any>>)
    %dma_wait3A_1579 = arith.constant 9 : i32
    %dma_wait3A_1580 = arith.constant 9 : i32
    %dma_wait3A_1581 = tpu.memref_slice %arg4[%dma_wait3A_1580] : memref<12x!tpu.dma_semaphore, #tpu.memory_space<semaphore_mem>> -> memref<1x!tpu.dma_semaphore, #tpu.memory_space<semaphore_mem>>
    %dma_wait3A_1582 = tpu.memref_squeeze %dma_wait3A_1581 : memref<1x!tpu.dma_semaphore, #tpu.memory_space<semaphore_mem>> -> memref<!tpu.dma_semaphore, #tpu.memory_space<semaphore_mem>>
    %dma_wait3A_1583 = arith.constant 10 : i32
    %dma_wait3A_1584 = arith.constant 4 : i32
    %dma_wait3A_1585 = arith.constant 0 : i32
    %dma_wait3A_1586 = arith.constant 0 : i32
    %dma_wait3A_1587 = arith.constant 0 : i32
    %dma_wait3A_1588 = tpu.memref_slice %arg1[%dma_wait3A_1583, %dma_wait3A_1584, %dma_wait3A_1585, %dma_wait3A_1586, %dma_wait3A_1587] : memref<12x8x3x224x224xf32, #tpu.memory_space<any>> -> memref<1x4x3x224x224xf32, #tpu.memory_space<any>>
    %dma_wait3A_1589 = arith.constant 0 : i32
    %dma_wait3A_1590 = arith.constant 0 : i32
    %dma_wait3A_1591 = arith.constant 0 : i32
    %dma_wait3A_1592 = arith.constant 0 : i32
    %dma_wait3A_1593 = arith.constant 0 : i32
    %dma_wait3A_1594 = tpu.memref_slice %arg2[%dma_wait3A_1579, %dma_wait3A_1589, %dma_wait3A_1590, %dma_wait3A_1591, %dma_wait3A_1592, %dma_wait3A_1593] : memref<12x1x4x3x224x224xf32, #tpu.memory_space<vmem>> -> memref<1x1x4x3x224x224xf32, #tpu.memory_space<vmem>>
    %dma_wait3A_1595 = tpu.memref_squeeze %dma_wait3A_1594 : memref<1x1x4x3x224x224xf32, #tpu.memory_space<vmem>> -> memref<1x4x3x224x224xf32, #tpu.memory_space<vmem>>
    tpu.wait_dma2 semaphore(%dma_wait3A_1582 : memref<!tpu.dma_semaphore, #tpu.memory_space<semaphore_mem>>) src(%dma_wait3A_1595 : memref<1x4x3x224x224xf32, #tpu.memory_space<vmem>>) dst(%dma_wait3A_1588 : memref<1x4x3x224x224xf32, #tpu.memory_space<any>>)
    %dma_wait3A_1596 = arith.constant 10 : i32
    %dma_wait3A_1597 = arith.constant 10 : i32
    %dma_wait3A_1598 = tpu.memref_slice %arg4[%dma_wait3A_1597] : memref<12x!tpu.dma_semaphore, #tpu.memory_space<semaphore_mem>> -> memref<1x!tpu.dma_semaphore, #tpu.memory_space<semaphore_mem>>
    %dma_wait3A_1599 = tpu.memref_squeeze %dma_wait3A_1598 : memref<1x!tpu.dma_semaphore, #tpu.memory_space<semaphore_mem>> -> memref<!tpu.dma_semaphore, #tpu.memory_space<semaphore_mem>>
    %dma_wait3A_1600 = arith.constant 11 : i32
    %dma_wait3A_1601 = arith.constant 0 : i32
    %dma_wait3A_1602 = arith.constant 0 : i32
    %dma_wait3A_1603 = arith.constant 0 : i32
    %dma_wait3A_1604 = arith.constant 0 : i32
    %dma_wait3A_1605 = tpu.memref_slice %arg1[%dma_wait3A_1600, %dma_wait3A_1601, %dma_wait3A_1602, %dma_wait3A_1603, %dma_wait3A_1604] : memref<12x8x3x224x224xf32, #tpu.memory_space<any>> -> memref<1x4x3x224x224xf32, #tpu.memory_space<any>>
    %dma_wait3A_1606 = arith.constant 0 : i32
    %dma_wait3A_1607 = arith.constant 0 : i32
    %dma_wait3A_1608 = arith.constant 0 : i32
    %dma_wait3A_1609 = arith.constant 0 : i32
    %dma_wait3A_1610 = arith.constant 0 : i32
    %dma_wait3A_1611 = tpu.memref_slice %arg2[%dma_wait3A_1596, %dma_wait3A_1606, %dma_wait3A_1607, %dma_wait3A_1608, %dma_wait3A_1609, %dma_wait3A_1610] : memref<12x1x4x3x224x224xf32, #tpu.memory_space<vmem>> -> memref<1x1x4x3x224x224xf32, #tpu.memory_space<vmem>>
    %dma_wait3A_1612 = tpu.memref_squeeze %dma_wait3A_1611 : memref<1x1x4x3x224x224xf32, #tpu.memory_space<vmem>> -> memref<1x4x3x224x224xf32, #tpu.memory_space<vmem>>
    tpu.wait_dma2 semaphore(%dma_wait3A_1599 : memref<!tpu.dma_semaphore, #tpu.memory_space<semaphore_mem>>) src(%dma_wait3A_1612 : memref<1x4x3x224x224xf32, #tpu.memory_space<vmem>>) dst(%dma_wait3A_1605 : memref<1x4x3x224x224xf32, #tpu.memory_space<any>>)
    %dma_wait3A_1613 = arith.constant 11 : i32
    %dma_wait3A_1614 = arith.constant 11 : i32
    %dma_wait3A_1615 = tpu.memref_slice %arg4[%dma_wait3A_1614] : memref<12x!tpu.dma_semaphore, #tpu.memory_space<semaphore_mem>> -> memref<1x!tpu.dma_semaphore, #tpu.memory_space<semaphore_mem>>
    %dma_wait3A_1616 = tpu.memref_squeeze %dma_wait3A_1615 : memref<1x!tpu.dma_semaphore, #tpu.memory_space<semaphore_mem>> -> memref<!tpu.dma_semaphore, #tpu.memory_space<semaphore_mem>>
    %dma_wait3A_1617 = arith.constant 11 : i32
    %dma_wait3A_1618 = arith.constant 4 : i32
    %dma_wait3A_1619 = arith.constant 0 : i32
    %dma_wait3A_1620 = arith.constant 0 : i32
    %dma_wait3A_1621 = arith.constant 0 : i32
    %dma_wait3A_1622 = tpu.memref_slice %arg1[%dma_wait3A_1617, %dma_wait3A_1618, %dma_wait3A_1619, %dma_wait3A_1620, %dma_wait3A_1621] : memref<12x8x3x224x224xf32, #tpu.memory_space<any>> -> memref<1x4x3x224x224xf32, #tpu.memory_space<any>>
    %dma_wait3A_1623 = arith.constant 0 : i32
    %dma_wait3A_1624 = arith.constant 0 : i32
    %dma_wait3A_1625 = arith.constant 0 : i32
    %dma_wait3A_1626 = arith.constant 0 : i32
    %dma_wait3A_1627 = arith.constant 0 : i32
    %dma_wait3A_1628 = tpu.memref_slice %arg2[%dma_wait3A_1613, %dma_wait3A_1623, %dma_wait3A_1624, %dma_wait3A_1625, %dma_wait3A_1626, %dma_wait3A_1627] : memref<12x1x4x3x224x224xf32, #tpu.memory_space<vmem>> -> memref<1x1x4x3x224x224xf32, #tpu.memory_space<vmem>>
    %dma_wait3A_1629 = tpu.memref_squeeze %dma_wait3A_1628 : memref<1x1x4x3x224x224xf32, #tpu.memory_space<vmem>> -> memref<1x4x3x224x224xf32, #tpu.memory_space<vmem>>
    tpu.wait_dma2 semaphore(%dma_wait3A_1616 : memref<!tpu.dma_semaphore, #tpu.memory_space<semaphore_mem>>) src(%dma_wait3A_1629 : memref<1x4x3x224x224xf32, #tpu.memory_space<vmem>>) dst(%dma_wait3A_1622 : memref<1x4x3x224x224xf32, #tpu.memory_space<any>>)
    return
  }
}

</mosaic_0001>

<sc_bundles>
// kernel: _permute.4.cloned.1.call-start
scs
__scs_entry_jumppad:
0x0: {  	(pc) =	sbr.rel $0x88, $3  }
0x1: {  	(tag) =	ssettag $0x0;
	lr =	simm.s32 $0x1  }
0x2: {  	[smem:$0x3FA0] =	sst lr;
	_ =	strace $0xD0000000  }
0x3: {  	_ = 	snop  }
0x4: {  	_ = 	snop  }
0x5: {  	_ = 	snop  }
0x6: {  	_ = 	snop  }
0x7: {  	_ = 	snop  }
__scs_overlays_trampoline_lowered:
0x8: {  	[smem:$0x3FAF] =	sst s0  }
0x9: {  	[smem:$0x3FB0] =	sst s1  }
0xa: {  	[smem:$0x3FB1] =	sst s2  }
0xb: {  	[smem:$0x3FB2] =	sst s3  }
0xc: {  	[smem:$0x3FB3] =	sst s4  }
0xd: {  	[smem:$0x3FB4] =	sst s5  }
0xe: {  	[smem:$0x3FB5] =	sst s6  }
0xf: {  	[smem:$0x3FB6] =	sst s7  }
0x10: {  	[smem:$0x3FB7] =	sst s8  }
0x11: {  	[smem:$0x3FB8] =	sst s9;
	s0 =	simm.s32 @!p0 $0x0  }
0x12: {  	s1 =	sld [smem:$0x3F9E];
	s0 =	simm.s32 @p0 $0x1  }
0x13: {  	[smem:$0x3FB9] =	sst s0;
	s0 =	simm.s32 @!p1 $0x0  }
0x14: {  	s2 =	sld [smem:$0x3F9D];
	s0 =	simm.s32 @p1 $0x1  }
0x15: {  	[smem:$0x3FBA] =	sst s0;
	s0 =	simm.s32 @!p2 $0x0  }
0x16: {  	s3 =	sld [smem:$0x3FDB];
	s0 =	simm.s32 @p2 $0x1  }
0x17: {  	s4 =	simm.s32 $0x1BF5;
	[smem:$0x3FBC] =	sst s0  }
0x18: {  	s0 =	sld [smem:$0x3F9F];
	_ =	swait.ge [sflag:s4], $0x0  }
0x19: {  	s7 =	sld [smem:$0x3FA0]  }
0x1a: {  	s8 =	sadd.s32 $0xFFFFE003, lr  }
0x1b: {  	s9 =	sadd.s32 $0xFFFFFEF7, lr;
	s5 =	simm.s32 $0xFFFFFFFF;
	p2 =	slt.u32 s8, $0xFFFFF086  }
0x1c: {  	p1 =	slt.u32 s9, $0xF7A;
	s5 =	simm.s32 @!p2 $0x0  }
0x1d: {  	s5 =	simm.s32 @p1 $0x1;
	p0 =	seq.s32 s7, s2  }
0x1e: {  	s7 =	smul.u32 @!p0 $0xF7A, s2;
	p2 =	seq.s32 @!p0 s5, $0x0  }
0x1f: {  	s9 =	smul.u32 $0xF7A, s1;
	s8 =	simm.s32 @!p0 $0x1BF5;
	p2 =	por !p2, p0  }
0x20: {  	[sflag:s8] =	ssyncset.s32 @!p0 $0xFFFFF086;
	s6 =	sadd.s32 @!p0 s3, s7;
	s7 =	simm.s32 @!p0 $0x108  }
0x21: {  	s3 =	sadd.s32 s3, s9;
	s6 =	sadd.s32 @!p0 $0x88, s6;
	s7 =	simm.s32 @p2 $0x1082  }
0x22: {  	[simem:s7], [sflag:s8] =	dma.local @!p0 [hbm:s6], $0xF7A  }
0x23: {  	s9 =	sor.u32 $0xD0000000, s2;
	s6 =	simm.s32 $0x108;
	_ =	swait.ge @!p0 [sflag:s8], $0x0  }
0x24: {  	s3 =	sadd.s32 $0x88, s3;
	s6 =	simm.s32 @!p1 $0x1082;
	[sflag:s4] =	ssyncset.s32 $0xFFFFF086  }
0x25: {  	[simem:s6], [sflag:s4] =	dma.local [hbm:s3], $0xF7A  }
0x26: {  	[smem:$0x3FA0] =	sst s1;
	(tag) =	ssettag s2;
	_ =	strace s9  }
0x27: {  	s1 =	sld [smem:$0x3FB0]  }
0x28: {  	s2 =	sld [smem:$0x3FB1]  }
0x29: {  	s4 =	sld [smem:$0x3FB3]  }
0x2a: {  	p0 =	seq.s32 s5, $0x0;
	s5 =	sld [smem:$0x3FB4]  }
0x2b: {  	s6 =	sld [smem:$0x3FB5]  }
0x2c: {  	s7 =	sld [smem:$0x3FB6]  }
0x2d: {  	s3 =	simm.s32 $0x108;
	s8 =	sld [smem:$0x3FB7]  }
0x2e: {  	s3 =	simm.s32 @!p0 $0x1082;
	s9 =	sld [smem:$0x3FB8]  }
0x2f: {  	lr =	sadd.s32 s0, s3;
	s0 =	sld [smem:$0x3FAF]  }
0x30: {  	s3 =	sld [smem:$0x3FB2]  }
0x31: {  	[smem:$0x3FBB] =	sst s10  }
0x32: {  	s10 =	sld [smem:$0x3FB9];
	_ =	sdelay $0x3  }
0x33: {  	p0 =	seq.s32 s10, $0x1;
	s10 =	sld [smem:$0x3FBB];
	_ =	sdelay $0x3  }
0x34: {  	[smem:$0x3FBB] =	sst s10  }
0x35: {  	s10 =	sld [smem:$0x3FBA];
	_ =	sdelay $0x3  }
0x36: {  	p1 =	seq.s32 s10, $0x1;
	s10 =	sld [smem:$0x3FBB];
	_ =	sdelay $0x3  }
0x37: {  	[smem:$0x3FBB] =	sst s10  }
0x38: {  	s10 =	sld [smem:$0x3FBC]  }
0x39: {  	_ = 	snop;
	(pc) =	sbr.ind lr, $3  }
0x3a: {  	_ = 	snop  }
0x3b: {  	_ = 	snop  }
0x3c: {  	p2 =	seq.s32 s10, $0x1;
	s10 =	sld [smem:$0x3FBB]  }
0x3d: {  	_ =	shalt  }
0x3e: {  	_ =	shalt  }
0x3f: {  	_ =	shalt  }
0x40: {  	_ =	shalt  }
0x41: {  	_ =	shalt  }
0x42: {  	_ =	shalt  }
0x43: {  	_ =	shalt  }
0x44: {  	_ =	shalt  }
0x45: {  	_ =	shalt  }
0x46: {  	_ =	shalt  }
0x47: {  	_ =	shalt  }
0x48: {  	_ =	shalt  }
0x49: {  	_ =	shalt  }
0x4a: {  	_ =	shalt  }
0x4b: {  	_ =	shalt  }
0x4c: {  	_ =	shalt  }
0x4d: {  	_ =	shalt  }
0x4e: {  	_ =	shalt  }
0x4f: {  	_ =	shalt  }
0x50: {  	_ =	shalt  }
0x51: {  	_ =	shalt  }
0x52: {  	_ =	shalt  }
0x53: {  	_ =	shalt  }
0x54: {  	_ =	shalt  }
0x55: {  	_ =	shalt  }
0x56: {  	_ =	shalt  }
0x57: {  	_ =	shalt  }
0x58: {  	_ =	shalt  }
0x59: {  	_ =	shalt  }
0x5a: {  	_ =	shalt  }
0x5b: {  	_ =	shalt  }
0x5c: {  	_ =	shalt  }
0x5d: {  	_ =	shalt  }
0x5e: {  	_ =	shalt  }
0x5f: {  	_ =	shalt  }
0x60: {  	_ =	shalt  }
0x61: {  	_ =	shalt  }
0x62: {  	_ =	shalt  }
0x63: {  	_ =	shalt  }
0x64: {  	_ =	shalt  }
0x65: {  	_ =	shalt  }
0x66: {  	_ =	shalt  }
0x67: {  	_ =	shalt  }
0x68: {  	_ =	shalt  }
0x69: {  	_ =	shalt  }
0x6a: {  	_ =	shalt  }
0x6b: {  	_ =	shalt  }
0x6c: {  	_ =	shalt  }
0x6d: {  	_ =	shalt  }
0x6e: {  	_ =	shalt  }
0x6f: {  	_ =	shalt  }
0x70: {  	_ =	shalt  }
0x71: {  	_ =	shalt  }
0x72: {  	_ =	shalt  }
0x73: {  	_ =	shalt  }
0x74: {  	_ =	shalt  }
0x75: {  	_ =	shalt  }
0x76: {  	_ =	shalt  }
0x77: {  	_ =	shalt  }
0x78: {  	_ =	shalt  }
0x79: {  	_ =	shalt  }
0x7a: {  	_ =	shalt  }
0x7b: {  	_ =	shalt  }
0x7c: {  	_ =	shalt  }
0x7d: {  	_ =	shalt  }
0x7e: {  	_ =	shalt  }
0x7f: {  	_ =	shalt  }
0x80: {  	_ =	shalt  }
0x81: {  	_ =	shalt  }
0x82: {  	_ =	shalt  }
0x83: {  	_ =	shalt  }
0x84: {  	_ =	shalt  }
0x85: {  	_ =	shalt  }
0x86: {  	_ =	shalt  }
0x87: {  	_ =	shalt  }
.Lfunc_end0:
.L_simem_size_0:
called_computation_lowered:
.L_overlay_start_0:
0x88: {  	s2 =	sld [smem:$0x3FD9]  }
0x89: {  	s3 =	sld [smem:$0x3FFE];
	_ =	sdelay $0x1  }
0x8a: {  	s1 =	srdreg.scid  }
0x8b: {  	s0 =	sand.u32 $0x1, s1  }
0x8c: {  	s15 =	sshll.u32 s0, $0xA;
	s2 =	sadd.s32 s3, s2  }
0x8d: {  	s2 =	sadd.s32 s2, s15  }
0x8e: {  	[smem:$0x3FC7] =	sst s2  }
0x8f: {  	_ = 	snop  }
0x90: {  	s2 =	sld [smem:$0x3FD0];
	_ =	sdelay $0x2  }
0x91: {  	s4 =	simm.s32 $0xA;
	s5 =	simm.s32 $0x10;
	s16 =	sld [smem:$0x3FC9]  }
0x92: {  	[smem:s5], [sflag:s4] =	dma.local [hbm:s2], $0x1  }
0x93: {  	_ =	swait.eq [sflag:s4], $0x1  }
0x94: {  	[sflag:s4] =	ssyncset.done $0x0  }
0x95: {  	[sflag:s4] =	ssyncadd.s32 $0xFFFFFFFF  }
0x96: {  	s17 =	sld [smem:$0x10];
	(tm) =	ssettm $0x1  }
0x97: {  	s18 =	sld [smem:$0x3FFB];
	_ =	sdelay $0x3  }
0x98: {  	_ =	strace s18  }
0x99: {  	s4 =	sld [smem:$0x3FFC];
	_ =	sdelay $0x3  }
0x9a: {  	_ =	strace s4  }
0x9b: {  	s4 =	sld [smem:$0x3FFD];
	_ =	sdelay $0x3  }
0x9c: {  	_ =	strace s4  }
0x9d: {  	_ =	strace $0x8FFFFFFF  }
0x9e: {  	s19 =	sld [smem:$0x3FDB];
	_ =	sdelay $0x1  }
0x9f: {  	s20 =	simm.s32 $_scs_section_size  }
0xa0: {  	s6 =	simm.s32 $_size__tile_overlayer_lowered;
	s7 =	simm.s32 $_tile_overlayer_lowered  }
0xa1: {  	s23 =	simm.s32 $0x1BFF;
	s22 =	sshll.u32 s7, $0x1;
	s4 =	sadd.s32 s20, s19  }
0xa2: {  	s8 =	simm.s32 $0x0;
	s21 =	sshll.u32 s6, $0x1;
	s6 =	sadd.s32 s22, s4  }
0xa3: {  	[timem:s8], [sflag:s23] =	dma.local [hbm:s6], s21  }
0xa4: {  	_ =	swait.ge [sflag:s23], s21  }
0xa5: {  	s5 =	ssub.s32 $0x0, s21;
	[sflag:s23] =	ssyncset.done $0x0  }
0xa6: {  	[sflag:s23] =	ssyncadd.s32 s5;
	_ =	sdelay $0x1  }
0xa7: {  	s24 =	simm.s32 $0x1B8B  }
0xa8: {  	_ =	swait.ge [sflag:s24], $0x1  }
0xa9: {  	[sflag:s24] =	ssyncset.done $0x0  }
0xaa: {  	s25 =	simm.s32 $0x1B8E;
	[sflag:s24] =	ssyncadd.s32 $0xFFFFFFFF  }
0xab: {  	s26 =	simm.s32 $execute0_lowered;
	[smem:$0x3FD2] =	sst s25  }
0xac: {  	s5 =	sshll.u32 s26, $0x1;
	_ =	strace $0x80000046;
	[dreg:$0x1] =	wrdreg $0xFFFFFFFF  }
0xad: {  	s28 =	simm.s32 $_size_execute0_lowered;
	s4 =	sadd.s32 s4, s5;
	[dreg:$0x0] =	wrdreg $0x0  }
0xae: {  	s5 =	sshll.u32 s28, $0x1;
	[dreg:$0x2] =	wrdreg s4  }
0xaf: {  	[dreg:$0x3] =	wrdreg s5  }
0xb0: {  	[dreg:$0x4] =	wrdreg $0xC0  }
0xb1: {  	_ =	task [dreg:s8], $0x5FFFF  }
0xb2: {  	[dreg:$0x1] =	wrdreg $0xFFFFFFFF  }
0xb3: {  	[dreg:$0x0] =	wrdreg $0x60  }
0xb4: {  	[dreg:$0x2] =	wrdreg s16  }
0xb5: {  	[dreg:$0x3] =	wrdreg s17  }
0xb6: {  	[dreg:$0x4] =	wrdreg $0x9  }
0xb7: {  	_ =	task.clear_ibuf [dreg:s8], $0x5FFFF;
	_ =	strace $0x90000046  }
0xb8: {  	s29 =	simm.s32 $0x9;
	_ =	strace $0x80000048  }
0xb9: {  	_ =	swait.ge [sflag:s29], $0x1  }
0xba: {  	[sflag:s29] =	ssyncadd.s32 $0xFFFFFFFF  }
0xbb: {  	_ =	strace $0x90000048  }
0xbc: {  	_ =	sfence  }
0xbd: {  	s30 =	sld [smem:$0x0];
	_ =	sdelay $0x2  }
0xbe: {  	s31 =	sshll.u32 s1, $0xD;
	s1 =	sshrl.u32 s1, $0x2  }
0xbf: {  	s3 =	sand.u32 $0x4000, s31;
	s1 =	sadd.s32 s1, s30  }
0xc0: {  	s0 =	sor.u32 s3, s0;
	s1 =	sshll.u32 s1, $0x11  }
0xc1: {  	s0 =	sor.u32 s1, s0  }
0xc2: {  	s0 =	sadd.s32 $0x8F2B, s0  }
0xc3: {  	[sflag:s0] =	ssyncadd.remote.s32 $0x1  }
0xc4: {  	_ =	sfence.sel $0xFFFF  }
0xc5: {  	[dreg:$0x0] =	wrdreg $0xFFFFFFFF;
	(pc) =	sbr.abs _section_cstart, $3  }
0xc6: {  	[dreg:$0x1] =	wrdreg $0xFFFFFFFF  }
0xc7: {  	_ =	task.clear_ibuf [dreg:s8], $0x2FFFF;
	_ =	strace $0x9FFFFFFF  }
0xc8: {  	(tm) =	ssettm $0x7FFFFFFF  }
0xc9: {  	_ =	shalt  }
tec
execute0_lowered:
.L_overlay_start_1:
0x0: {  	(tag) =	ssettag $0x1  }
0x1: {  	s1 =	srdreg.scid;
	s0 =	stileid.u32  }
0x2: {  	s12 =	sand.u32 $0x1, s1;
	s19 =	sshll.u32 s0, $0x1  }
0x3: {  	s1 =	sor.u32 s12, s19  }
0x4: {  	s5 =	smul.u32 $0x3, s1  }
0x5: {  	s9 =	rddreg [dreg:$0x0]  }
0x6: {  	s13 =	rddreg [dreg:$0x1];
	s3 =	sshrl.u32 s5, $0x3  }
0x7: {  	s2 =	simm.s32 $0x0;
	s4 =	sand.u32 $0x7, s5;
	s6 =	smul.u32 $0x1C0000, s3  }
0x8: {  	[smem:$0x7FF] =	sst s2;
	s7 =	sadd.s32 $0x1, s5;
	s8 =	smul.u32 $0x38000, s4  }
0x9: {  	s29 =	ssub.s32 $0x2, s12;
	s10 =	sshrl.u32 s7, $0x3;
	s21 =	smul.u32 $0x70000, s3  }
0xa: {  	s1 =	rddreg [dreg:$0x2];
	s11 =	sand.u32 $0x7, s7;
	s20 =	smul.u32 $0x1C0000, s10  }
0xb: {  	_ =	strace $0x80000047;
	s5 =	sadd.s32 $0x2, s5;
	s14 =	smul.u32 $0x38000, s11  }
0xc: {  	s24 =	smul.u32 $0xE000, s4;
	s25 =	sshrl.u32 s5, $0x3;
	s6 =	sadd.s32 s8, s6  }
0xd: {  	s15 =	sand.u32 $0x7, s5;
	s7 =	sadd.s32 s14, s20;
	s22 =	sshrl.u32 s6, $0x3  }
0xe: {  	s5 =	simm.s32 $0xE000;
	s23 =	sshrl.u32 s7, $0x3;
	s3 =	sadd.s32 s9, s22  }
0xf: {  	[tilespmem:s2], [sflag:$0x1] =	stream.linear.gather [hbm4b:s3+s2], $0xE000, $0x38;
	[tilespmem:$0x1C000] =	vst v63  }
0x10: {  	s26 =	smul.u32 $0x1C0000, s25;
	s6 =	simm.s32 $0x1;
	s4 =	sadd.s32 s9, s23  }
0x11: {  	[tilespmem:s5], [sflag:$0x2] =	stream.linear.gather [hbm4b:s4+s2], $0xE000, $0x38;
	[tilespmem:$0x1C000] =	vst v63  }
0x12: {  	s16 =	smul.u32 $0x38000, s15;
	s7 =	sadd.s32 s24, s21;
	_ =	swait.ge [sflag:s6], $0xE000  }
0x13: {  	s28 =	smul.u32 $0x70000, s10;
	s7 =	sshrl.u32 s7, $0x3;
	[sflag:s6] =	ssyncset.done $0x0  }
0x14: {  	s8 =	simm.s32 $0x3;
	s7 =	sadd.s32 s13, s7;
	[sflag:s6] =	ssyncadd.s32 $0xFFFF2000  }
0x15: {  	[hbm4b:s7+s2] =	stream.linear.scatter [tilespmem:s2], [sflag:$0x3], $0xE000, $0x38;
	[tilespmem:$0x1C000] =	vst v63  }
0x16: {  	s11 =	smul.u32 $0xE000, s11;
	s16 =	sadd.s32 s16, s26;
	_ =	swait.ge [sflag:s8], $0xE000  }
0x17: {  	s10 =	simm.s32 $0x2;
	s16 =	sshrl.u32 s16, $0x3;
	[sflag:s8] =	ssyncset.done $0x0  }
0x18: {  	s15 =	smul.u32 $0xE000, s15;
	s9 =	sadd.s32 s9, s16;
	[sflag:s8] =	ssyncadd.s32 $0xFFFF2000  }
0x19: {  	[tilespmem:s2], [sflag:$0x1] =	stream.linear.gather [hbm4b:s9+s2], $0xE000, $0x38;
	[tilespmem:$0x1C000] =	vst v63  }
0x1a: {  	s11 =	sadd.s32 s11, s28;
	s14 =	smul.u32 $0x70000, s25;
	_ =	swait.ge [sflag:s10], $0xE000  }
0x1b: {  	s31 =	sshrl.u32 s29, $0x1;
	s11 =	sshrl.u32 s11, $0x3;
	[sflag:s10] =	ssyncset.done $0x0  }
0x1c: {  	s11 =	sadd.s32 s13, s11;
	s14 =	sadd.s32 s15, s14;
	[sflag:s10] =	ssyncadd.s32 $0xFFFF2000  }
0x1d: {  	[hbm4b:s11+s2] =	stream.linear.scatter [tilespmem:s5], [sflag:$0x4], $0xE000, $0x38;
	[tilespmem:$0x1C000] =	vst v63  }
0x1e: {  	s30 =	sshrl.u32 s14, $0x3;
	s14 =	ssub.s32 s29, s31;
	_ =	swait.ge [sflag:s6], $0xE000  }
0x1f: {  	s12 =	sadd.s32 s13, s30;
	s14 =	smax.u32 s14, $0x1;
	[sflag:s6] =	ssyncset.done $0x0  }
0x20: {  	s13 =	simm.s32 $0x4;
	p0 =	sne.s32 s14, $0x1;
	[sflag:s6] =	ssyncadd.s32 $0xFFFF2000  }
0x21: {  	[hbm4b:s12+s2] =	stream.linear.scatter [tilespmem:s2], [sflag:$0x3], $0xE000, $0x38;
	[tilespmem:$0x1C000] =	vst v63  }
.Ltmp0:
0x22: {  	_ =	swait.ge [sflag:s13], $0xE000;
	(pc) =	sbr.rel @!p0 .LBB2_2-.Ltmp0, $4  }
0x23: {  	[sflag:s13] =	ssyncset.done $0x0  }
0x24: {  	[sflag:s13] =	ssyncadd.s32 $0xFFFF2000  }
0x25: {  	_ =	swait.ge [sflag:s8], $0xE000  }
0x26: {  	s14 =	sadd.s32 $0xFFFFFFFF, s14;
	[sflag:s8] =	ssyncset.done $0x0  }
.LBB2_1:
0x27: {  	p0 =	sne.s32 s14, $0x1;
	s14 =	sadd.s32 $0xFFFFFFFF, s14;
	[sflag:s8] =	ssyncadd.s32 $0xFFFF2000  }
0x28: {  	[tilespmem:s2], [sflag:$0x1] =	stream.linear.gather [hbm4b:s3+s2], $0xE000, $0x38;
	[tilespmem:$0x1C000] =	vst v63  }
0x29: {  	_ = 	snop  }
0x2a: {  	[tilespmem:s5], [sflag:$0x2] =	stream.linear.gather [hbm4b:s4+s2], $0xE000, $0x38;
	[tilespmem:$0x1C000] =	vst v63  }
0x2b: {  	_ =	swait.ge [sflag:s6], $0xE000  }
0x2c: {  	[sflag:s6] =	ssyncset.done $0x0  }
0x2d: {  	[sflag:s6] =	ssyncadd.s32 $0xFFFF2000  }
0x2e: {  	[hbm4b:s7+s2] =	stream.linear.scatter [tilespmem:s2], [sflag:$0x3], $0xE000, $0x38;
	[tilespmem:$0x1C000] =	vst v63  }
0x2f: {  	_ =	swait.ge [sflag:s8], $0xE000  }
0x30: {  	[sflag:s8] =	ssyncset.done $0x0  }
0x31: {  	[sflag:s8] =	ssyncadd.s32 $0xFFFF2000  }
0x32: {  	[tilespmem:s2], [sflag:$0x1] =	stream.linear.gather [hbm4b:s9+s2], $0xE000, $0x38;
	[tilespmem:$0x1C000] =	vst v63  }
0x33: {  	_ =	swait.ge [sflag:s10], $0xE000  }
0x34: {  	[sflag:s10] =	ssyncset.done $0x0  }
0x35: {  	[sflag:s10] =	ssyncadd.s32 $0xFFFF2000  }
0x36: {  	[hbm4b:s11+s2] =	stream.linear.scatter [tilespmem:s5], [sflag:$0x4], $0xE000, $0x38;
	[tilespmem:$0x1C000] =	vst v63  }
0x37: {  	_ =	swait.ge [sflag:s6], $0xE000  }
0x38: {  	[sflag:s6] =	ssyncset.done $0x0  }
0x39: {  	[sflag:s6] =	ssyncadd.s32 $0xFFFF2000  }
0x3a: {  	[hbm4b:s12+s2] =	stream.linear.scatter [tilespmem:s2], [sflag:$0x3], $0xE000, $0x38;
	[tilespmem:$0x1C000] =	vst v63  }
.Ltmp1:
0x3b: {  	_ =	swait.ge [sflag:s13], $0xE000;
	(pc) =	sbr.rel @p0 .LBB2_1-.Ltmp1, $4  }
0x3c: {  	[sflag:s13] =	ssyncset.done $0x0  }
0x3d: {  	[sflag:s13] =	ssyncadd.s32 $0xFFFF2000  }
0x3e: {  	_ =	swait.ge [sflag:s8], $0xE000  }
0x3f: {  	[sflag:s8] =	ssyncset.done $0x0  }
.LBB2_2:
0x40: {  	[sflag:s8] =	ssyncadd.s32 $0xFFFF2000  }
0x41: {  	_ =	sfence.sel $0x180000  }
0x42: {  	[bflag:$0x0] =	sbarrier.arrive $0xFFFF  }
0x43: {  	p0 =	sne.s32 s0, $0x0;
	_ =	strace $0x90000047  }
0x44: {  	s0 =	sadd.s32 @!p0 $0x100000, s1;
	[bflag:$0x2] =	sbarrier.arrive $0xFFFF  }
0x45: {  	[sflag:s0] =	ssyncadd.tile.s32 @!p0 $0x1;
	_ =	shalt  }
.Lfunc_end2:
_tile_overlayer_lowered:
.L_overlay_start_2:
0x46: {  	(tag) =	ssettag $0x2  }
0x47: {  	s0 =	rddreg [dreg:$0x0];
	s2 =	stileid.u32  }
0x48: {  	s1 =	rddreg [dreg:$0x1];
	p0 =	sne.s32 s2, $0x0  }
0x49: {  	s3 =	rddreg [dreg:$0x2];
	[bflag:$0x3] =	sbarrier.arrive $0xFFFF;
	s2 =	simm.s32 @!p0 $0x1C05  }
0x4a: {  	[timem:s3], [sflag:s2] =	dma.local @!p0 [hbm:s0], s1  }
0x4b: {  	s0 =	simm.s32 @!p0 $0x5  }
0x4c: {  	_ =	swait.ge @!p0 [sflag:s0], s1  }
0x4d: {  	s1 =	ssub.s32 @!p0 $0x0, s1;
	[sflag:s0] =	ssyncset.done @!p0 $0x0  }
0x4e: {  	[sflag:s0] =	ssyncadd.s32 @!p0 s1  }
0x4f: {  	[bflag:$0x3] =	sbarrier.arrive $0xFFFF  }
0x50: {  	_ =	shalt  }

</sc_bundles>
